<compile_context>
chip_gen: v7x
topology: tpu7x:2x2x1
jax: 0.10.2.dev20260603
libtpu: 0.0.44.dev20260713+nightly
codegen_flags: <defaults>
</compile_context>

<pallas_src>
import functools

import jax
import jax.numpy as jnp
from jax import lax
from jax.experimental import pallas as pl
from jax.experimental.pallas import tpu as pltpu
from jax.experimental.pallas import tpu_sc as plsc

CLS = 100000
FEAT = 64
BATCH = 16384
NC = 2
NS = 16
L = 16
NW = NC * NS
BW = BATCH // NW
HPT = BATCH // NS
CPAD = 100096
ZCHUNK = CPAD // NS

_MAGIC = 0x5F3759DF


def _sc_body(xs_hbm, ys2_hbm, center_hbm, part_hbm,
             idx_v, idxh_v, ones_v, zeros_v, cnt_v, xs_v, rows_v, acc_v,
             hist_sh, sem, sem2, sem3):
    cid = lax.axis_index("c")
    sid = lax.axis_index("s")
    wid = sid * NC + cid

    pltpu.sync_copy(ys2_hbm.at[pl.ds(wid * (BW // 128), BW // 128)], idx_v)
    pltpu.sync_copy(ys2_hbm.at[pl.ds(sid * (HPT // 128), HPT // 128)], idxh_v)
    @pl.loop(0, ZCHUNK, step=L)
    def _(i):
        zeros_v[pl.ds(i, L)] = jnp.zeros((L,), jnp.float32)

    cp_zero = pltpu.async_copy(zeros_v,
                               hist_sh.at[pl.ds(sid * ZCHUNK, ZCHUNK)], sem3)

    cp_xs = pltpu.async_copy(xs_hbm.at[pl.ds(wid * BW * FEAT, BW * FEAT)],
                             xs_v, sem)

    @pl.loop(0, BW // L)
    def _(g):
        y16 = idx_v[g >> 3, pl.ds((g & 7) * L, L)]
        for k in range(L):
            r = g * L + k
            y = y16[k]
            pltpu.async_copy(center_hbm.at[y >> 3, pl.ds(y & 7, 1)],
                             rows_v.at[r >> 3, pl.ds(r & 7, 1)], sem2)

    @pl.loop(0, 128, step=L)
    def _(i):
        ones_v[pl.ds(i, L)] = jnp.ones((L,), jnp.float32)

    acc_v[...] = jnp.zeros((L,), jnp.float32)

    cp_zero.wait()
    plsc.subcore_barrier()

    for j in range(HPT // 128):
        pltpu.sync_copy(ones_v, hist_sh.at[idxh_v.at[j]], add=True)

    plsc.subcore_barrier()

    for j in range(BW // 128):
        pltpu.sync_copy(hist_sh.at[idx_v.at[j]], cnt_v.at[j])

    pltpu.make_async_copy(center_hbm.at[pl.ds(0, BW // 8)], rows_v,
                          sem2).wait()
    cp_xs.wait()

    @pl.loop(0, BW // L)
    def _(g):
        c16 = cnt_v[g >> 3, pl.ds((g & 7) * L, L)]
        w16 = 0.5 / (c16 + 1.0)
        acc = acc_v[...]
        for k in range(L):
            r = g * L + k
            o = r * FEAT
            x0 = xs_v[pl.ds(o, L)]
            x1 = xs_v[pl.ds(o + L, L)]
            x2 = xs_v[pl.ds(o + 2 * L, L)]
            x3 = xs_v[pl.ds(o + 3 * L, L)]
            sq = (x0 * x0 + x1 * x1) + (x2 * x2 + x3 * x3)
            s = jnp.sum(sq)
            sb = jnp.broadcast_to(s, (L,))
            iv = plsc.bitcast(sb, jnp.int32)
            y = plsc.bitcast(jnp.int32(_MAGIC) - (iv >> 1), jnp.float32)
            hs = 0.5 * sb
            y = y * (1.5 - hs * y * y)
            y = y * (1.5 - hs * y * y)
            rinv = jnp.where(sb < 1e-24, jnp.float32(1e12), y)
            wb = jnp.broadcast_to(w16[k], (L,))
            rh, rl = r >> 3, r & 7
            d0 = x0 * rinv - rows_v[rh, rl, pl.ds(0, L)]
            d1 = x1 * rinv - rows_v[rh, rl, pl.ds(L, L)]
            d2 = x2 * rinv - rows_v[rh, rl, pl.ds(2 * L, L)]
            d3 = x3 * rinv - rows_v[rh, rl, pl.ds(3 * L, L)]
            dsq = (d0 * d0 + d1 * d1) + (d2 * d2 + d3 * d3)
            acc = acc + wb * dsq
        acc_v[...] = acc

    pltpu.sync_copy(acc_v, part_hbm.at[wid])


_cp = pltpu.CompilerParams(
    needs_layout_passes=False,
    use_tc_tiling_on_sc=True,
)

_sc_loss = functools.partial(
    pl.kernel,
    out_type=jax.ShapeDtypeStruct((NW, L), jnp.float32),
    mesh=plsc.VectorSubcoreMesh(
        core_axis_name="c", subcore_axis_name="s",
        num_cores=NC, num_subcores=NS),
    compiler_params=_cp,
    scratch_types=[
        pltpu.VMEM((BW // 128, 128), jnp.int32),
        pltpu.VMEM((HPT // 128, 128), jnp.int32),
        pltpu.VMEM((128,), jnp.float32),
        pltpu.VMEM((ZCHUNK,), jnp.float32),
        pltpu.VMEM((BW // 128, 128), jnp.float32),
        pltpu.VMEM((BW * FEAT,), jnp.float32),
        pltpu.VMEM((BW // 8, 8, FEAT), jnp.float32),
        pltpu.VMEM((L,), jnp.float32),
        pltpu.VMEM_SHARED((CPAD,), jnp.float32),
        pltpu.SemaphoreType.DMA,
        pltpu.SemaphoreType.DMA,
        pltpu.SemaphoreType.DMA,
    ],
)(_sc_body)


def _tc_sum_body(p_ref, o_ref):
    o_ref[...] = jnp.sum(p_ref[...])[None, None]


def _tc_sum(parts):
    return pl.pallas_call(
        _tc_sum_body,
        out_shape=jax.ShapeDtypeStruct((1, 1), jnp.float32),
    )(parts)


def kernel(xs, ys, center):
    ys2 = ys.astype(jnp.int32).reshape(128, 128)
    xs_flat = xs.reshape(BATCH * FEAT)
    center3 = center.reshape(CLS // 8, 8, FEAT)
    parts = _sc_loss(xs_flat, ys2, center3)
    return _tc_sum(parts)[0, 0]

# --- scband reference (transcript-rebuilt; emitter-appended) ---
"""Pipeline reference for scband-center-loss-83296595739395 (READ-ONLY COPY).

The authoritative reference and input builder live on the scoring server;
editing this copy changes nothing except your own understanding.
"""

import jax, jax.numpy as jnp
import numpy as np

CLS_NUM = 100000
FEAT = 64
BATCH = 16384


def setup_inputs(seed: int = 0) -> dict:
    key = jax.random.key(seed)
    k1, k2, k3 = jax.random.split(key, 3)
    xs = jax.random.normal(k1, (BATCH, FEAT), dtype=jnp.float32)
    ys = jax.random.randint(k2, (BATCH,), 0, CLS_NUM, dtype=jnp.int32)
    # learned parameter: center table, initialized like torch.rand
    center = jax.random.uniform(k3, (CLS_NUM, FEAT), dtype=jnp.float32)
    return {"xs": xs, "ys": ys, "center": center}


def reference(xs, ys, center):
    # F.normalize(xs): L2-normalize rows with eps=1e-12
    norm = jnp.linalg.norm(xs, axis=1, keepdims=True)
    xs_n = xs / jnp.maximum(norm, 1e-12)
    y = ys.astype(jnp.int32)
    # center.index_select(0, y) -> gather rows
    center_exp = jnp.take(center, y, axis=0)
    # t.histc(ys, bins=cls_num, min=0, max=cls_num-1) over integer labels == bincount
    count = jnp.bincount(y, length=CLS_NUM)
    count_dis = jnp.take(count, y, axis=0).astype(jnp.float32) + 1.0
    loss = jnp.sum(jnp.sum((xs_n - center_exp) ** 2, axis=1) / 2.0 / count_dis)
    return loss

if __name__ == "__main__":
    import jax
    _d = setup_inputs()
    print(jax.jit(kernel)(*tuple(_d.values())))

</pallas_src>

<mosaic_0001>
#map = affine_map<(d0, d1) -> (0)>
#map1 = affine_map<(d0, d1) -> (0, 0)>
#map2 = affine_map<(d0, d1) -> (0, 0, 0)>
module attributes {stable_mosaic.version = 14 : i64} {
  func.func @_sc_body(%arg0: i32, %arg1: i32, %arg2: memref<1048576xf32, #tpu.memory_space<hbm>>, %arg3: memref<128x128xi32, #tpu.memory_space<hbm>>, %arg4: memref<12500x8x64xf32, #tpu.memory_space<hbm>>, %arg5: memref<32x16xf32, #tpu.memory_space<hbm>>, %arg6: memref<4x128xi32, #tpu.memory_space<vmem>>, %arg7: memref<8x128xi32, #tpu.memory_space<vmem>>, %arg8: memref<128xf32, #tpu.memory_space<vmem>>, %arg9: memref<6256xf32, #tpu.memory_space<vmem>>, %arg10: memref<4x128xf32, #tpu.memory_space<vmem>>, %arg11: memref<32768xf32, #tpu.memory_space<vmem>>, %arg12: memref<64x8x64xf32, #tpu.memory_space<vmem>>, %arg13: memref<16xf32, #tpu.memory_space<vmem>>, %arg14: memref<100096xf32, #tpu.memory_space<vmem_shared>>, %arg15: memref<!tpu.dma_semaphore, #tpu.memory_space<semaphore_mem>>, %arg16: memref<!tpu.dma_semaphore, #tpu.memory_space<semaphore_mem>>, %arg17: memref<!tpu.dma_semaphore, #tpu.memory_space<semaphore_mem>>) attributes {dimension_semantics = [#tpu.dimension_semantics<core_parallel>, #tpu.dimension_semantics<subcore_parallel>], iteration_bounds = array<i64: 2, 16>, scalar_prefetch = 0 : i64, scratch_operands = 12 : i64, tpu.core_type = #tpu.core_type<sc_vector_subcore>, window_params = [{transform_indices = #map}, {transform_indices = #map1}, {transform_indices = #map2}, {transform_indices = #map1}]} {
    %mul3A = arith.constant 2 : i32
    %mul3A_0 = arith.muli %arg1, %mul3A : i32
    %add3A = arith.addi %mul3A_0, %arg0 : i32
    %mul3A_1 = arith.constant 4 : i32
    %mul3A_2 = arith.muli %add3A, %mul3A_1 : i32
    "tpu.region"() ({
      %run_scoped3A_62 = tpu.sem_alloc : memref<!tpu.dma_semaphore, #tpu.memory_space<semaphore_mem>>
      %dma_start3A_63 = arith.constant 0 : i32
      %dma_start3A_64 = tpu.memref_slice %arg3[%mul3A_2, %dma_start3A_63] : memref<128x128xi32, #tpu.memory_space<hbm>> -> memref<4x128xi32, #tpu.memory_space<hbm>>
      %dma_start3A_65 = arith.constant 0 : i32
      %dma_start3A_66 = tpu.memref_slice %arg3[%mul3A_2, %dma_start3A_65] : memref<128x128xi32, #tpu.memory_space<hbm>> -> memref<4x128xi32, #tpu.memory_space<hbm>>
      tpu.enqueue_dma source(%dma_start3A_66 : memref<4x128xi32, #tpu.memory_space<hbm>>) target(%arg6 : memref<4x128xi32, #tpu.memory_space<vmem>>) target_semaphore(%run_scoped3A_62 : memref<!tpu.dma_semaphore, #tpu.memory_space<semaphore_mem>>)
      %dma_wait3A_67 = arith.constant 0 : i32
      %dma_wait3A_68 = tpu.memref_slice %arg3[%mul3A_2, %dma_wait3A_67] : memref<128x128xi32, #tpu.memory_space<hbm>> -> memref<4x128xi32, #tpu.memory_space<hbm>>
      %dma_wait3A_69 = arith.constant 0 : i32
      %dma_wait3A_70 = tpu.memref_slice %arg3[%mul3A_2, %dma_wait3A_69] : memref<128x128xi32, #tpu.memory_space<hbm>> -> memref<4x128xi32, #tpu.memory_space<hbm>>
      tpu.wait_dma2 semaphore(%run_scoped3A_62 : memref<!tpu.dma_semaphore, #tpu.memory_space<semaphore_mem>>) src(%dma_wait3A_70 : memref<4x128xi32, #tpu.memory_space<hbm>>) dst(%arg6 : memref<4x128xi32, #tpu.memory_space<vmem>>)
      tpu.yield
    }) : () -> ()
    %mul3A_3 = arith.constant 8 : i32
    %mul3A_4 = arith.muli %arg1, %mul3A_3 : i32
    "tpu.region"() ({
      %run_scoped3A_62 = tpu.sem_alloc : memref<!tpu.dma_semaphore, #tpu.memory_space<semaphore_mem>>
      %dma_start3A_63 = arith.constant 0 : i32
      %dma_start3A_64 = tpu.memref_slice %arg3[%mul3A_4, %dma_start3A_63] : memref<128x128xi32, #tpu.memory_space<hbm>> -> memref<8x128xi32, #tpu.memory_space<hbm>>
      %dma_start3A_65 = arith.constant 0 : i32
      %dma_start3A_66 = tpu.memref_slice %arg3[%mul3A_4, %dma_start3A_65] : memref<128x128xi32, #tpu.memory_space<hbm>> -> memref<8x128xi32, #tpu.memory_space<hbm>>
      tpu.enqueue_dma source(%dma_start3A_66 : memref<8x128xi32, #tpu.memory_space<hbm>>) target(%arg7 : memref<8x128xi32, #tpu.memory_space<vmem>>) target_semaphore(%run_scoped3A_62 : memref<!tpu.dma_semaphore, #tpu.memory_space<semaphore_mem>>)
      %dma_wait3A_67 = arith.constant 0 : i32
      %dma_wait3A_68 = tpu.memref_slice %arg3[%mul3A_4, %dma_wait3A_67] : memref<128x128xi32, #tpu.memory_space<hbm>> -> memref<8x128xi32, #tpu.memory_space<hbm>>
      %dma_wait3A_69 = arith.constant 0 : i32
      %dma_wait3A_70 = tpu.memref_slice %arg3[%mul3A_4, %dma_wait3A_69] : memref<128x128xi32, #tpu.memory_space<hbm>> -> memref<8x128xi32, #tpu.memory_space<hbm>>
      tpu.wait_dma2 semaphore(%run_scoped3A_62 : memref<!tpu.dma_semaphore, #tpu.memory_space<semaphore_mem>>) src(%dma_wait3A_70 : memref<8x128xi32, #tpu.memory_space<hbm>>) dst(%arg7 : memref<8x128xi32, #tpu.memory_space<vmem>>)
      tpu.yield
    }) : () -> ()
    %scan3A = arith.constant 0 : i32
    %scan3A_5 = arith.constant 391 : i32
    %scan3A_6 = arith.addi %scan3A, %scan3A_5 : i32
    %scan3A_7 = arith.constant 1 : i32
    scf.for %scan3A_62 = %scan3A to %scan3A_6 step %scan3A_7  : i32 {
      %mul3A_63 = arith.constant 16 : i32
      %mul3A_64 = arith.muli %scan3A_62, %mul3A_63 : i32
      %add3A_65 = arith.constant 0 : i32
      %add3A_66 = arith.addi %add3A_65, %mul3A_64 : i32
      %broadcast_in_dim3A_67 = arith.constant 0.000000e+00 : f32
      %broadcast_in_dim3A_68 = vector.broadcast %broadcast_in_dim3A_67 : f32 to vector<16xf32>
      %swap3A_69 = arith.index_cast %add3A_66 : i32 to index
      %swap3A_70 = tpu.vector_load %arg9[%swap3A_69] {strides = array<i32>} : memref<6256xf32, #tpu.memory_space<vmem>>, vector<16xf32>,
      tpu.vector_store %arg9[%swap3A_69], %broadcast_in_dim3A_68 {strides = array<i32>} : memref<6256xf32, #tpu.memory_space<vmem>>, vector<16xf32>,
    }
    %scan3A_8 = arith.constant 391 : i32
    %mul3A_9 = arith.constant 6256 : i32
    %mul3A_10 = arith.muli %arg1, %mul3A_9 : i32
    %dma_start3A = tpu.memref_slice %arg14[%mul3A_10] : memref<100096xf32, #tpu.memory_space<vmem_shared>> -> memref<6256xf32, #tpu.memory_space<vmem_shared>>
    %dma_start3A_11 = tpu.memref_slice %arg14[%mul3A_10] : memref<100096xf32, #tpu.memory_space<vmem_shared>> -> memref<6256xf32, #tpu.memory_space<vmem_shared>>
    tpu.enqueue_dma source(%arg9 : memref<6256xf32, #tpu.memory_space<vmem>>) target(%dma_start3A_11 : memref<6256xf32, #tpu.memory_space<vmem_shared>>) target_semaphore(%arg17 : memref<!tpu.dma_semaphore, #tpu.memory_space<semaphore_mem>>)
    %mul3A_12 = arith.constant 512 : i32
    %mul3A_13 = arith.muli %add3A, %mul3A_12 : i32
    %mul3A_14 = arith.constant 64 : i32
    %mul3A_15 = arith.muli %mul3A_13, %mul3A_14 : i32
    %dma_start3A_16 = tpu.memref_slice %arg2[%mul3A_15] : memref<1048576xf32, #tpu.memory_space<hbm>> -> memref<32768xf32, #tpu.memory_space<hbm>>
    %dma_start3A_17 = tpu.memref_slice %arg2[%mul3A_15] : memref<1048576xf32, #tpu.memory_space<hbm>> -> memref<32768xf32, #tpu.memory_space<hbm>>
    tpu.enqueue_dma source(%dma_start3A_17 : memref<32768xf32, #tpu.memory_space<hbm>>) target(%arg11 : memref<32768xf32, #tpu.memory_space<vmem>>) target_semaphore(%arg15 : memref<!tpu.dma_semaphore, #tpu.memory_space<semaphore_mem>>)
    %scan3A_18 = arith.constant 0 : i32
    %scan3A_19 = arith.constant 32 : i32
    %scan3A_20 = arith.addi %scan3A_18, %scan3A_19 : i32
    %scan3A_21 = arith.constant 1 : i32
    scf.for %scan3A_62 = %scan3A_18 to %scan3A_20 step %scan3A_21  : i32 {
      %mul3A_63 = arith.constant 1 : i32
      %mul3A_64 = arith.muli %scan3A_62, %mul3A_63 : i32
      %add3A_65 = arith.constant 0 : i32
      %add3A_66 = arith.addi %add3A_65, %mul3A_64 : i32
      %shift_right_arithmetic3A = arith.constant 3 : i32
      %shift_right_arithmetic3A_67 = arith.shrsi %add3A_66, %shift_right_arithmetic3A : i32
      %and3A = arith.constant 7 : i32
      %and3A_68 = arith.andi %add3A_66, %and3A : i32
      %mul3A_69 = arith.constant 16 : i32
      %mul3A_70 = arith.muli %and3A_68, %mul3A_69 : i32
      %get3A = arith.index_cast %shift_right_arithmetic3A_67 : i32 to index
      %get3A_71 = arith.index_cast %mul3A_70 : i32 to index
      %get3A_72 = tpu.vector_load %arg6[%get3A, %get3A_71] {strides = array<i32>} : memref<4x128xi32, #tpu.memory_space<vmem>>, vector<16xi32>,
      %mul3A_73 = arith.constant 16 : i32
      %mul3A_74 = arith.muli %add3A_66, %mul3A_73 : i32
      %add3A_75 = arith.constant 0 : i32
      %add3A_76 = arith.addi %mul3A_74, %add3A_75 : i32
      %slice3A = vector.extract_strided_slice %get3A_72 {offsets = [0], sizes = [1], strides = [1]} : vector<16xi32> to vector<1xi32>
      %squeeze3A = vector.extract %slice3A[0] : i32 from vector<1xi32>
      %shift_right_arithmetic3A_77 = arith.constant 3 : i32
      %shift_right_arithmetic3A_78 = arith.shrsi %squeeze3A, %shift_right_arithmetic3A_77 : i32
      %and3A_79 = arith.constant 7 : i32
      %and3A_80 = arith.andi %squeeze3A, %and3A_79 : i32
      %shift_right_arithmetic3A_81 = arith.constant 3 : i32
      %shift_right_arithmetic3A_82 = arith.shrsi %add3A_76, %shift_right_arithmetic3A_81 : i32
      %and3A_83 = arith.constant 7 : i32
      %and3A_84 = arith.andi %add3A_76, %and3A_83 : i32
      %dma_start3A_85 = arith.constant 0 : i32
      %dma_start3A_86 = tpu.memref_slice %arg12[%shift_right_arithmetic3A_82, %and3A_84, %dma_start3A_85] : memref<64x8x64xf32, #tpu.memory_space<vmem>> -> memref<1x1x64xf32, #tpu.memory_space<vmem>>
      %dma_start3A_87 = tpu.memref_squeeze %dma_start3A_86 : memref<1x1x64xf32, #tpu.memory_space<vmem>> -> memref<1x64xf32, #tpu.memory_space<vmem>>
      %dma_start3A_88 = arith.constant 0 : i32
      %dma_start3A_89 = tpu.memref_slice %arg4[%shift_right_arithmetic3A_78, %and3A_80, %dma_start3A_88] : memref<12500x8x64xf32, #tpu.memory_space<hbm>> -> memref<1x1x64xf32, #tpu.memory_space<hbm>>
      %dma_start3A_90 = tpu.memref_squeeze %dma_start3A_89 : memref<1x1x64xf32, #tpu.memory_space<hbm>> -> memref<1x64xf32, #tpu.memory_space<hbm>>
      %dma_start3A_91 = arith.constant 0 : i32
      %dma_start3A_92 = tpu.memref_slice %arg12[%shift_right_arithmetic3A_82, %and3A_84, %dma_start3A_91] : memref<64x8x64xf32, #tpu.memory_space<vmem>> -> memref<1x1x64xf32, #tpu.memory_space<vmem>>
      %dma_start3A_93 = tpu.memref_squeeze %dma_start3A_92 : memref<1x1x64xf32, #tpu.memory_space<vmem>> -> memref<1x64xf32, #tpu.memory_space<vmem>>
      %dma_start3A_94 = arith.constant 0 : i32
      %dma_start3A_95 = tpu.memref_slice %arg4[%shift_right_arithmetic3A_78, %and3A_80, %dma_start3A_94] : memref<12500x8x64xf32, #tpu.memory_space<hbm>> -> memref<1x1x64xf32, #tpu.memory_space<hbm>>
      %dma_start3A_96 = tpu.memref_squeeze %dma_start3A_95 : memref<1x1x64xf32, #tpu.memory_space<hbm>> -> memref<1x64xf32, #tpu.memory_space<hbm>>
      tpu.enqueue_dma source(%dma_start3A_96 : memref<1x64xf32, #tpu.memory_space<hbm>>) target(%dma_start3A_93 : memref<1x64xf32, #tpu.memory_space<vmem>>) target_semaphore(%arg16 : memref<!tpu.dma_semaphore, #tpu.memory_space<semaphore_mem>>)
      %mul3A_97 = arith.constant 16 : i32
      %mul3A_98 = arith.muli %add3A_66, %mul3A_97 : i32
      %add3A_99 = arith.constant 1 : i32
      %add3A_100 = arith.addi %mul3A_98, %add3A_99 : i32
      %slice3A_101 = vector.extract_strided_slice %get3A_72 {offsets = [1], sizes = [1], strides = [1]} : vector<16xi32> to vector<1xi32>
      %squeeze3A_102 = vector.extract %slice3A_101[0] : i32 from vector<1xi32>
      %shift_right_arithmetic3A_103 = arith.constant 3 : i32
      %shift_right_arithmetic3A_104 = arith.shrsi %squeeze3A_102, %shift_right_arithmetic3A_103 : i32
      %and3A_105 = arith.constant 7 : i32
      %and3A_106 = arith.andi %squeeze3A_102, %and3A_105 : i32
      %shift_right_arithmetic3A_107 = arith.constant 3 : i32
      %shift_right_arithmetic3A_108 = arith.shrsi %add3A_100, %shift_right_arithmetic3A_107 : i32
      %and3A_109 = arith.constant 7 : i32
      %and3A_110 = arith.andi %add3A_100, %and3A_109 : i32
      %dma_start3A_111 = arith.constant 0 : i32
      %dma_start3A_112 = tpu.memref_slice %arg12[%shift_right_arithmetic3A_108, %and3A_110, %dma_start3A_111] : memref<64x8x64xf32, #tpu.memory_space<vmem>> -> memref<1x1x64xf32, #tpu.memory_space<vmem>>
      %dma_start3A_113 = tpu.memref_squeeze %dma_start3A_112 : memref<1x1x64xf32, #tpu.memory_space<vmem>> -> memref<1x64xf32, #tpu.memory_space<vmem>>
      %dma_start3A_114 = arith.constant 0 : i32
      %dma_start3A_115 = tpu.memref_slice %arg4[%shift_right_arithmetic3A_104, %and3A_106, %dma_start3A_114] : memref<12500x8x64xf32, #tpu.memory_space<hbm>> -> memref<1x1x64xf32, #tpu.memory_space<hbm>>
      %dma_start3A_116 = tpu.memref_squeeze %dma_start3A_115 : memref<1x1x64xf32, #tpu.memory_space<hbm>> -> memref<1x64xf32, #tpu.memory_space<hbm>>
      %dma_start3A_117 = arith.constant 0 : i32
      %dma_start3A_118 = tpu.memref_slice %arg12[%shift_right_arithmetic3A_108, %and3A_110, %dma_start3A_117] : memref<64x8x64xf32, #tpu.memory_space<vmem>> -> memref<1x1x64xf32, #tpu.memory_space<vmem>>
      %dma_start3A_119 = tpu.memref_squeeze %dma_start3A_118 : memref<1x1x64xf32, #tpu.memory_space<vmem>> -> memref<1x64xf32, #tpu.memory_space<vmem>>
      %dma_start3A_120 = arith.constant 0 : i32
      %dma_start3A_121 = tpu.memref_slice %arg4[%shift_right_arithmetic3A_104, %and3A_106, %dma_start3A_120] : memref<12500x8x64xf32, #tpu.memory_space<hbm>> -> memref<1x1x64xf32, #tpu.memory_space<hbm>>
      %dma_start3A_122 = tpu.memref_squeeze %dma_start3A_121 : memref<1x1x64xf32, #tpu.memory_space<hbm>> -> memref<1x64xf32, #tpu.memory_space<hbm>>
      tpu.enqueue_dma source(%dma_start3A_122 : memref<1x64xf32, #tpu.memory_space<hbm>>) target(%dma_start3A_119 : memref<1x64xf32, #tpu.memory_space<vmem>>) target_semaphore(%arg16 : memref<!tpu.dma_semaphore, #tpu.memory_space<semaphore_mem>>)
      %mul3A_123 = arith.constant 16 : i32
      %mul3A_124 = arith.muli %add3A_66, %mul3A_123 : i32
      %add3A_125 = arith.constant 2 : i32
      %add3A_126 = arith.addi %mul3A_124, %add3A_125 : i32
      %slice3A_127 = vector.extract_strided_slice %get3A_72 {offsets = [2], sizes = [1], strides = [1]} : vector<16xi32> to vector<1xi32>
      %squeeze3A_128 = vector.extract %slice3A_127[0] : i32 from vector<1xi32>
      %shift_right_arithmetic3A_129 = arith.constant 3 : i32
      %shift_right_arithmetic3A_130 = arith.shrsi %squeeze3A_128, %shift_right_arithmetic3A_129 : i32
      %and3A_131 = arith.constant 7 : i32
      %and3A_132 = arith.andi %squeeze3A_128, %and3A_131 : i32
      %shift_right_arithmetic3A_133 = arith.constant 3 : i32
      %shift_right_arithmetic3A_134 = arith.shrsi %add3A_126, %shift_right_arithmetic3A_133 : i32
      %and3A_135 = arith.constant 7 : i32
      %and3A_136 = arith.andi %add3A_126, %and3A_135 : i32
      %dma_start3A_137 = arith.constant 0 : i32
      %dma_start3A_138 = tpu.memref_slice %arg12[%shift_right_arithmetic3A_134, %and3A_136, %dma_start3A_137] : memref<64x8x64xf32, #tpu.memory_space<vmem>> -> memref<1x1x64xf32, #tpu.memory_space<vmem>>
      %dma_start3A_139 = tpu.memref_squeeze %dma_start3A_138 : memref<1x1x64xf32, #tpu.memory_space<vmem>> -> memref<1x64xf32, #tpu.memory_space<vmem>>
      %dma_start3A_140 = arith.constant 0 : i32
      %dma_start3A_141 = tpu.memref_slice %arg4[%shift_right_arithmetic3A_130, %and3A_132, %dma_start3A_140] : memref<12500x8x64xf32, #tpu.memory_space<hbm>> -> memref<1x1x64xf32, #tpu.memory_space<hbm>>
      %dma_start3A_142 = tpu.memref_squeeze %dma_start3A_141 : memref<1x1x64xf32, #tpu.memory_space<hbm>> -> memref<1x64xf32, #tpu.memory_space<hbm>>
      %dma_start3A_143 = arith.constant 0 : i32
      %dma_start3A_144 = tpu.memref_slice %arg12[%shift_right_arithmetic3A_134, %and3A_136, %dma_start3A_143] : memref<64x8x64xf32, #tpu.memory_space<vmem>> -> memref<1x1x64xf32, #tpu.memory_space<vmem>>
      %dma_start3A_145 = tpu.memref_squeeze %dma_start3A_144 : memref<1x1x64xf32, #tpu.memory_space<vmem>> -> memref<1x64xf32, #tpu.memory_space<vmem>>
      %dma_start3A_146 = arith.constant 0 : i32
      %dma_start3A_147 = tpu.memref_slice %arg4[%shift_right_arithmetic3A_130, %and3A_132, %dma_start3A_146] : memref<12500x8x64xf32, #tpu.memory_space<hbm>> -> memref<1x1x64xf32, #tpu.memory_space<hbm>>
      %dma_start3A_148 = tpu.memref_squeeze %dma_start3A_147 : memref<1x1x64xf32, #tpu.memory_space<hbm>> -> memref<1x64xf32, #tpu.memory_space<hbm>>
      tpu.enqueue_dma source(%dma_start3A_148 : memref<1x64xf32, #tpu.memory_space<hbm>>) target(%dma_start3A_145 : memref<1x64xf32, #tpu.memory_space<vmem>>) target_semaphore(%arg16 : memref<!tpu.dma_semaphore, #tpu.memory_space<semaphore_mem>>)
      %mul3A_149 = arith.constant 16 : i32
      %mul3A_150 = arith.muli %add3A_66, %mul3A_149 : i32
      %add3A_151 = arith.constant 3 : i32
      %add3A_152 = arith.addi %mul3A_150, %add3A_151 : i32
      %slice3A_153 = vector.extract_strided_slice %get3A_72 {offsets = [3], sizes = [1], strides = [1]} : vector<16xi32> to vector<1xi32>
      %squeeze3A_154 = vector.extract %slice3A_153[0] : i32 from vector<1xi32>
      %shift_right_arithmetic3A_155 = arith.constant 3 : i32
      %shift_right_arithmetic3A_156 = arith.shrsi %squeeze3A_154, %shift_right_arithmetic3A_155 : i32
      %and3A_157 = arith.constant 7 : i32
      %and3A_158 = arith.andi %squeeze3A_154, %and3A_157 : i32
      %shift_right_arithmetic3A_159 = arith.constant 3 : i32
      %shift_right_arithmetic3A_160 = arith.shrsi %add3A_152, %shift_right_arithmetic3A_159 : i32
      %and3A_161 = arith.constant 7 : i32
      %and3A_162 = arith.andi %add3A_152, %and3A_161 : i32
      %dma_start3A_163 = arith.constant 0 : i32
      %dma_start3A_164 = tpu.memref_slice %arg12[%shift_right_arithmetic3A_160, %and3A_162, %dma_start3A_163] : memref<64x8x64xf32, #tpu.memory_space<vmem>> -> memref<1x1x64xf32, #tpu.memory_space<vmem>>
      %dma_start3A_165 = tpu.memref_squeeze %dma_start3A_164 : memref<1x1x64xf32, #tpu.memory_space<vmem>> -> memref<1x64xf32, #tpu.memory_space<vmem>>
      %dma_start3A_166 = arith.constant 0 : i32
      %dma_start3A_167 = tpu.memref_slice %arg4[%shift_right_arithmetic3A_156, %and3A_158, %dma_start3A_166] : memref<12500x8x64xf32, #tpu.memory_space<hbm>> -> memref<1x1x64xf32, #tpu.memory_space<hbm>>
      %dma_start3A_168 = tpu.memref_squeeze %dma_start3A_167 : memref<1x1x64xf32, #tpu.memory_space<hbm>> -> memref<1x64xf32, #tpu.memory_space<hbm>>
      %dma_start3A_169 = arith.constant 0 : i32
      %dma_start3A_170 = tpu.memref_slice %arg12[%shift_right_arithmetic3A_160, %and3A_162, %dma_start3A_169] : memref<64x8x64xf32, #tpu.memory_space<vmem>> -> memref<1x1x64xf32, #tpu.memory_space<vmem>>
      %dma_start3A_171 = tpu.memref_squeeze %dma_start3A_170 : memref<1x1x64xf32, #tpu.memory_space<vmem>> -> memref<1x64xf32, #tpu.memory_space<vmem>>
      %dma_start3A_172 = arith.constant 0 : i32
      %dma_start3A_173 = tpu.memref_slice %arg4[%shift_right_arithmetic3A_156, %and3A_158, %dma_start3A_172] : memref<12500x8x64xf32, #tpu.memory_space<hbm>> -> memref<1x1x64xf32, #tpu.memory_space<hbm>>
      %dma_start3A_174 = tpu.memref_squeeze %dma_start3A_173 : memref<1x1x64xf32, #tpu.memory_space<hbm>> -> memref<1x64xf32, #tpu.memory_space<hbm>>
      tpu.enqueue_dma source(%dma_start3A_174 : memref<1x64xf32, #tpu.memory_space<hbm>>) target(%dma_start3A_171 : memref<1x64xf32, #tpu.memory_space<vmem>>) target_semaphore(%arg16 : memref<!tpu.dma_semaphore, #tpu.memory_space<semaphore_mem>>)
      %mul3A_175 = arith.constant 16 : i32
      %mul3A_176 = arith.muli %add3A_66, %mul3A_175 : i32
      %add3A_177 = arith.constant 4 : i32
      %add3A_178 = arith.addi %mul3A_176, %add3A_177 : i32
      %slice3A_179 = vector.extract_strided_slice %get3A_72 {offsets = [4], sizes = [1], strides = [1]} : vector<16xi32> to vector<1xi32>
      %squeeze3A_180 = vector.extract %slice3A_179[0] : i32 from vector<1xi32>
      %shift_right_arithmetic3A_181 = arith.constant 3 : i32
      %shift_right_arithmetic3A_182 = arith.shrsi %squeeze3A_180, %shift_right_arithmetic3A_181 : i32
      %and3A_183 = arith.constant 7 : i32
      %and3A_184 = arith.andi %squeeze3A_180, %and3A_183 : i32
      %shift_right_arithmetic3A_185 = arith.constant 3 : i32
      %shift_right_arithmetic3A_186 = arith.shrsi %add3A_178, %shift_right_arithmetic3A_185 : i32
      %and3A_187 = arith.constant 7 : i32
      %and3A_188 = arith.andi %add3A_178, %and3A_187 : i32
      %dma_start3A_189 = arith.constant 0 : i32
      %dma_start3A_190 = tpu.memref_slice %arg12[%shift_right_arithmetic3A_186, %and3A_188, %dma_start3A_189] : memref<64x8x64xf32, #tpu.memory_space<vmem>> -> memref<1x1x64xf32, #tpu.memory_space<vmem>>
      %dma_start3A_191 = tpu.memref_squeeze %dma_start3A_190 : memref<1x1x64xf32, #tpu.memory_space<vmem>> -> memref<1x64xf32, #tpu.memory_space<vmem>>
      %dma_start3A_192 = arith.constant 0 : i32
      %dma_start3A_193 = tpu.memref_slice %arg4[%shift_right_arithmetic3A_182, %and3A_184, %dma_start3A_192] : memref<12500x8x64xf32, #tpu.memory_space<hbm>> -> memref<1x1x64xf32, #tpu.memory_space<hbm>>
      %dma_start3A_194 = tpu.memref_squeeze %dma_start3A_193 : memref<1x1x64xf32, #tpu.memory_space<hbm>> -> memref<1x64xf32, #tpu.memory_space<hbm>>
      %dma_start3A_195 = arith.constant 0 : i32
      %dma_start3A_196 = tpu.memref_slice %arg12[%shift_right_arithmetic3A_186, %and3A_188, %dma_start3A_195] : memref<64x8x64xf32, #tpu.memory_space<vmem>> -> memref<1x1x64xf32, #tpu.memory_space<vmem>>
      %dma_start3A_197 = tpu.memref_squeeze %dma_start3A_196 : memref<1x1x64xf32, #tpu.memory_space<vmem>> -> memref<1x64xf32, #tpu.memory_space<vmem>>
      %dma_start3A_198 = arith.constant 0 : i32
      %dma_start3A_199 = tpu.memref_slice %arg4[%shift_right_arithmetic3A_182, %and3A_184, %dma_start3A_198] : memref<12500x8x64xf32, #tpu.memory_space<hbm>> -> memref<1x1x64xf32, #tpu.memory_space<hbm>>
      %dma_start3A_200 = tpu.memref_squeeze %dma_start3A_199 : memref<1x1x64xf32, #tpu.memory_space<hbm>> -> memref<1x64xf32, #tpu.memory_space<hbm>>
      tpu.enqueue_dma source(%dma_start3A_200 : memref<1x64xf32, #tpu.memory_space<hbm>>) target(%dma_start3A_197 : memref<1x64xf32, #tpu.memory_space<vmem>>) target_semaphore(%arg16 : memref<!tpu.dma_semaphore, #tpu.memory_space<semaphore_mem>>)
      %mul3A_201 = arith.constant 16 : i32
      %mul3A_202 = arith.muli %add3A_66, %mul3A_201 : i32
      %add3A_203 = arith.constant 5 : i32
      %add3A_204 = arith.addi %mul3A_202, %add3A_203 : i32
      %slice3A_205 = vector.extract_strided_slice %get3A_72 {offsets = [5], sizes = [1], strides = [1]} : vector<16xi32> to vector<1xi32>
      %squeeze3A_206 = vector.extract %slice3A_205[0] : i32 from vector<1xi32>
      %shift_right_arithmetic3A_207 = arith.constant 3 : i32
      %shift_right_arithmetic3A_208 = arith.shrsi %squeeze3A_206, %shift_right_arithmetic3A_207 : i32
      %and3A_209 = arith.constant 7 : i32
      %and3A_210 = arith.andi %squeeze3A_206, %and3A_209 : i32
      %shift_right_arithmetic3A_211 = arith.constant 3 : i32
      %shift_right_arithmetic3A_212 = arith.shrsi %add3A_204, %shift_right_arithmetic3A_211 : i32
      %and3A_213 = arith.constant 7 : i32
      %and3A_214 = arith.andi %add3A_204, %and3A_213 : i32
      %dma_start3A_215 = arith.constant 0 : i32
      %dma_start3A_216 = tpu.memref_slice %arg12[%shift_right_arithmetic3A_212, %and3A_214, %dma_start3A_215] : memref<64x8x64xf32, #tpu.memory_space<vmem>> -> memref<1x1x64xf32, #tpu.memory_space<vmem>>
      %dma_start3A_217 = tpu.memref_squeeze %dma_start3A_216 : memref<1x1x64xf32, #tpu.memory_space<vmem>> -> memref<1x64xf32, #tpu.memory_space<vmem>>
      %dma_start3A_218 = arith.constant 0 : i32
      %dma_start3A_219 = tpu.memref_slice %arg4[%shift_right_arithmetic3A_208, %and3A_210, %dma_start3A_218] : memref<12500x8x64xf32, #tpu.memory_space<hbm>> -> memref<1x1x64xf32, #tpu.memory_space<hbm>>
      %dma_start3A_220 = tpu.memref_squeeze %dma_start3A_219 : memref<1x1x64xf32, #tpu.memory_space<hbm>> -> memref<1x64xf32, #tpu.memory_space<hbm>>
      %dma_start3A_221 = arith.constant 0 : i32
      %dma_start3A_222 = tpu.memref_slice %arg12[%shift_right_arithmetic3A_212, %and3A_214, %dma_start3A_221] : memref<64x8x64xf32, #tpu.memory_space<vmem>> -> memref<1x1x64xf32, #tpu.memory_space<vmem>>
      %dma_start3A_223 = tpu.memref_squeeze %dma_start3A_222 : memref<1x1x64xf32, #tpu.memory_space<vmem>> -> memref<1x64xf32, #tpu.memory_space<vmem>>
      %dma_start3A_224 = arith.constant 0 : i32
      %dma_start3A_225 = tpu.memref_slice %arg4[%shift_right_arithmetic3A_208, %and3A_210, %dma_start3A_224] : memref<12500x8x64xf32, #tpu.memory_space<hbm>> -> memref<1x1x64xf32, #tpu.memory_space<hbm>>
      %dma_start3A_226 = tpu.memref_squeeze %dma_start3A_225 : memref<1x1x64xf32, #tpu.memory_space<hbm>> -> memref<1x64xf32, #tpu.memory_space<hbm>>
      tpu.enqueue_dma source(%dma_start3A_226 : memref<1x64xf32, #tpu.memory_space<hbm>>) target(%dma_start3A_223 : memref<1x64xf32, #tpu.memory_space<vmem>>) target_semaphore(%arg16 : memref<!tpu.dma_semaphore, #tpu.memory_space<semaphore_mem>>)
      %mul3A_227 = arith.constant 16 : i32
      %mul3A_228 = arith.muli %add3A_66, %mul3A_227 : i32
      %add3A_229 = arith.constant 6 : i32
      %add3A_230 = arith.addi %mul3A_228, %add3A_229 : i32
      %slice3A_231 = vector.extract_strided_slice %get3A_72 {offsets = [6], sizes = [1], strides = [1]} : vector<16xi32> to vector<1xi32>
      %squeeze3A_232 = vector.extract %slice3A_231[0] : i32 from vector<1xi32>
      %shift_right_arithmetic3A_233 = arith.constant 3 : i32
      %shift_right_arithmetic3A_234 = arith.shrsi %squeeze3A_232, %shift_right_arithmetic3A_233 : i32
      %and3A_235 = arith.constant 7 : i32
      %and3A_236 = arith.andi %squeeze3A_232, %and3A_235 : i32
      %shift_right_arithmetic3A_237 = arith.constant 3 : i32
      %shift_right_arithmetic3A_238 = arith.shrsi %add3A_230, %shift_right_arithmetic3A_237 : i32
      %and3A_239 = arith.constant 7 : i32
      %and3A_240 = arith.andi %add3A_230, %and3A_239 : i32
      %dma_start3A_241 = arith.constant 0 : i32
      %dma_start3A_242 = tpu.memref_slice %arg12[%shift_right_arithmetic3A_238, %and3A_240, %dma_start3A_241] : memref<64x8x64xf32, #tpu.memory_space<vmem>> -> memref<1x1x64xf32, #tpu.memory_space<vmem>>
      %dma_start3A_243 = tpu.memref_squeeze %dma_start3A_242 : memref<1x1x64xf32, #tpu.memory_space<vmem>> -> memref<1x64xf32, #tpu.memory_space<vmem>>
      %dma_start3A_244 = arith.constant 0 : i32
      %dma_start3A_245 = tpu.memref_slice %arg4[%shift_right_arithmetic3A_234, %and3A_236, %dma_start3A_244] : memref<12500x8x64xf32, #tpu.memory_space<hbm>> -> memref<1x1x64xf32, #tpu.memory_space<hbm>>
      %dma_start3A_246 = tpu.memref_squeeze %dma_start3A_245 : memref<1x1x64xf32, #tpu.memory_space<hbm>> -> memref<1x64xf32, #tpu.memory_space<hbm>>
      %dma_start3A_247 = arith.constant 0 : i32
      %dma_start3A_248 = tpu.memref_slice %arg12[%shift_right_arithmetic3A_238, %and3A_240, %dma_start3A_247] : memref<64x8x64xf32, #tpu.memory_space<vmem>> -> memref<1x1x64xf32, #tpu.memory_space<vmem>>
      %dma_start3A_249 = tpu.memref_squeeze %dma_start3A_248 : memref<1x1x64xf32, #tpu.memory_space<vmem>> -> memref<1x64xf32, #tpu.memory_space<vmem>>
      %dma_start3A_250 = arith.constant 0 : i32
      %dma_start3A_251 = tpu.memref_slice %arg4[%shift_right_arithmetic3A_234, %and3A_236, %dma_start3A_250] : memref<12500x8x64xf32, #tpu.memory_space<hbm>> -> memref<1x1x64xf32, #tpu.memory_space<hbm>>
      %dma_start3A_252 = tpu.memref_squeeze %dma_start3A_251 : memref<1x1x64xf32, #tpu.memory_space<hbm>> -> memref<1x64xf32, #tpu.memory_space<hbm>>
      tpu.enqueue_dma source(%dma_start3A_252 : memref<1x64xf32, #tpu.memory_space<hbm>>) target(%dma_start3A_249 : memref<1x64xf32, #tpu.memory_space<vmem>>) target_semaphore(%arg16 : memref<!tpu.dma_semaphore, #tpu.memory_space<semaphore_mem>>)
      %mul3A_253 = arith.constant 16 : i32
      %mul3A_254 = arith.muli %add3A_66, %mul3A_253 : i32
      %add3A_255 = arith.constant 7 : i32
      %add3A_256 = arith.addi %mul3A_254, %add3A_255 : i32
      %slice3A_257 = vector.extract_strided_slice %get3A_72 {offsets = [7], sizes = [1], strides = [1]} : vector<16xi32> to vector<1xi32>
      %squeeze3A_258 = vector.extract %slice3A_257[0] : i32 from vector<1xi32>
      %shift_right_arithmetic3A_259 = arith.constant 3 : i32
      %shift_right_arithmetic3A_260 = arith.shrsi %squeeze3A_258, %shift_right_arithmetic3A_259 : i32
      %and3A_261 = arith.constant 7 : i32
      %and3A_262 = arith.andi %squeeze3A_258, %and3A_261 : i32
      %shift_right_arithmetic3A_263 = arith.constant 3 : i32
      %shift_right_arithmetic3A_264 = arith.shrsi %add3A_256, %shift_right_arithmetic3A_263 : i32
      %and3A_265 = arith.constant 7 : i32
      %and3A_266 = arith.andi %add3A_256, %and3A_265 : i32
      %dma_start3A_267 = arith.constant 0 : i32
      %dma_start3A_268 = tpu.memref_slice %arg12[%shift_right_arithmetic3A_264, %and3A_266, %dma_start3A_267] : memref<64x8x64xf32, #tpu.memory_space<vmem>> -> memref<1x1x64xf32, #tpu.memory_space<vmem>>
      %dma_start3A_269 = tpu.memref_squeeze %dma_start3A_268 : memref<1x1x64xf32, #tpu.memory_space<vmem>> -> memref<1x64xf32, #tpu.memory_space<vmem>>
      %dma_start3A_270 = arith.constant 0 : i32
      %dma_start3A_271 = tpu.memref_slice %arg4[%shift_right_arithmetic3A_260, %and3A_262, %dma_start3A_270] : memref<12500x8x64xf32, #tpu.memory_space<hbm>> -> memref<1x1x64xf32, #tpu.memory_space<hbm>>
      %dma_start3A_272 = tpu.memref_squeeze %dma_start3A_271 : memref<1x1x64xf32, #tpu.memory_space<hbm>> -> memref<1x64xf32, #tpu.memory_space<hbm>>
      %dma_start3A_273 = arith.constant 0 : i32
      %dma_start3A_274 = tpu.memref_slice %arg12[%shift_right_arithmetic3A_264, %and3A_266, %dma_start3A_273] : memref<64x8x64xf32, #tpu.memory_space<vmem>> -> memref<1x1x64xf32, #tpu.memory_space<vmem>>
      %dma_start3A_275 = tpu.memref_squeeze %dma_start3A_274 : memref<1x1x64xf32, #tpu.memory_space<vmem>> -> memref<1x64xf32, #tpu.memory_space<vmem>>
      %dma_start3A_276 = arith.constant 0 : i32
      %dma_start3A_277 = tpu.memref_slice %arg4[%shift_right_arithmetic3A_260, %and3A_262, %dma_start3A_276] : memref<12500x8x64xf32, #tpu.memory_space<hbm>> -> memref<1x1x64xf32, #tpu.memory_space<hbm>>
      %dma_start3A_278 = tpu.memref_squeeze %dma_start3A_277 : memref<1x1x64xf32, #tpu.memory_space<hbm>> -> memref<1x64xf32, #tpu.memory_space<hbm>>
      tpu.enqueue_dma source(%dma_start3A_278 : memref<1x64xf32, #tpu.memory_space<hbm>>) target(%dma_start3A_275 : memref<1x64xf32, #tpu.memory_space<vmem>>) target_semaphore(%arg16 : memref<!tpu.dma_semaphore, #tpu.memory_space<semaphore_mem>>)
      %mul3A_279 = arith.constant 16 : i32
      %mul3A_280 = arith.muli %add3A_66, %mul3A_279 : i32
      %add3A_281 = arith.constant 8 : i32
      %add3A_282 = arith.addi %mul3A_280, %add3A_281 : i32
      %slice3A_283 = vector.extract_strided_slice %get3A_72 {offsets = [8], sizes = [1], strides = [1]} : vector<16xi32> to vector<1xi32>
      %squeeze3A_284 = vector.extract %slice3A_283[0] : i32 from vector<1xi32>
      %shift_right_arithmetic3A_285 = arith.constant 3 : i32
      %shift_right_arithmetic3A_286 = arith.shrsi %squeeze3A_284, %shift_right_arithmetic3A_285 : i32
      %and3A_287 = arith.constant 7 : i32
      %and3A_288 = arith.andi %squeeze3A_284, %and3A_287 : i32
      %shift_right_arithmetic3A_289 = arith.constant 3 : i32
      %shift_right_arithmetic3A_290 = arith.shrsi %add3A_282, %shift_right_arithmetic3A_289 : i32
      %and3A_291 = arith.constant 7 : i32
      %and3A_292 = arith.andi %add3A_282, %and3A_291 : i32
      %dma_start3A_293 = arith.constant 0 : i32
      %dma_start3A_294 = tpu.memref_slice %arg12[%shift_right_arithmetic3A_290, %and3A_292, %dma_start3A_293] : memref<64x8x64xf32, #tpu.memory_space<vmem>> -> memref<1x1x64xf32, #tpu.memory_space<vmem>>
      %dma_start3A_295 = tpu.memref_squeeze %dma_start3A_294 : memref<1x1x64xf32, #tpu.memory_space<vmem>> -> memref<1x64xf32, #tpu.memory_space<vmem>>
      %dma_start3A_296 = arith.constant 0 : i32
      %dma_start3A_297 = tpu.memref_slice %arg4[%shift_right_arithmetic3A_286, %and3A_288, %dma_start3A_296] : memref<12500x8x64xf32, #tpu.memory_space<hbm>> -> memref<1x1x64xf32, #tpu.memory_space<hbm>>
      %dma_start3A_298 = tpu.memref_squeeze %dma_start3A_297 : memref<1x1x64xf32, #tpu.memory_space<hbm>> -> memref<1x64xf32, #tpu.memory_space<hbm>>
      %dma_start3A_299 = arith.constant 0 : i32
      %dma_start3A_300 = tpu.memref_slice %arg12[%shift_right_arithmetic3A_290, %and3A_292, %dma_start3A_299] : memref<64x8x64xf32, #tpu.memory_space<vmem>> -> memref<1x1x64xf32, #tpu.memory_space<vmem>>
      %dma_start3A_301 = tpu.memref_squeeze %dma_start3A_300 : memref<1x1x64xf32, #tpu.memory_space<vmem>> -> memref<1x64xf32, #tpu.memory_space<vmem>>
      %dma_start3A_302 = arith.constant 0 : i32
      %dma_start3A_303 = tpu.memref_slice %arg4[%shift_right_arithmetic3A_286, %and3A_288, %dma_start3A_302] : memref<12500x8x64xf32, #tpu.memory_space<hbm>> -> memref<1x1x64xf32, #tpu.memory_space<hbm>>
      %dma_start3A_304 = tpu.memref_squeeze %dma_start3A_303 : memref<1x1x64xf32, #tpu.memory_space<hbm>> -> memref<1x64xf32, #tpu.memory_space<hbm>>
      tpu.enqueue_dma source(%dma_start3A_304 : memref<1x64xf32, #tpu.memory_space<hbm>>) target(%dma_start3A_301 : memref<1x64xf32, #tpu.memory_space<vmem>>) target_semaphore(%arg16 : memref<!tpu.dma_semaphore, #tpu.memory_space<semaphore_mem>>)
      %mul3A_305 = arith.constant 16 : i32
      %mul3A_306 = arith.muli %add3A_66, %mul3A_305 : i32
      %add3A_307 = arith.constant 9 : i32
      %add3A_308 = arith.addi %mul3A_306, %add3A_307 : i32
      %slice3A_309 = vector.extract_strided_slice %get3A_72 {offsets = [9], sizes = [1], strides = [1]} : vector<16xi32> to vector<1xi32>
      %squeeze3A_310 = vector.extract %slice3A_309[0] : i32 from vector<1xi32>
      %shift_right_arithmetic3A_311 = arith.constant 3 : i32
      %shift_right_arithmetic3A_312 = arith.shrsi %squeeze3A_310, %shift_right_arithmetic3A_311 : i32
      %and3A_313 = arith.constant 7 : i32
      %and3A_314 = arith.andi %squeeze3A_310, %and3A_313 : i32
      %shift_right_arithmetic3A_315 = arith.constant 3 : i32
      %shift_right_arithmetic3A_316 = arith.shrsi %add3A_308, %shift_right_arithmetic3A_315 : i32
      %and3A_317 = arith.constant 7 : i32
      %and3A_318 = arith.andi %add3A_308, %and3A_317 : i32
      %dma_start3A_319 = arith.constant 0 : i32
      %dma_start3A_320 = tpu.memref_slice %arg12[%shift_right_arithmetic3A_316, %and3A_318, %dma_start3A_319] : memref<64x8x64xf32, #tpu.memory_space<vmem>> -> memref<1x1x64xf32, #tpu.memory_space<vmem>>
      %dma_start3A_321 = tpu.memref_squeeze %dma_start3A_320 : memref<1x1x64xf32, #tpu.memory_space<vmem>> -> memref<1x64xf32, #tpu.memory_space<vmem>>
      %dma_start3A_322 = arith.constant 0 : i32
      %dma_start3A_323 = tpu.memref_slice %arg4[%shift_right_arithmetic3A_312, %and3A_314, %dma_start3A_322] : memref<12500x8x64xf32, #tpu.memory_space<hbm>> -> memref<1x1x64xf32, #tpu.memory_space<hbm>>
      %dma_start3A_324 = tpu.memref_squeeze %dma_start3A_323 : memref<1x1x64xf32, #tpu.memory_space<hbm>> -> memref<1x64xf32, #tpu.memory_space<hbm>>
      %dma_start3A_325 = arith.constant 0 : i32
      %dma_start3A_326 = tpu.memref_slice %arg12[%shift_right_arithmetic3A_316, %and3A_318, %dma_start3A_325] : memref<64x8x64xf32, #tpu.memory_space<vmem>> -> memref<1x1x64xf32, #tpu.memory_space<vmem>>
      %dma_start3A_327 = tpu.memref_squeeze %dma_start3A_326 : memref<1x1x64xf32, #tpu.memory_space<vmem>> -> memref<1x64xf32, #tpu.memory_space<vmem>>
      %dma_start3A_328 = arith.constant 0 : i32
      %dma_start3A_329 = tpu.memref_slice %arg4[%shift_right_arithmetic3A_312, %and3A_314, %dma_start3A_328] : memref<12500x8x64xf32, #tpu.memory_space<hbm>> -> memref<1x1x64xf32, #tpu.memory_space<hbm>>
      %dma_start3A_330 = tpu.memref_squeeze %dma_start3A_329 : memref<1x1x64xf32, #tpu.memory_space<hbm>> -> memref<1x64xf32, #tpu.memory_space<hbm>>
      tpu.enqueue_dma source(%dma_start3A_330 : memref<1x64xf32, #tpu.memory_space<hbm>>) target(%dma_start3A_327 : memref<1x64xf32, #tpu.memory_space<vmem>>) target_semaphore(%arg16 : memref<!tpu.dma_semaphore, #tpu.memory_space<semaphore_mem>>)
      %mul3A_331 = arith.constant 16 : i32
      %mul3A_332 = arith.muli %add3A_66, %mul3A_331 : i32
      %add3A_333 = arith.constant 10 : i32
      %add3A_334 = arith.addi %mul3A_332, %add3A_333 : i32
      %slice3A_335 = vector.extract_strided_slice %get3A_72 {offsets = [10], sizes = [1], strides = [1]} : vector<16xi32> to vector<1xi32>
      %squeeze3A_336 = vector.extract %slice3A_335[0] : i32 from vector<1xi32>
      %shift_right_arithmetic3A_337 = arith.constant 3 : i32
      %shift_right_arithmetic3A_338 = arith.shrsi %squeeze3A_336, %shift_right_arithmetic3A_337 : i32
      %and3A_339 = arith.constant 7 : i32
      %and3A_340 = arith.andi %squeeze3A_336, %and3A_339 : i32
      %shift_right_arithmetic3A_341 = arith.constant 3 : i32
      %shift_right_arithmetic3A_342 = arith.shrsi %add3A_334, %shift_right_arithmetic3A_341 : i32
      %and3A_343 = arith.constant 7 : i32
      %and3A_344 = arith.andi %add3A_334, %and3A_343 : i32
      %dma_start3A_345 = arith.constant 0 : i32
      %dma_start3A_346 = tpu.memref_slice %arg12[%shift_right_arithmetic3A_342, %and3A_344, %dma_start3A_345] : memref<64x8x64xf32, #tpu.memory_space<vmem>> -> memref<1x1x64xf32, #tpu.memory_space<vmem>>
      %dma_start3A_347 = tpu.memref_squeeze %dma_start3A_346 : memref<1x1x64xf32, #tpu.memory_space<vmem>> -> memref<1x64xf32, #tpu.memory_space<vmem>>
      %dma_start3A_348 = arith.constant 0 : i32
      %dma_start3A_349 = tpu.memref_slice %arg4[%shift_right_arithmetic3A_338, %and3A_340, %dma_start3A_348] : memref<12500x8x64xf32, #tpu.memory_space<hbm>> -> memref<1x1x64xf32, #tpu.memory_space<hbm>>
      %dma_start3A_350 = tpu.memref_squeeze %dma_start3A_349 : memref<1x1x64xf32, #tpu.memory_space<hbm>> -> memref<1x64xf32, #tpu.memory_space<hbm>>
      %dma_start3A_351 = arith.constant 0 : i32
      %dma_start3A_352 = tpu.memref_slice %arg12[%shift_right_arithmetic3A_342, %and3A_344, %dma_start3A_351] : memref<64x8x64xf32, #tpu.memory_space<vmem>> -> memref<1x1x64xf32, #tpu.memory_space<vmem>>
      %dma_start3A_353 = tpu.memref_squeeze %dma_start3A_352 : memref<1x1x64xf32, #tpu.memory_space<vmem>> -> memref<1x64xf32, #tpu.memory_space<vmem>>
      %dma_start3A_354 = arith.constant 0 : i32
      %dma_start3A_355 = tpu.memref_slice %arg4[%shift_right_arithmetic3A_338, %and3A_340, %dma_start3A_354] : memref<12500x8x64xf32, #tpu.memory_space<hbm>> -> memref<1x1x64xf32, #tpu.memory_space<hbm>>
      %dma_start3A_356 = tpu.memref_squeeze %dma_start3A_355 : memref<1x1x64xf32, #tpu.memory_space<hbm>> -> memref<1x64xf32, #tpu.memory_space<hbm>>
      tpu.enqueue_dma source(%dma_start3A_356 : memref<1x64xf32, #tpu.memory_space<hbm>>) target(%dma_start3A_353 : memref<1x64xf32, #tpu.memory_space<vmem>>) target_semaphore(%arg16 : memref<!tpu.dma_semaphore, #tpu.memory_space<semaphore_mem>>)
      %mul3A_357 = arith.constant 16 : i32
      %mul3A_358 = arith.muli %add3A_66, %mul3A_357 : i32
      %add3A_359 = arith.constant 11 : i32
      %add3A_360 = arith.addi %mul3A_358, %add3A_359 : i32
      %slice3A_361 = vector.extract_strided_slice %get3A_72 {offsets = [11], sizes = [1], strides = [1]} : vector<16xi32> to vector<1xi32>
      %squeeze3A_362 = vector.extract %slice3A_361[0] : i32 from vector<1xi32>
      %shift_right_arithmetic3A_363 = arith.constant 3 : i32
      %shift_right_arithmetic3A_364 = arith.shrsi %squeeze3A_362, %shift_right_arithmetic3A_363 : i32
      %and3A_365 = arith.constant 7 : i32
      %and3A_366 = arith.andi %squeeze3A_362, %and3A_365 : i32
      %shift_right_arithmetic3A_367 = arith.constant 3 : i32
      %shift_right_arithmetic3A_368 = arith.shrsi %add3A_360, %shift_right_arithmetic3A_367 : i32
      %and3A_369 = arith.constant 7 : i32
      %and3A_370 = arith.andi %add3A_360, %and3A_369 : i32
      %dma_start3A_371 = arith.constant 0 : i32
      %dma_start3A_372 = tpu.memref_slice %arg12[%shift_right_arithmetic3A_368, %and3A_370, %dma_start3A_371] : memref<64x8x64xf32, #tpu.memory_space<vmem>> -> memref<1x1x64xf32, #tpu.memory_space<vmem>>
      %dma_start3A_373 = tpu.memref_squeeze %dma_start3A_372 : memref<1x1x64xf32, #tpu.memory_space<vmem>> -> memref<1x64xf32, #tpu.memory_space<vmem>>
      %dma_start3A_374 = arith.constant 0 : i32
      %dma_start3A_375 = tpu.memref_slice %arg4[%shift_right_arithmetic3A_364, %and3A_366, %dma_start3A_374] : memref<12500x8x64xf32, #tpu.memory_space<hbm>> -> memref<1x1x64xf32, #tpu.memory_space<hbm>>
      %dma_start3A_376 = tpu.memref_squeeze %dma_start3A_375 : memref<1x1x64xf32, #tpu.memory_space<hbm>> -> memref<1x64xf32, #tpu.memory_space<hbm>>
      %dma_start3A_377 = arith.constant 0 : i32
      %dma_start3A_378 = tpu.memref_slice %arg12[%shift_right_arithmetic3A_368, %and3A_370, %dma_start3A_377] : memref<64x8x64xf32, #tpu.memory_space<vmem>> -> memref<1x1x64xf32, #tpu.memory_space<vmem>>
      %dma_start3A_379 = tpu.memref_squeeze %dma_start3A_378 : memref<1x1x64xf32, #tpu.memory_space<vmem>> -> memref<1x64xf32, #tpu.memory_space<vmem>>
      %dma_start3A_380 = arith.constant 0 : i32
      %dma_start3A_381 = tpu.memref_slice %arg4[%shift_right_arithmetic3A_364, %and3A_366, %dma_start3A_380] : memref<12500x8x64xf32, #tpu.memory_space<hbm>> -> memref<1x1x64xf32, #tpu.memory_space<hbm>>
      %dma_start3A_382 = tpu.memref_squeeze %dma_start3A_381 : memref<1x1x64xf32, #tpu.memory_space<hbm>> -> memref<1x64xf32, #tpu.memory_space<hbm>>
      tpu.enqueue_dma source(%dma_start3A_382 : memref<1x64xf32, #tpu.memory_space<hbm>>) target(%dma_start3A_379 : memref<1x64xf32, #tpu.memory_space<vmem>>) target_semaphore(%arg16 : memref<!tpu.dma_semaphore, #tpu.memory_space<semaphore_mem>>)
      %mul3A_383 = arith.constant 16 : i32
      %mul3A_384 = arith.muli %add3A_66, %mul3A_383 : i32
      %add3A_385 = arith.constant 12 : i32
      %add3A_386 = arith.addi %mul3A_384, %add3A_385 : i32
      %slice3A_387 = vector.extract_strided_slice %get3A_72 {offsets = [12], sizes = [1], strides = [1]} : vector<16xi32> to vector<1xi32>
      %squeeze3A_388 = vector.extract %slice3A_387[0] : i32 from vector<1xi32>
      %shift_right_arithmetic3A_389 = arith.constant 3 : i32
      %shift_right_arithmetic3A_390 = arith.shrsi %squeeze3A_388, %shift_right_arithmetic3A_389 : i32
      %and3A_391 = arith.constant 7 : i32
      %and3A_392 = arith.andi %squeeze3A_388, %and3A_391 : i32
      %shift_right_arithmetic3A_393 = arith.constant 3 : i32
      %shift_right_arithmetic3A_394 = arith.shrsi %add3A_386, %shift_right_arithmetic3A_393 : i32
      %and3A_395 = arith.constant 7 : i32
      %and3A_396 = arith.andi %add3A_386, %and3A_395 : i32
      %dma_start3A_397 = arith.constant 0 : i32
      %dma_start3A_398 = tpu.memref_slice %arg12[%shift_right_arithmetic3A_394, %and3A_396, %dma_start3A_397] : memref<64x8x64xf32, #tpu.memory_space<vmem>> -> memref<1x1x64xf32, #tpu.memory_space<vmem>>
      %dma_start3A_399 = tpu.memref_squeeze %dma_start3A_398 : memref<1x1x64xf32, #tpu.memory_space<vmem>> -> memref<1x64xf32, #tpu.memory_space<vmem>>
      %dma_start3A_400 = arith.constant 0 : i32
      %dma_start3A_401 = tpu.memref_slice %arg4[%shift_right_arithmetic3A_390, %and3A_392, %dma_start3A_400] : memref<12500x8x64xf32, #tpu.memory_space<hbm>> -> memref<1x1x64xf32, #tpu.memory_space<hbm>>
      %dma_start3A_402 = tpu.memref_squeeze %dma_start3A_401 : memref<1x1x64xf32, #tpu.memory_space<hbm>> -> memref<1x64xf32, #tpu.memory_space<hbm>>
      %dma_start3A_403 = arith.constant 0 : i32
      %dma_start3A_404 = tpu.memref_slice %arg12[%shift_right_arithmetic3A_394, %and3A_396, %dma_start3A_403] : memref<64x8x64xf32, #tpu.memory_space<vmem>> -> memref<1x1x64xf32, #tpu.memory_space<vmem>>
      %dma_start3A_405 = tpu.memref_squeeze %dma_start3A_404 : memref<1x1x64xf32, #tpu.memory_space<vmem>> -> memref<1x64xf32, #tpu.memory_space<vmem>>
      %dma_start3A_406 = arith.constant 0 : i32
      %dma_start3A_407 = tpu.memref_slice %arg4[%shift_right_arithmetic3A_390, %and3A_392, %dma_start3A_406] : memref<12500x8x64xf32, #tpu.memory_space<hbm>> -> memref<1x1x64xf32, #tpu.memory_space<hbm>>
      %dma_start3A_408 = tpu.memref_squeeze %dma_start3A_407 : memref<1x1x64xf32, #tpu.memory_space<hbm>> -> memref<1x64xf32, #tpu.memory_space<hbm>>
      tpu.enqueue_dma source(%dma_start3A_408 : memref<1x64xf32, #tpu.memory_space<hbm>>) target(%dma_start3A_405 : memref<1x64xf32, #tpu.memory_space<vmem>>) target_semaphore(%arg16 : memref<!tpu.dma_semaphore, #tpu.memory_space<semaphore_mem>>)
      %mul3A_409 = arith.constant 16 : i32
      %mul3A_410 = arith.muli %add3A_66, %mul3A_409 : i32
      %add3A_411 = arith.constant 13 : i32
      %add3A_412 = arith.addi %mul3A_410, %add3A_411 : i32
      %slice3A_413 = vector.extract_strided_slice %get3A_72 {offsets = [13], sizes = [1], strides = [1]} : vector<16xi32> to vector<1xi32>
      %squeeze3A_414 = vector.extract %slice3A_413[0] : i32 from vector<1xi32>
      %shift_right_arithmetic3A_415 = arith.constant 3 : i32
      %shift_right_arithmetic3A_416 = arith.shrsi %squeeze3A_414, %shift_right_arithmetic3A_415 : i32
      %and3A_417 = arith.constant 7 : i32
      %and3A_418 = arith.andi %squeeze3A_414, %and3A_417 : i32
      %shift_right_arithmetic3A_419 = arith.constant 3 : i32
      %shift_right_arithmetic3A_420 = arith.shrsi %add3A_412, %shift_right_arithmetic3A_419 : i32
      %and3A_421 = arith.constant 7 : i32
      %and3A_422 = arith.andi %add3A_412, %and3A_421 : i32
      %dma_start3A_423 = arith.constant 0 : i32
      %dma_start3A_424 = tpu.memref_slice %arg12[%shift_right_arithmetic3A_420, %and3A_422, %dma_start3A_423] : memref<64x8x64xf32, #tpu.memory_space<vmem>> -> memref<1x1x64xf32, #tpu.memory_space<vmem>>
      %dma_start3A_425 = tpu.memref_squeeze %dma_start3A_424 : memref<1x1x64xf32, #tpu.memory_space<vmem>> -> memref<1x64xf32, #tpu.memory_space<vmem>>
      %dma_start3A_426 = arith.constant 0 : i32
      %dma_start3A_427 = tpu.memref_slice %arg4[%shift_right_arithmetic3A_416, %and3A_418, %dma_start3A_426] : memref<12500x8x64xf32, #tpu.memory_space<hbm>> -> memref<1x1x64xf32, #tpu.memory_space<hbm>>
      %dma_start3A_428 = tpu.memref_squeeze %dma_start3A_427 : memref<1x1x64xf32, #tpu.memory_space<hbm>> -> memref<1x64xf32, #tpu.memory_space<hbm>>
      %dma_start3A_429 = arith.constant 0 : i32
      %dma_start3A_430 = tpu.memref_slice %arg12[%shift_right_arithmetic3A_420, %and3A_422, %dma_start3A_429] : memref<64x8x64xf32, #tpu.memory_space<vmem>> -> memref<1x1x64xf32, #tpu.memory_space<vmem>>
      %dma_start3A_431 = tpu.memref_squeeze %dma_start3A_430 : memref<1x1x64xf32, #tpu.memory_space<vmem>> -> memref<1x64xf32, #tpu.memory_space<vmem>>
      %dma_start3A_432 = arith.constant 0 : i32
      %dma_start3A_433 = tpu.memref_slice %arg4[%shift_right_arithmetic3A_416, %and3A_418, %dma_start3A_432] : memref<12500x8x64xf32, #tpu.memory_space<hbm>> -> memref<1x1x64xf32, #tpu.memory_space<hbm>>
      %dma_start3A_434 = tpu.memref_squeeze %dma_start3A_433 : memref<1x1x64xf32, #tpu.memory_space<hbm>> -> memref<1x64xf32, #tpu.memory_space<hbm>>
      tpu.enqueue_dma source(%dma_start3A_434 : memref<1x64xf32, #tpu.memory_space<hbm>>) target(%dma_start3A_431 : memref<1x64xf32, #tpu.memory_space<vmem>>) target_semaphore(%arg16 : memref<!tpu.dma_semaphore, #tpu.memory_space<semaphore_mem>>)
      %mul3A_435 = arith.constant 16 : i32
      %mul3A_436 = arith.muli %add3A_66, %mul3A_435 : i32
      %add3A_437 = arith.constant 14 : i32
      %add3A_438 = arith.addi %mul3A_436, %add3A_437 : i32
      %slice3A_439 = vector.extract_strided_slice %get3A_72 {offsets = [14], sizes = [1], strides = [1]} : vector<16xi32> to vector<1xi32>
      %squeeze3A_440 = vector.extract %slice3A_439[0] : i32 from vector<1xi32>
      %shift_right_arithmetic3A_441 = arith.constant 3 : i32
      %shift_right_arithmetic3A_442 = arith.shrsi %squeeze3A_440, %shift_right_arithmetic3A_441 : i32
      %and3A_443 = arith.constant 7 : i32
      %and3A_444 = arith.andi %squeeze3A_440, %and3A_443 : i32
      %shift_right_arithmetic3A_445 = arith.constant 3 : i32
      %shift_right_arithmetic3A_446 = arith.shrsi %add3A_438, %shift_right_arithmetic3A_445 : i32
      %and3A_447 = arith.constant 7 : i32
      %and3A_448 = arith.andi %add3A_438, %and3A_447 : i32
      %dma_start3A_449 = arith.constant 0 : i32
      %dma_start3A_450 = tpu.memref_slice %arg12[%shift_right_arithmetic3A_446, %and3A_448, %dma_start3A_449] : memref<64x8x64xf32, #tpu.memory_space<vmem>> -> memref<1x1x64xf32, #tpu.memory_space<vmem>>
      %dma_start3A_451 = tpu.memref_squeeze %dma_start3A_450 : memref<1x1x64xf32, #tpu.memory_space<vmem>> -> memref<1x64xf32, #tpu.memory_space<vmem>>
      %dma_start3A_452 = arith.constant 0 : i32
      %dma_start3A_453 = tpu.memref_slice %arg4[%shift_right_arithmetic3A_442, %and3A_444, %dma_start3A_452] : memref<12500x8x64xf32, #tpu.memory_space<hbm>> -> memref<1x1x64xf32, #tpu.memory_space<hbm>>
      %dma_start3A_454 = tpu.memref_squeeze %dma_start3A_453 : memref<1x1x64xf32, #tpu.memory_space<hbm>> -> memref<1x64xf32, #tpu.memory_space<hbm>>
      %dma_start3A_455 = arith.constant 0 : i32
      %dma_start3A_456 = tpu.memref_slice %arg12[%shift_right_arithmetic3A_446, %and3A_448, %dma_start3A_455] : memref<64x8x64xf32, #tpu.memory_space<vmem>> -> memref<1x1x64xf32, #tpu.memory_space<vmem>>
      %dma_start3A_457 = tpu.memref_squeeze %dma_start3A_456 : memref<1x1x64xf32, #tpu.memory_space<vmem>> -> memref<1x64xf32, #tpu.memory_space<vmem>>
      %dma_start3A_458 = arith.constant 0 : i32
      %dma_start3A_459 = tpu.memref_slice %arg4[%shift_right_arithmetic3A_442, %and3A_444, %dma_start3A_458] : memref<12500x8x64xf32, #tpu.memory_space<hbm>> -> memref<1x1x64xf32, #tpu.memory_space<hbm>>
      %dma_start3A_460 = tpu.memref_squeeze %dma_start3A_459 : memref<1x1x64xf32, #tpu.memory_space<hbm>> -> memref<1x64xf32, #tpu.memory_space<hbm>>
      tpu.enqueue_dma source(%dma_start3A_460 : memref<1x64xf32, #tpu.memory_space<hbm>>) target(%dma_start3A_457 : memref<1x64xf32, #tpu.memory_space<vmem>>) target_semaphore(%arg16 : memref<!tpu.dma_semaphore, #tpu.memory_space<semaphore_mem>>)
      %mul3A_461 = arith.constant 16 : i32
      %mul3A_462 = arith.muli %add3A_66, %mul3A_461 : i32
      %add3A_463 = arith.constant 15 : i32
      %add3A_464 = arith.addi %mul3A_462, %add3A_463 : i32
      %slice3A_465 = vector.extract_strided_slice %get3A_72 {offsets = [15], sizes = [1], strides = [1]} : vector<16xi32> to vector<1xi32>
      %squeeze3A_466 = vector.extract %slice3A_465[0] : i32 from vector<1xi32>
      %shift_right_arithmetic3A_467 = arith.constant 3 : i32
      %shift_right_arithmetic3A_468 = arith.shrsi %squeeze3A_466, %shift_right_arithmetic3A_467 : i32
      %and3A_469 = arith.constant 7 : i32
      %and3A_470 = arith.andi %squeeze3A_466, %and3A_469 : i32
      %shift_right_arithmetic3A_471 = arith.constant 3 : i32
      %shift_right_arithmetic3A_472 = arith.shrsi %add3A_464, %shift_right_arithmetic3A_471 : i32
      %and3A_473 = arith.constant 7 : i32
      %and3A_474 = arith.andi %add3A_464, %and3A_473 : i32
      %dma_start3A_475 = arith.constant 0 : i32
      %dma_start3A_476 = tpu.memref_slice %arg12[%shift_right_arithmetic3A_472, %and3A_474, %dma_start3A_475] : memref<64x8x64xf32, #tpu.memory_space<vmem>> -> memref<1x1x64xf32, #tpu.memory_space<vmem>>
      %dma_start3A_477 = tpu.memref_squeeze %dma_start3A_476 : memref<1x1x64xf32, #tpu.memory_space<vmem>> -> memref<1x64xf32, #tpu.memory_space<vmem>>
      %dma_start3A_478 = arith.constant 0 : i32
      %dma_start3A_479 = tpu.memref_slice %arg4[%shift_right_arithmetic3A_468, %and3A_470, %dma_start3A_478] : memref<12500x8x64xf32, #tpu.memory_space<hbm>> -> memref<1x1x64xf32, #tpu.memory_space<hbm>>
      %dma_start3A_480 = tpu.memref_squeeze %dma_start3A_479 : memref<1x1x64xf32, #tpu.memory_space<hbm>> -> memref<1x64xf32, #tpu.memory_space<hbm>>
      %dma_start3A_481 = arith.constant 0 : i32
      %dma_start3A_482 = tpu.memref_slice %arg12[%shift_right_arithmetic3A_472, %and3A_474, %dma_start3A_481] : memref<64x8x64xf32, #tpu.memory_space<vmem>> -> memref<1x1x64xf32, #tpu.memory_space<vmem>>
      %dma_start3A_483 = tpu.memref_squeeze %dma_start3A_482 : memref<1x1x64xf32, #tpu.memory_space<vmem>> -> memref<1x64xf32, #tpu.memory_space<vmem>>
      %dma_start3A_484 = arith.constant 0 : i32
      %dma_start3A_485 = tpu.memref_slice %arg4[%shift_right_arithmetic3A_468, %and3A_470, %dma_start3A_484] : memref<12500x8x64xf32, #tpu.memory_space<hbm>> -> memref<1x1x64xf32, #tpu.memory_space<hbm>>
      %dma_start3A_486 = tpu.memref_squeeze %dma_start3A_485 : memref<1x1x64xf32, #tpu.memory_space<hbm>> -> memref<1x64xf32, #tpu.memory_space<hbm>>
      tpu.enqueue_dma source(%dma_start3A_486 : memref<1x64xf32, #tpu.memory_space<hbm>>) target(%dma_start3A_483 : memref<1x64xf32, #tpu.memory_space<vmem>>) target_semaphore(%arg16 : memref<!tpu.dma_semaphore, #tpu.memory_space<semaphore_mem>>)
    }
    %scan3A_22 = arith.constant 32 : i32
    %scan3A_23 = arith.constant 0 : i32
    %scan3A_24 = arith.constant 8 : i32
    %scan3A_25 = arith.addi %scan3A_23, %scan3A_24 : i32
    %scan3A_26 = arith.constant 1 : i32
    scf.for %scan3A_62 = %scan3A_23 to %scan3A_25 step %scan3A_26  : i32 {
      %mul3A_63 = arith.constant 16 : i32
      %mul3A_64 = arith.muli %scan3A_62, %mul3A_63 : i32
      %add3A_65 = arith.constant 0 : i32
      %add3A_66 = arith.addi %add3A_65, %mul3A_64 : i32
      %broadcast_in_dim3A_67 = arith.constant 1.000000e+00 : f32
      %broadcast_in_dim3A_68 = vector.broadcast %broadcast_in_dim3A_67 : f32 to vector<16xf32>
      %swap3A_69 = arith.index_cast %add3A_66 : i32 to index
      %swap3A_70 = tpu.vector_load %arg8[%swap3A_69] {strides = array<i32>} : memref<128xf32, #tpu.memory_space<vmem>>, vector<16xf32>,
      tpu.vector_store %arg8[%swap3A_69], %broadcast_in_dim3A_68 {strides = array<i32>} : memref<128xf32, #tpu.memory_space<vmem>>, vector<16xf32>,
    }
    %scan3A_27 = arith.constant 8 : i32
    %broadcast_in_dim3A = arith.constant 0.000000e+00 : f32
    %broadcast_in_dim3A_28 = vector.broadcast %broadcast_in_dim3A : f32 to vector<16xf32>
    %swap3A = arith.constant 0 : index
    %swap3A_29 = tpu.vector_load %arg13[%swap3A] {strides = array<i32>} : memref<16xf32, #tpu.memory_space<vmem>>, vector<16xf32>,
    tpu.vector_store %arg13[%swap3A], %broadcast_in_dim3A_28 {strides = array<i32>} : memref<16xf32, #tpu.memory_space<vmem>>, vector<16xf32>,
    %dma_wait3A = tpu.memref_slice %arg14[%mul3A_10] : memref<100096xf32, #tpu.memory_space<vmem_shared>> -> memref<6256xf32, #tpu.memory_space<vmem_shared>>
    %dma_wait3A_30 = tpu.memref_slice %arg14[%mul3A_10] : memref<100096xf32, #tpu.memory_space<vmem_shared>> -> memref<6256xf32, #tpu.memory_space<vmem_shared>>
    tpu.wait_dma2 semaphore(%arg17 : memref<!tpu.dma_semaphore, #tpu.memory_space<semaphore_mem>>) src(%arg9 : memref<6256xf32, #tpu.memory_space<vmem>>) dst(%dma_wait3A_30 : memref<6256xf32, #tpu.memory_space<vmem_shared>>)
    %barrier3A = arith.constant 0 : index
    tpu.barrier barrier_id(%barrier3A)
    %run_scoped3A = arith.constant 0 : i32
    "tpu.region"() ({
      %run_scoped3A_62 = tpu.sem_alloc : memref<!tpu.dma_semaphore, #tpu.memory_space<semaphore_mem>>
      %dma_start3A_63 = arith.constant 0 : i32
      %dma_start3A_64 = tpu.memref_slice %arg7[%run_scoped3A, %dma_start3A_63] : memref<8x128xi32, #tpu.memory_space<vmem>> -> memref<1x128xi32, #tpu.memory_space<vmem>>
      %dma_start3A_65 = tpu.memref_squeeze %dma_start3A_64 : memref<1x128xi32, #tpu.memory_space<vmem>> -> memref<128xi32, #tpu.memory_space<vmem>>
      %dma_start3A_66 = arith.constant 0 : i32
      %dma_start3A_67 = tpu.memref_slice %arg14[%dma_start3A_66] : memref<100096xf32, #tpu.memory_space<vmem_shared>> -> memref<100096xf32, #tpu.memory_space<vmem_shared>>
      tpu.enqueue_indirect_dma source(%arg8 : memref<128xf32, #tpu.memory_space<vmem>>) target(%dma_start3A_67 : memref<100096xf32, #tpu.memory_space<vmem_shared>>) offsets(%dma_start3A_65 : memref<128xi32, #tpu.memory_space<vmem>>) semaphore(%run_scoped3A_62 : memref<!tpu.dma_semaphore, #tpu.memory_space<semaphore_mem>>) {add = true}
      %dma_wait3A_68 = arith.constant 0 : i32
      %dma_wait3A_69 = tpu.memref_slice %arg7[%run_scoped3A, %dma_wait3A_68] : memref<8x128xi32, #tpu.memory_space<vmem>> -> memref<1x128xi32, #tpu.memory_space<vmem>>
      %dma_wait3A_70 = tpu.memref_squeeze %dma_wait3A_69 : memref<1x128xi32, #tpu.memory_space<vmem>> -> memref<128xi32, #tpu.memory_space<vmem>>
      %dma_wait3A_71 = arith.constant 0 : i32
      %dma_wait3A_72 = tpu.memref_slice %arg14[%dma_wait3A_71] : memref<100096xf32, #tpu.memory_space<vmem_shared>> -> memref<100096xf32, #tpu.memory_space<vmem_shared>>
      tpu.wait_indirect_dma semaphore(%run_scoped3A_62 : memref<!tpu.dma_semaphore, #tpu.memory_space<semaphore_mem>>) src(%arg8 : memref<128xf32, #tpu.memory_space<vmem>>) dst(%dma_wait3A_72 : memref<100096xf32, #tpu.memory_space<vmem_shared>>)
      tpu.yield
    }) : () -> ()
    %run_scoped3A_31 = arith.constant 1 : i32
    "tpu.region"() ({
      %run_scoped3A_62 = tpu.sem_alloc : memref<!tpu.dma_semaphore, #tpu.memory_space<semaphore_mem>>
      %dma_start3A_63 = arith.constant 0 : i32
      %dma_start3A_64 = tpu.memref_slice %arg7[%run_scoped3A_31, %dma_start3A_63] : memref<8x128xi32, #tpu.memory_space<vmem>> -> memref<1x128xi32, #tpu.memory_space<vmem>>
      %dma_start3A_65 = tpu.memref_squeeze %dma_start3A_64 : memref<1x128xi32, #tpu.memory_space<vmem>> -> memref<128xi32, #tpu.memory_space<vmem>>
      %dma_start3A_66 = arith.constant 0 : i32
      %dma_start3A_67 = tpu.memref_slice %arg14[%dma_start3A_66] : memref<100096xf32, #tpu.memory_space<vmem_shared>> -> memref<100096xf32, #tpu.memory_space<vmem_shared>>
      tpu.enqueue_indirect_dma source(%arg8 : memref<128xf32, #tpu.memory_space<vmem>>) target(%dma_start3A_67 : memref<100096xf32, #tpu.memory_space<vmem_shared>>) offsets(%dma_start3A_65 : memref<128xi32, #tpu.memory_space<vmem>>) semaphore(%run_scoped3A_62 : memref<!tpu.dma_semaphore, #tpu.memory_space<semaphore_mem>>) {add = true}
      %dma_wait3A_68 = arith.constant 0 : i32
      %dma_wait3A_69 = tpu.memref_slice %arg7[%run_scoped3A_31, %dma_wait3A_68] : memref<8x128xi32, #tpu.memory_space<vmem>> -> memref<1x128xi32, #tpu.memory_space<vmem>>
      %dma_wait3A_70 = tpu.memref_squeeze %dma_wait3A_69 : memref<1x128xi32, #tpu.memory_space<vmem>> -> memref<128xi32, #tpu.memory_space<vmem>>
      %dma_wait3A_71 = arith.constant 0 : i32
      %dma_wait3A_72 = tpu.memref_slice %arg14[%dma_wait3A_71] : memref<100096xf32, #tpu.memory_space<vmem_shared>> -> memref<100096xf32, #tpu.memory_space<vmem_shared>>
      tpu.wait_indirect_dma semaphore(%run_scoped3A_62 : memref<!tpu.dma_semaphore, #tpu.memory_space<semaphore_mem>>) src(%arg8 : memref<128xf32, #tpu.memory_space<vmem>>) dst(%dma_wait3A_72 : memref<100096xf32, #tpu.memory_space<vmem_shared>>)
      tpu.yield
    }) : () -> ()
    %run_scoped3A_32 = arith.constant 2 : i32
    "tpu.region"() ({
      %run_scoped3A_62 = tpu.sem_alloc : memref<!tpu.dma_semaphore, #tpu.memory_space<semaphore_mem>>
      %dma_start3A_63 = arith.constant 0 : i32
      %dma_start3A_64 = tpu.memref_slice %arg7[%run_scoped3A_32, %dma_start3A_63] : memref<8x128xi32, #tpu.memory_space<vmem>> -> memref<1x128xi32, #tpu.memory_space<vmem>>
      %dma_start3A_65 = tpu.memref_squeeze %dma_start3A_64 : memref<1x128xi32, #tpu.memory_space<vmem>> -> memref<128xi32, #tpu.memory_space<vmem>>
      %dma_start3A_66 = arith.constant 0 : i32
      %dma_start3A_67 = tpu.memref_slice %arg14[%dma_start3A_66] : memref<100096xf32, #tpu.memory_space<vmem_shared>> -> memref<100096xf32, #tpu.memory_space<vmem_shared>>
      tpu.enqueue_indirect_dma source(%arg8 : memref<128xf32, #tpu.memory_space<vmem>>) target(%dma_start3A_67 : memref<100096xf32, #tpu.memory_space<vmem_shared>>) offsets(%dma_start3A_65 : memref<128xi32, #tpu.memory_space<vmem>>) semaphore(%run_scoped3A_62 : memref<!tpu.dma_semaphore, #tpu.memory_space<semaphore_mem>>) {add = true}
      %dma_wait3A_68 = arith.constant 0 : i32
      %dma_wait3A_69 = tpu.memref_slice %arg7[%run_scoped3A_32, %dma_wait3A_68] : memref<8x128xi32, #tpu.memory_space<vmem>> -> memref<1x128xi32, #tpu.memory_space<vmem>>
      %dma_wait3A_70 = tpu.memref_squeeze %dma_wait3A_69 : memref<1x128xi32, #tpu.memory_space<vmem>> -> memref<128xi32, #tpu.memory_space<vmem>>
      %dma_wait3A_71 = arith.constant 0 : i32
      %dma_wait3A_72 = tpu.memref_slice %arg14[%dma_wait3A_71] : memref<100096xf32, #tpu.memory_space<vmem_shared>> -> memref<100096xf32, #tpu.memory_space<vmem_shared>>
      tpu.wait_indirect_dma semaphore(%run_scoped3A_62 : memref<!tpu.dma_semaphore, #tpu.memory_space<semaphore_mem>>) src(%arg8 : memref<128xf32, #tpu.memory_space<vmem>>) dst(%dma_wait3A_72 : memref<100096xf32, #tpu.memory_space<vmem_shared>>)
      tpu.yield
    }) : () -> ()
    %run_scoped3A_33 = arith.constant 3 : i32
    "tpu.region"() ({
      %run_scoped3A_62 = tpu.sem_alloc : memref<!tpu.dma_semaphore, #tpu.memory_space<semaphore_mem>>
      %dma_start3A_63 = arith.constant 0 : i32
      %dma_start3A_64 = tpu.memref_slice %arg7[%run_scoped3A_33, %dma_start3A_63] : memref<8x128xi32, #tpu.memory_space<vmem>> -> memref<1x128xi32, #tpu.memory_space<vmem>>
      %dma_start3A_65 = tpu.memref_squeeze %dma_start3A_64 : memref<1x128xi32, #tpu.memory_space<vmem>> -> memref<128xi32, #tpu.memory_space<vmem>>
      %dma_start3A_66 = arith.constant 0 : i32
      %dma_start3A_67 = tpu.memref_slice %arg14[%dma_start3A_66] : memref<100096xf32, #tpu.memory_space<vmem_shared>> -> memref<100096xf32, #tpu.memory_space<vmem_shared>>
      tpu.enqueue_indirect_dma source(%arg8 : memref<128xf32, #tpu.memory_space<vmem>>) target(%dma_start3A_67 : memref<100096xf32, #tpu.memory_space<vmem_shared>>) offsets(%dma_start3A_65 : memref<128xi32, #tpu.memory_space<vmem>>) semaphore(%run_scoped3A_62 : memref<!tpu.dma_semaphore, #tpu.memory_space<semaphore_mem>>) {add = true}
      %dma_wait3A_68 = arith.constant 0 : i32
      %dma_wait3A_69 = tpu.memref_slice %arg7[%run_scoped3A_33, %dma_wait3A_68] : memref<8x128xi32, #tpu.memory_space<vmem>> -> memref<1x128xi32, #tpu.memory_space<vmem>>
      %dma_wait3A_70 = tpu.memref_squeeze %dma_wait3A_69 : memref<1x128xi32, #tpu.memory_space<vmem>> -> memref<128xi32, #tpu.memory_space<vmem>>
      %dma_wait3A_71 = arith.constant 0 : i32
      %dma_wait3A_72 = tpu.memref_slice %arg14[%dma_wait3A_71] : memref<100096xf32, #tpu.memory_space<vmem_shared>> -> memref<100096xf32, #tpu.memory_space<vmem_shared>>
      tpu.wait_indirect_dma semaphore(%run_scoped3A_62 : memref<!tpu.dma_semaphore, #tpu.memory_space<semaphore_mem>>) src(%arg8 : memref<128xf32, #tpu.memory_space<vmem>>) dst(%dma_wait3A_72 : memref<100096xf32, #tpu.memory_space<vmem_shared>>)
      tpu.yield
    }) : () -> ()
    %run_scoped3A_34 = arith.constant 4 : i32
    "tpu.region"() ({
      %run_scoped3A_62 = tpu.sem_alloc : memref<!tpu.dma_semaphore, #tpu.memory_space<semaphore_mem>>
      %dma_start3A_63 = arith.constant 0 : i32
      %dma_start3A_64 = tpu.memref_slice %arg7[%run_scoped3A_34, %dma_start3A_63] : memref<8x128xi32, #tpu.memory_space<vmem>> -> memref<1x128xi32, #tpu.memory_space<vmem>>
      %dma_start3A_65 = tpu.memref_squeeze %dma_start3A_64 : memref<1x128xi32, #tpu.memory_space<vmem>> -> memref<128xi32, #tpu.memory_space<vmem>>
      %dma_start3A_66 = arith.constant 0 : i32
      %dma_start3A_67 = tpu.memref_slice %arg14[%dma_start3A_66] : memref<100096xf32, #tpu.memory_space<vmem_shared>> -> memref<100096xf32, #tpu.memory_space<vmem_shared>>
      tpu.enqueue_indirect_dma source(%arg8 : memref<128xf32, #tpu.memory_space<vmem>>) target(%dma_start3A_67 : memref<100096xf32, #tpu.memory_space<vmem_shared>>) offsets(%dma_start3A_65 : memref<128xi32, #tpu.memory_space<vmem>>) semaphore(%run_scoped3A_62 : memref<!tpu.dma_semaphore, #tpu.memory_space<semaphore_mem>>) {add = true}
      %dma_wait3A_68 = arith.constant 0 : i32
      %dma_wait3A_69 = tpu.memref_slice %arg7[%run_scoped3A_34, %dma_wait3A_68] : memref<8x128xi32, #tpu.memory_space<vmem>> -> memref<1x128xi32, #tpu.memory_space<vmem>>
      %dma_wait3A_70 = tpu.memref_squeeze %dma_wait3A_69 : memref<1x128xi32, #tpu.memory_space<vmem>> -> memref<128xi32, #tpu.memory_space<vmem>>
      %dma_wait3A_71 = arith.constant 0 : i32
      %dma_wait3A_72 = tpu.memref_slice %arg14[%dma_wait3A_71] : memref<100096xf32, #tpu.memory_space<vmem_shared>> -> memref<100096xf32, #tpu.memory_space<vmem_shared>>
      tpu.wait_indirect_dma semaphore(%run_scoped3A_62 : memref<!tpu.dma_semaphore, #tpu.memory_space<semaphore_mem>>) src(%arg8 : memref<128xf32, #tpu.memory_space<vmem>>) dst(%dma_wait3A_72 : memref<100096xf32, #tpu.memory_space<vmem_shared>>)
      tpu.yield
    }) : () -> ()
    %run_scoped3A_35 = arith.constant 5 : i32
    "tpu.region"() ({
      %run_scoped3A_62 = tpu.sem_alloc : memref<!tpu.dma_semaphore, #tpu.memory_space<semaphore_mem>>
      %dma_start3A_63 = arith.constant 0 : i32
      %dma_start3A_64 = tpu.memref_slice %arg7[%run_scoped3A_35, %dma_start3A_63] : memref<8x128xi32, #tpu.memory_space<vmem>> -> memref<1x128xi32, #tpu.memory_space<vmem>>
      %dma_start3A_65 = tpu.memref_squeeze %dma_start3A_64 : memref<1x128xi32, #tpu.memory_space<vmem>> -> memref<128xi32, #tpu.memory_space<vmem>>
      %dma_start3A_66 = arith.constant 0 : i32
      %dma_start3A_67 = tpu.memref_slice %arg14[%dma_start3A_66] : memref<100096xf32, #tpu.memory_space<vmem_shared>> -> memref<100096xf32, #tpu.memory_space<vmem_shared>>
      tpu.enqueue_indirect_dma source(%arg8 : memref<128xf32, #tpu.memory_space<vmem>>) target(%dma_start3A_67 : memref<100096xf32, #tpu.memory_space<vmem_shared>>) offsets(%dma_start3A_65 : memref<128xi32, #tpu.memory_space<vmem>>) semaphore(%run_scoped3A_62 : memref<!tpu.dma_semaphore, #tpu.memory_space<semaphore_mem>>) {add = true}
      %dma_wait3A_68 = arith.constant 0 : i32
      %dma_wait3A_69 = tpu.memref_slice %arg7[%run_scoped3A_35, %dma_wait3A_68] : memref<8x128xi32, #tpu.memory_space<vmem>> -> memref<1x128xi32, #tpu.memory_space<vmem>>
      %dma_wait3A_70 = tpu.memref_squeeze %dma_wait3A_69 : memref<1x128xi32, #tpu.memory_space<vmem>> -> memref<128xi32, #tpu.memory_space<vmem>>
      %dma_wait3A_71 = arith.constant 0 : i32
      %dma_wait3A_72 = tpu.memref_slice %arg14[%dma_wait3A_71] : memref<100096xf32, #tpu.memory_space<vmem_shared>> -> memref<100096xf32, #tpu.memory_space<vmem_shared>>
      tpu.wait_indirect_dma semaphore(%run_scoped3A_62 : memref<!tpu.dma_semaphore, #tpu.memory_space<semaphore_mem>>) src(%arg8 : memref<128xf32, #tpu.memory_space<vmem>>) dst(%dma_wait3A_72 : memref<100096xf32, #tpu.memory_space<vmem_shared>>)
      tpu.yield
    }) : () -> ()
    %run_scoped3A_36 = arith.constant 6 : i32
    "tpu.region"() ({
      %run_scoped3A_62 = tpu.sem_alloc : memref<!tpu.dma_semaphore, #tpu.memory_space<semaphore_mem>>
      %dma_start3A_63 = arith.constant 0 : i32
      %dma_start3A_64 = tpu.memref_slice %arg7[%run_scoped3A_36, %dma_start3A_63] : memref<8x128xi32, #tpu.memory_space<vmem>> -> memref<1x128xi32, #tpu.memory_space<vmem>>
      %dma_start3A_65 = tpu.memref_squeeze %dma_start3A_64 : memref<1x128xi32, #tpu.memory_space<vmem>> -> memref<128xi32, #tpu.memory_space<vmem>>
      %dma_start3A_66 = arith.constant 0 : i32
      %dma_start3A_67 = tpu.memref_slice %arg14[%dma_start3A_66] : memref<100096xf32, #tpu.memory_space<vmem_shared>> -> memref<100096xf32, #tpu.memory_space<vmem_shared>>
      tpu.enqueue_indirect_dma source(%arg8 : memref<128xf32, #tpu.memory_space<vmem>>) target(%dma_start3A_67 : memref<100096xf32, #tpu.memory_space<vmem_shared>>) offsets(%dma_start3A_65 : memref<128xi32, #tpu.memory_space<vmem>>) semaphore(%run_scoped3A_62 : memref<!tpu.dma_semaphore, #tpu.memory_space<semaphore_mem>>) {add = true}
      %dma_wait3A_68 = arith.constant 0 : i32
      %dma_wait3A_69 = tpu.memref_slice %arg7[%run_scoped3A_36, %dma_wait3A_68] : memref<8x128xi32, #tpu.memory_space<vmem>> -> memref<1x128xi32, #tpu.memory_space<vmem>>
      %dma_wait3A_70 = tpu.memref_squeeze %dma_wait3A_69 : memref<1x128xi32, #tpu.memory_space<vmem>> -> memref<128xi32, #tpu.memory_space<vmem>>
      %dma_wait3A_71 = arith.constant 0 : i32
      %dma_wait3A_72 = tpu.memref_slice %arg14[%dma_wait3A_71] : memref<100096xf32, #tpu.memory_space<vmem_shared>> -> memref<100096xf32, #tpu.memory_space<vmem_shared>>
      tpu.wait_indirect_dma semaphore(%run_scoped3A_62 : memref<!tpu.dma_semaphore, #tpu.memory_space<semaphore_mem>>) src(%arg8 : memref<128xf32, #tpu.memory_space<vmem>>) dst(%dma_wait3A_72 : memref<100096xf32, #tpu.memory_space<vmem_shared>>)
      tpu.yield
    }) : () -> ()
    %run_scoped3A_37 = arith.constant 7 : i32
    "tpu.region"() ({
      %run_scoped3A_62 = tpu.sem_alloc : memref<!tpu.dma_semaphore, #tpu.memory_space<semaphore_mem>>
      %dma_start3A_63 = arith.constant 0 : i32
      %dma_start3A_64 = tpu.memref_slice %arg7[%run_scoped3A_37, %dma_start3A_63] : memref<8x128xi32, #tpu.memory_space<vmem>> -> memref<1x128xi32, #tpu.memory_space<vmem>>
      %dma_start3A_65 = tpu.memref_squeeze %dma_start3A_64 : memref<1x128xi32, #tpu.memory_space<vmem>> -> memref<128xi32, #tpu.memory_space<vmem>>
      %dma_start3A_66 = arith.constant 0 : i32
      %dma_start3A_67 = tpu.memref_slice %arg14[%dma_start3A_66] : memref<100096xf32, #tpu.memory_space<vmem_shared>> -> memref<100096xf32, #tpu.memory_space<vmem_shared>>
      tpu.enqueue_indirect_dma source(%arg8 : memref<128xf32, #tpu.memory_space<vmem>>) target(%dma_start3A_67 : memref<100096xf32, #tpu.memory_space<vmem_shared>>) offsets(%dma_start3A_65 : memref<128xi32, #tpu.memory_space<vmem>>) semaphore(%run_scoped3A_62 : memref<!tpu.dma_semaphore, #tpu.memory_space<semaphore_mem>>) {add = true}
      %dma_wait3A_68 = arith.constant 0 : i32
      %dma_wait3A_69 = tpu.memref_slice %arg7[%run_scoped3A_37, %dma_wait3A_68] : memref<8x128xi32, #tpu.memory_space<vmem>> -> memref<1x128xi32, #tpu.memory_space<vmem>>
      %dma_wait3A_70 = tpu.memref_squeeze %dma_wait3A_69 : memref<1x128xi32, #tpu.memory_space<vmem>> -> memref<128xi32, #tpu.memory_space<vmem>>
      %dma_wait3A_71 = arith.constant 0 : i32
      %dma_wait3A_72 = tpu.memref_slice %arg14[%dma_wait3A_71] : memref<100096xf32, #tpu.memory_space<vmem_shared>> -> memref<100096xf32, #tpu.memory_space<vmem_shared>>
      tpu.wait_indirect_dma semaphore(%run_scoped3A_62 : memref<!tpu.dma_semaphore, #tpu.memory_space<semaphore_mem>>) src(%arg8 : memref<128xf32, #tpu.memory_space<vmem>>) dst(%dma_wait3A_72 : memref<100096xf32, #tpu.memory_space<vmem_shared>>)
      tpu.yield
    }) : () -> ()
    %barrier3A_38 = arith.constant 0 : index
    tpu.barrier barrier_id(%barrier3A_38)
    %run_scoped3A_39 = arith.constant 0 : i32
    %run_scoped3A_40 = arith.constant 0 : i32
    "tpu.region"() ({
      %run_scoped3A_62 = tpu.sem_alloc : memref<!tpu.dma_semaphore, #tpu.memory_space<semaphore_mem>>
      %dma_start3A_63 = arith.constant 0 : i32
      %dma_start3A_64 = tpu.memref_slice %arg10[%run_scoped3A_40, %dma_start3A_63] : memref<4x128xf32, #tpu.memory_space<vmem>> -> memref<1x128xf32, #tpu.memory_space<vmem>>
      %dma_start3A_65 = tpu.memref_squeeze %dma_start3A_64 : memref<1x128xf32, #tpu.memory_space<vmem>> -> memref<128xf32, #tpu.memory_space<vmem>>
      %dma_start3A_66 = arith.constant 0 : i32
      %dma_start3A_67 = tpu.memref_slice %arg6[%run_scoped3A_39, %dma_start3A_66] : memref<4x128xi32, #tpu.memory_space<vmem>> -> memref<1x128xi32, #tpu.memory_space<vmem>>
      %dma_start3A_68 = tpu.memref_squeeze %dma_start3A_67 : memref<1x128xi32, #tpu.memory_space<vmem>> -> memref<128xi32, #tpu.memory_space<vmem>>
      %dma_start3A_69 = arith.constant 0 : i32
      %dma_start3A_70 = tpu.memref_slice %arg14[%dma_start3A_69] : memref<100096xf32, #tpu.memory_space<vmem_shared>> -> memref<100096xf32, #tpu.memory_space<vmem_shared>>
      tpu.enqueue_indirect_dma source(%dma_start3A_70 : memref<100096xf32, #tpu.memory_space<vmem_shared>>) target(%dma_start3A_65 : memref<128xf32, #tpu.memory_space<vmem>>) offsets(%dma_start3A_68 : memref<128xi32, #tpu.memory_space<vmem>>) semaphore(%run_scoped3A_62 : memref<!tpu.dma_semaphore, #tpu.memory_space<semaphore_mem>>)
      %dma_wait3A_71 = arith.constant 0 : i32
      %dma_wait3A_72 = tpu.memref_slice %arg10[%run_scoped3A_40, %dma_wait3A_71] : memref<4x128xf32, #tpu.memory_space<vmem>> -> memref<1x128xf32, #tpu.memory_space<vmem>>
      %dma_wait3A_73 = tpu.memref_squeeze %dma_wait3A_72 : memref<1x128xf32, #tpu.memory_space<vmem>> -> memref<128xf32, #tpu.memory_space<vmem>>
      %dma_wait3A_74 = arith.constant 0 : i32
      %dma_wait3A_75 = tpu.memref_slice %arg6[%run_scoped3A_39, %dma_wait3A_74] : memref<4x128xi32, #tpu.memory_space<vmem>> -> memref<1x128xi32, #tpu.memory_space<vmem>>
      %dma_wait3A_76 = tpu.memref_squeeze %dma_wait3A_75 : memref<1x128xi32, #tpu.memory_space<vmem>> -> memref<128xi32, #tpu.memory_space<vmem>>
      %dma_wait3A_77 = arith.constant 0 : i32
      %dma_wait3A_78 = tpu.memref_slice %arg14[%dma_wait3A_77] : memref<100096xf32, #tpu.memory_space<vmem_shared>> -> memref<100096xf32, #tpu.memory_space<vmem_shared>>
      tpu.wait_indirect_dma semaphore(%run_scoped3A_62 : memref<!tpu.dma_semaphore, #tpu.memory_space<semaphore_mem>>) src(%dma_wait3A_78 : memref<100096xf32, #tpu.memory_space<vmem_shared>>) dst(%dma_wait3A_73 : memref<128xf32, #tpu.memory_space<vmem>>)
      tpu.yield
    }) : () -> ()
    %run_scoped3A_41 = arith.constant 1 : i32
    %run_scoped3A_42 = arith.constant 1 : i32
    "tpu.region"() ({
      %run_scoped3A_62 = tpu.sem_alloc : memref<!tpu.dma_semaphore, #tpu.memory_space<semaphore_mem>>
      %dma_start3A_63 = arith.constant 0 : i32
      %dma_start3A_64 = tpu.memref_slice %arg10[%run_scoped3A_42, %dma_start3A_63] : memref<4x128xf32, #tpu.memory_space<vmem>> -> memref<1x128xf32, #tpu.memory_space<vmem>>
      %dma_start3A_65 = tpu.memref_squeeze %dma_start3A_64 : memref<1x128xf32, #tpu.memory_space<vmem>> -> memref<128xf32, #tpu.memory_space<vmem>>
      %dma_start3A_66 = arith.constant 0 : i32
      %dma_start3A_67 = tpu.memref_slice %arg6[%run_scoped3A_41, %dma_start3A_66] : memref<4x128xi32, #tpu.memory_space<vmem>> -> memref<1x128xi32, #tpu.memory_space<vmem>>
      %dma_start3A_68 = tpu.memref_squeeze %dma_start3A_67 : memref<1x128xi32, #tpu.memory_space<vmem>> -> memref<128xi32, #tpu.memory_space<vmem>>
      %dma_start3A_69 = arith.constant 0 : i32
      %dma_start3A_70 = tpu.memref_slice %arg14[%dma_start3A_69] : memref<100096xf32, #tpu.memory_space<vmem_shared>> -> memref<100096xf32, #tpu.memory_space<vmem_shared>>
      tpu.enqueue_indirect_dma source(%dma_start3A_70 : memref<100096xf32, #tpu.memory_space<vmem_shared>>) target(%dma_start3A_65 : memref<128xf32, #tpu.memory_space<vmem>>) offsets(%dma_start3A_68 : memref<128xi32, #tpu.memory_space<vmem>>) semaphore(%run_scoped3A_62 : memref<!tpu.dma_semaphore, #tpu.memory_space<semaphore_mem>>)
      %dma_wait3A_71 = arith.constant 0 : i32
      %dma_wait3A_72 = tpu.memref_slice %arg10[%run_scoped3A_42, %dma_wait3A_71] : memref<4x128xf32, #tpu.memory_space<vmem>> -> memref<1x128xf32, #tpu.memory_space<vmem>>
      %dma_wait3A_73 = tpu.memref_squeeze %dma_wait3A_72 : memref<1x128xf32, #tpu.memory_space<vmem>> -> memref<128xf32, #tpu.memory_space<vmem>>
      %dma_wait3A_74 = arith.constant 0 : i32
      %dma_wait3A_75 = tpu.memref_slice %arg6[%run_scoped3A_41, %dma_wait3A_74] : memref<4x128xi32, #tpu.memory_space<vmem>> -> memref<1x128xi32, #tpu.memory_space<vmem>>
      %dma_wait3A_76 = tpu.memref_squeeze %dma_wait3A_75 : memref<1x128xi32, #tpu.memory_space<vmem>> -> memref<128xi32, #tpu.memory_space<vmem>>
      %dma_wait3A_77 = arith.constant 0 : i32
      %dma_wait3A_78 = tpu.memref_slice %arg14[%dma_wait3A_77] : memref<100096xf32, #tpu.memory_space<vmem_shared>> -> memref<100096xf32, #tpu.memory_space<vmem_shared>>
      tpu.wait_indirect_dma semaphore(%run_scoped3A_62 : memref<!tpu.dma_semaphore, #tpu.memory_space<semaphore_mem>>) src(%dma_wait3A_78 : memref<100096xf32, #tpu.memory_space<vmem_shared>>) dst(%dma_wait3A_73 : memref<128xf32, #tpu.memory_space<vmem>>)
      tpu.yield
    }) : () -> ()
    %run_scoped3A_43 = arith.constant 2 : i32
    %run_scoped3A_44 = arith.constant 2 : i32
    "tpu.region"() ({
      %run_scoped3A_62 = tpu.sem_alloc : memref<!tpu.dma_semaphore, #tpu.memory_space<semaphore_mem>>
      %dma_start3A_63 = arith.constant 0 : i32
      %dma_start3A_64 = tpu.memref_slice %arg10[%run_scoped3A_44, %dma_start3A_63] : memref<4x128xf32, #tpu.memory_space<vmem>> -> memref<1x128xf32, #tpu.memory_space<vmem>>
      %dma_start3A_65 = tpu.memref_squeeze %dma_start3A_64 : memref<1x128xf32, #tpu.memory_space<vmem>> -> memref<128xf32, #tpu.memory_space<vmem>>
      %dma_start3A_66 = arith.constant 0 : i32
      %dma_start3A_67 = tpu.memref_slice %arg6[%run_scoped3A_43, %dma_start3A_66] : memref<4x128xi32, #tpu.memory_space<vmem>> -> memref<1x128xi32, #tpu.memory_space<vmem>>
      %dma_start3A_68 = tpu.memref_squeeze %dma_start3A_67 : memref<1x128xi32, #tpu.memory_space<vmem>> -> memref<128xi32, #tpu.memory_space<vmem>>
      %dma_start3A_69 = arith.constant 0 : i32
      %dma_start3A_70 = tpu.memref_slice %arg14[%dma_start3A_69] : memref<100096xf32, #tpu.memory_space<vmem_shared>> -> memref<100096xf32, #tpu.memory_space<vmem_shared>>
      tpu.enqueue_indirect_dma source(%dma_start3A_70 : memref<100096xf32, #tpu.memory_space<vmem_shared>>) target(%dma_start3A_65 : memref<128xf32, #tpu.memory_space<vmem>>) offsets(%dma_start3A_68 : memref<128xi32, #tpu.memory_space<vmem>>) semaphore(%run_scoped3A_62 : memref<!tpu.dma_semaphore, #tpu.memory_space<semaphore_mem>>)
      %dma_wait3A_71 = arith.constant 0 : i32
      %dma_wait3A_72 = tpu.memref_slice %arg10[%run_scoped3A_44, %dma_wait3A_71] : memref<4x128xf32, #tpu.memory_space<vmem>> -> memref<1x128xf32, #tpu.memory_space<vmem>>
      %dma_wait3A_73 = tpu.memref_squeeze %dma_wait3A_72 : memref<1x128xf32, #tpu.memory_space<vmem>> -> memref<128xf32, #tpu.memory_space<vmem>>
      %dma_wait3A_74 = arith.constant 0 : i32
      %dma_wait3A_75 = tpu.memref_slice %arg6[%run_scoped3A_43, %dma_wait3A_74] : memref<4x128xi32, #tpu.memory_space<vmem>> -> memref<1x128xi32, #tpu.memory_space<vmem>>
      %dma_wait3A_76 = tpu.memref_squeeze %dma_wait3A_75 : memref<1x128xi32, #tpu.memory_space<vmem>> -> memref<128xi32, #tpu.memory_space<vmem>>
      %dma_wait3A_77 = arith.constant 0 : i32
      %dma_wait3A_78 = tpu.memref_slice %arg14[%dma_wait3A_77] : memref<100096xf32, #tpu.memory_space<vmem_shared>> -> memref<100096xf32, #tpu.memory_space<vmem_shared>>
      tpu.wait_indirect_dma semaphore(%run_scoped3A_62 : memref<!tpu.dma_semaphore, #tpu.memory_space<semaphore_mem>>) src(%dma_wait3A_78 : memref<100096xf32, #tpu.memory_space<vmem_shared>>) dst(%dma_wait3A_73 : memref<128xf32, #tpu.memory_space<vmem>>)
      tpu.yield
    }) : () -> ()
    %run_scoped3A_45 = arith.constant 3 : i32
    %run_scoped3A_46 = arith.constant 3 : i32
    "tpu.region"() ({
      %run_scoped3A_62 = tpu.sem_alloc : memref<!tpu.dma_semaphore, #tpu.memory_space<semaphore_mem>>
      %dma_start3A_63 = arith.constant 0 : i32
      %dma_start3A_64 = tpu.memref_slice %arg10[%run_scoped3A_46, %dma_start3A_63] : memref<4x128xf32, #tpu.memory_space<vmem>> -> memref<1x128xf32, #tpu.memory_space<vmem>>
      %dma_start3A_65 = tpu.memref_squeeze %dma_start3A_64 : memref<1x128xf32, #tpu.memory_space<vmem>> -> memref<128xf32, #tpu.memory_space<vmem>>
      %dma_start3A_66 = arith.constant 0 : i32
      %dma_start3A_67 = tpu.memref_slice %arg6[%run_scoped3A_45, %dma_start3A_66] : memref<4x128xi32, #tpu.memory_space<vmem>> -> memref<1x128xi32, #tpu.memory_space<vmem>>
      %dma_start3A_68 = tpu.memref_squeeze %dma_start3A_67 : memref<1x128xi32, #tpu.memory_space<vmem>> -> memref<128xi32, #tpu.memory_space<vmem>>
      %dma_start3A_69 = arith.constant 0 : i32
      %dma_start3A_70 = tpu.memref_slice %arg14[%dma_start3A_69] : memref<100096xf32, #tpu.memory_space<vmem_shared>> -> memref<100096xf32, #tpu.memory_space<vmem_shared>>
      tpu.enqueue_indirect_dma source(%dma_start3A_70 : memref<100096xf32, #tpu.memory_space<vmem_shared>>) target(%dma_start3A_65 : memref<128xf32, #tpu.memory_space<vmem>>) offsets(%dma_start3A_68 : memref<128xi32, #tpu.memory_space<vmem>>) semaphore(%run_scoped3A_62 : memref<!tpu.dma_semaphore, #tpu.memory_space<semaphore_mem>>)
      %dma_wait3A_71 = arith.constant 0 : i32
      %dma_wait3A_72 = tpu.memref_slice %arg10[%run_scoped3A_46, %dma_wait3A_71] : memref<4x128xf32, #tpu.memory_space<vmem>> -> memref<1x128xf32, #tpu.memory_space<vmem>>
      %dma_wait3A_73 = tpu.memref_squeeze %dma_wait3A_72 : memref<1x128xf32, #tpu.memory_space<vmem>> -> memref<128xf32, #tpu.memory_space<vmem>>
      %dma_wait3A_74 = arith.constant 0 : i32
      %dma_wait3A_75 = tpu.memref_slice %arg6[%run_scoped3A_45, %dma_wait3A_74] : memref<4x128xi32, #tpu.memory_space<vmem>> -> memref<1x128xi32, #tpu.memory_space<vmem>>
      %dma_wait3A_76 = tpu.memref_squeeze %dma_wait3A_75 : memref<1x128xi32, #tpu.memory_space<vmem>> -> memref<128xi32, #tpu.memory_space<vmem>>
      %dma_wait3A_77 = arith.constant 0 : i32
      %dma_wait3A_78 = tpu.memref_slice %arg14[%dma_wait3A_77] : memref<100096xf32, #tpu.memory_space<vmem_shared>> -> memref<100096xf32, #tpu.memory_space<vmem_shared>>
      tpu.wait_indirect_dma semaphore(%run_scoped3A_62 : memref<!tpu.dma_semaphore, #tpu.memory_space<semaphore_mem>>) src(%dma_wait3A_78 : memref<100096xf32, #tpu.memory_space<vmem_shared>>) dst(%dma_wait3A_73 : memref<128xf32, #tpu.memory_space<vmem>>)
      tpu.yield
    }) : () -> ()
    %dma_wait3A_47 = arith.constant 0 : i32
    %dma_wait3A_48 = arith.constant 0 : i32
    %dma_wait3A_49 = arith.constant 0 : i32
    %dma_wait3A_50 = tpu.memref_slice %arg4[%dma_wait3A_47, %dma_wait3A_48, %dma_wait3A_49] : memref<12500x8x64xf32, #tpu.memory_space<hbm>> -> memref<64x8x64xf32, #tpu.memory_space<hbm>>
    %dma_wait3A_51 = arith.constant 0 : i32
    %dma_wait3A_52 = arith.constant 0 : i32
    %dma_wait3A_53 = arith.constant 0 : i32
    %dma_wait3A_54 = tpu.memref_slice %arg4[%dma_wait3A_51, %dma_wait3A_52, %dma_wait3A_53] : memref<12500x8x64xf32, #tpu.memory_space<hbm>> -> memref<64x8x64xf32, #tpu.memory_space<hbm>>
    tpu.wait_dma2 semaphore(%arg16 : memref<!tpu.dma_semaphore, #tpu.memory_space<semaphore_mem>>) src(%dma_wait3A_54 : memref<64x8x64xf32, #tpu.memory_space<hbm>>) dst(%arg12 : memref<64x8x64xf32, #tpu.memory_space<vmem>>)
    %dma_wait3A_55 = tpu.memref_slice %arg2[%mul3A_15] : memref<1048576xf32, #tpu.memory_space<hbm>> -> memref<32768xf32, #tpu.memory_space<hbm>>
    %dma_wait3A_56 = tpu.memref_slice %arg2[%mul3A_15] : memref<1048576xf32, #tpu.memory_space<hbm>> -> memref<32768xf32, #tpu.memory_space<hbm>>
    tpu.wait_dma2 semaphore(%arg15 : memref<!tpu.dma_semaphore, #tpu.memory_space<semaphore_mem>>) src(%dma_wait3A_56 : memref<32768xf32, #tpu.memory_space<hbm>>) dst(%arg11 : memref<32768xf32, #tpu.memory_space<vmem>>)
    %scan3A_57 = arith.constant 0 : i32
    %scan3A_58 = arith.constant 32 : i32
    %scan3A_59 = arith.addi %scan3A_57, %scan3A_58 : i32
    %scan3A_60 = arith.constant 1 : i32
    scf.for %scan3A_62 = %scan3A_57 to %scan3A_59 step %scan3A_60  : i32 {
      %mul3A_63 = arith.constant 1 : i32
      %mul3A_64 = arith.muli %scan3A_62, %mul3A_63 : i32
      %add3A_65 = arith.constant 0 : i32
      %add3A_66 = arith.addi %add3A_65, %mul3A_64 : i32
      %shift_right_arithmetic3A = arith.constant 3 : i32
      %shift_right_arithmetic3A_67 = arith.shrsi %add3A_66, %shift_right_arithmetic3A : i32
      %and3A = arith.constant 7 : i32
      %and3A_68 = arith.andi %add3A_66, %and3A : i32
      %mul3A_69 = arith.constant 16 : i32
      %mul3A_70 = arith.muli %and3A_68, %mul3A_69 : i32
      %get3A = arith.index_cast %shift_right_arithmetic3A_67 : i32 to index
      %get3A_71 = arith.index_cast %mul3A_70 : i32 to index
      %get3A_72 = tpu.vector_load %arg10[%get3A, %get3A_71] {strides = array<i32>} : memref<4x128xf32, #tpu.memory_space<vmem>>, vector<16xf32>,
      %add3A_73 = arith.constant 1.000000e+00 : f32
      %add3A_74 = vector.broadcast %add3A_73 : f32 to vector<16xf32>
      %add3A_75 = arith.addf %get3A_72, %add3A_74 : vector<16xf32>
      %div3A = arith.constant 5.000000e-01 : f32
      %div3A_76 = vector.broadcast %div3A : f32 to vector<16xf32>
      %div3A_77 = arith.divf %div3A_76, %add3A_75 : vector<16xf32>
      %get3A_78 = arith.constant 0 : index
      %get3A_79 = tpu.vector_load %arg13[%get3A_78] {strides = array<i32>} : memref<16xf32, #tpu.memory_space<vmem>>, vector<16xf32>,
      %mul3A_80 = arith.constant 16 : i32
      %mul3A_81 = arith.muli %add3A_66, %mul3A_80 : i32
      %add3A_82 = arith.constant 0 : i32
      %add3A_83 = arith.addi %mul3A_81, %add3A_82 : i32
      %mul3A_84 = arith.constant 64 : i32
      %mul3A_85 = arith.muli %add3A_83, %mul3A_84 : i32
      %get3A_86 = arith.index_cast %mul3A_85 : i32 to index
      %get3A_87 = tpu.vector_load %arg11[%get3A_86] {strides = array<i32>} : memref<32768xf32, #tpu.memory_space<vmem>>, vector<16xf32>,
      %add3A_88 = arith.constant 16 : i32
      %add3A_89 = arith.addi %mul3A_85, %add3A_88 : i32
      %get3A_90 = arith.index_cast %add3A_89 : i32 to index
      %get3A_91 = tpu.vector_load %arg11[%get3A_90] {strides = array<i32>} : memref<32768xf32, #tpu.memory_space<vmem>>, vector<16xf32>,
      %add3A_92 = arith.constant 32 : i32
      %add3A_93 = arith.addi %mul3A_85, %add3A_92 : i32
      %get3A_94 = arith.index_cast %add3A_93 : i32 to index
      %get3A_95 = tpu.vector_load %arg11[%get3A_94] {strides = array<i32>} : memref<32768xf32, #tpu.memory_space<vmem>>, vector<16xf32>,
      %add3A_96 = arith.constant 48 : i32
      %add3A_97 = arith.addi %mul3A_85, %add3A_96 : i32
      %get3A_98 = arith.index_cast %add3A_97 : i32 to index
      %get3A_99 = tpu.vector_load %arg11[%get3A_98] {strides = array<i32>} : memref<32768xf32, #tpu.memory_space<vmem>>, vector<16xf32>,
      %mul3A_100 = arith.mulf %get3A_87, %get3A_87 : vector<16xf32>
      %mul3A_101 = arith.mulf %get3A_91, %get3A_91 : vector<16xf32>
      %add3A_102 = arith.addf %mul3A_100, %mul3A_101 : vector<16xf32>
      %mul3A_103 = arith.mulf %get3A_95, %get3A_95 : vector<16xf32>
      %mul3A_104 = arith.mulf %get3A_99, %get3A_99 : vector<16xf32>
      %add3A_105 = arith.addf %mul3A_103, %mul3A_104 : vector<16xf32>
      %add3A_106 = arith.addf %add3A_102, %add3A_105 : vector<16xf32>
      %reduce_sum3A = arith.constant true
      %reduce_sum3A_107 = vector.broadcast %reduce_sum3A : i1 to vector<16xi1>
      %reduce_sum3A_108 = tpu.scan <sum>, %add3A_106 masked %reduce_sum3A_107 : vector<16xf32>, vector<16xi1> -> vector<16xf32>
      %reduce_sum3A_109 = vector.extract %reduce_sum3A_108[15] : f32 from vector<16xf32>
      %broadcast_in_dim3A_110 = vector.broadcast %reduce_sum3A_109 : f32 to vector<16xf32>
      %bitcast3A = vector.bitcast %broadcast_in_dim3A_110 : vector<16xf32> to vector<16xi32>
      %shift_right_arithmetic3A_111 = arith.constant 1 : i32
      %shift_right_arithmetic3A_112 = vector.broadcast %shift_right_arithmetic3A_111 : i32 to vector<16xi32>
      %shift_right_arithmetic3A_113 = arith.shrsi %bitcast3A, %shift_right_arithmetic3A_112 : vector<16xi32>
      %sub3A = arith.constant 1597463007 : i32
      %sub3A_114 = vector.broadcast %sub3A : i32 to vector<16xi32>
      %sub3A_115 = arith.subi %sub3A_114, %shift_right_arithmetic3A_113 : vector<16xi32>
      %bitcast3A_116 = vector.bitcast %sub3A_115 : vector<16xi32> to vector<16xf32>
      %mul3A_117 = arith.constant 5.000000e-01 : f32
      %mul3A_118 = vector.broadcast %mul3A_117 : f32 to vector<16xf32>
      %mul3A_119 = arith.mulf %mul3A_118, %broadcast_in_dim3A_110 : vector<16xf32>
      %mul3A_120 = arith.mulf %mul3A_119, %bitcast3A_116 : vector<16xf32>
      %mul3A_121 = arith.mulf %mul3A_120, %bitcast3A_116 : vector<16xf32>
      %sub3A_122 = arith.constant 1.500000e+00 : f32
      %sub3A_123 = vector.broadcast %sub3A_122 : f32 to vector<16xf32>
      %sub3A_124 = arith.subf %sub3A_123, %mul3A_121 : vector<16xf32>
      %mul3A_125 = arith.mulf %bitcast3A_116, %sub3A_124 : vector<16xf32>
      %mul3A_126 = arith.mulf %mul3A_119, %mul3A_125 : vector<16xf32>
      %mul3A_127 = arith.mulf %mul3A_126, %mul3A_125 : vector<16xf32>
      %sub3A_128 = arith.constant 1.500000e+00 : f32
      %sub3A_129 = vector.broadcast %sub3A_128 : f32 to vector<16xf32>
      %sub3A_130 = arith.subf %sub3A_129, %mul3A_127 : vector<16xf32>
      %mul3A_131 = arith.mulf %mul3A_125, %sub3A_130 : vector<16xf32>
      %lt3A = arith.constant 1.000000e-24 : f32
      %lt3A_132 = vector.broadcast %lt3A : f32 to vector<16xf32>
      %lt3A_133 = arith.cmpf olt, %broadcast_in_dim3A_110, %lt3A_132 : vector<16xf32>
      %jit3A = arith.constant 9.99999995E+11 : f32
      %broadcast_in_dim3A_134 = vector.broadcast %jit3A : f32 to vector<16xf32>
      %select_n3A = arith.select %lt3A_133, %broadcast_in_dim3A_134, %mul3A_131 : vector<16xi1>, vector<16xf32>
      %slice3A = vector.extract_strided_slice %div3A_77 {offsets = [0], sizes = [1], strides = [1]} : vector<16xf32> to vector<1xf32>
      %squeeze3A = vector.extract %slice3A[0] : f32 from vector<1xf32>
      %broadcast_in_dim3A_135 = vector.broadcast %squeeze3A : f32 to vector<16xf32>
      %shift_right_arithmetic3A_136 = arith.constant 3 : i32
      %shift_right_arithmetic3A_137 = arith.shrsi %add3A_83, %shift_right_arithmetic3A_136 : i32
      %and3A_138 = arith.constant 7 : i32
      %and3A_139 = arith.andi %add3A_83, %and3A_138 : i32
      %mul3A_140 = arith.mulf %get3A_87, %select_n3A : vector<16xf32>
      %get3A_141 = arith.index_cast %shift_right_arithmetic3A_137 : i32 to index
      %get3A_142 = arith.index_cast %and3A_139 : i32 to index
      %get3A_143 = arith.constant 0 : index
      %get3A_144 = tpu.vector_load %arg12[%get3A_141, %get3A_142, %get3A_143] {strides = array<i32>} : memref<64x8x64xf32, #tpu.memory_space<vmem>>, vector<16xf32>,
      %sub3A_145 = arith.subf %mul3A_140, %get3A_144 : vector<16xf32>
      %mul3A_146 = arith.mulf %get3A_91, %select_n3A : vector<16xf32>
      %get3A_147 = arith.index_cast %shift_right_arithmetic3A_137 : i32 to index
      %get3A_148 = arith.index_cast %and3A_139 : i32 to index
      %get3A_149 = arith.constant 16 : index
      %get3A_150 = tpu.vector_load %arg12[%get3A_147, %get3A_148, %get3A_149] {strides = array<i32>} : memref<64x8x64xf32, #tpu.memory_space<vmem>>, vector<16xf32>,
      %sub3A_151 = arith.subf %mul3A_146, %get3A_150 : vector<16xf32>
      %mul3A_152 = arith.mulf %get3A_95, %select_n3A : vector<16xf32>
      %get3A_153 = arith.index_cast %shift_right_arithmetic3A_137 : i32 to index
      %get3A_154 = arith.index_cast %and3A_139 : i32 to index
      %get3A_155 = arith.constant 32 : index
      %get3A_156 = tpu.vector_load %arg12[%get3A_153, %get3A_154, %get3A_155] {strides = array<i32>} : memref<64x8x64xf32, #tpu.memory_space<vmem>>, vector<16xf32>,
      %sub3A_157 = arith.subf %mul3A_152, %get3A_156 : vector<16xf32>
      %mul3A_158 = arith.mulf %get3A_99, %select_n3A : vector<16xf32>
      %get3A_159 = arith.index_cast %shift_right_arithmetic3A_137 : i32 to index
      %get3A_160 = arith.index_cast %and3A_139 : i32 to index
      %get3A_161 = arith.constant 48 : index
      %get3A_162 = tpu.vector_load %arg12[%get3A_159, %get3A_160, %get3A_161] {strides = array<i32>} : memref<64x8x64xf32, #tpu.memory_space<vmem>>, vector<16xf32>,
      %sub3A_163 = arith.subf %mul3A_158, %get3A_162 : vector<16xf32>
      %mul3A_164 = arith.mulf %sub3A_145, %sub3A_145 : vector<16xf32>
      %mul3A_165 = arith.mulf %sub3A_151, %sub3A_151 : vector<16xf32>
      %add3A_166 = arith.addf %mul3A_164, %mul3A_165 : vector<16xf32>
      %mul3A_167 = arith.mulf %sub3A_157, %sub3A_157 : vector<16xf32>
      %mul3A_168 = arith.mulf %sub3A_163, %sub3A_163 : vector<16xf32>
      %add3A_169 = arith.addf %mul3A_167, %mul3A_168 : vector<16xf32>
      %add3A_170 = arith.addf %add3A_166, %add3A_169 : vector<16xf32>
      %mul3A_171 = arith.mulf %broadcast_in_dim3A_135, %add3A_170 : vector<16xf32>
      %add3A_172 = arith.addf %get3A_79, %mul3A_171 : vector<16xf32>
      %mul3A_173 = arith.constant 16 : i32
      %mul3A_174 = arith.muli %add3A_66, %mul3A_173 : i32
      %add3A_175 = arith.constant 1 : i32
      %add3A_176 = arith.addi %mul3A_174, %add3A_175 : i32
      %mul3A_177 = arith.constant 64 : i32
      %mul3A_178 = arith.muli %add3A_176, %mul3A_177 : i32
      %get3A_179 = arith.index_cast %mul3A_178 : i32 to index
      %get3A_180 = tpu.vector_load %arg11[%get3A_179] {strides = array<i32>} : memref<32768xf32, #tpu.memory_space<vmem>>, vector<16xf32>,
      %add3A_181 = arith.constant 16 : i32
      %add3A_182 = arith.addi %mul3A_178, %add3A_181 : i32
      %get3A_183 = arith.index_cast %add3A_182 : i32 to index
      %get3A_184 = tpu.vector_load %arg11[%get3A_183] {strides = array<i32>} : memref<32768xf32, #tpu.memory_space<vmem>>, vector<16xf32>,
      %add3A_185 = arith.constant 32 : i32
      %add3A_186 = arith.addi %mul3A_178, %add3A_185 : i32
      %get3A_187 = arith.index_cast %add3A_186 : i32 to index
      %get3A_188 = tpu.vector_load %arg11[%get3A_187] {strides = array<i32>} : memref<32768xf32, #tpu.memory_space<vmem>>, vector<16xf32>,
      %add3A_189 = arith.constant 48 : i32
      %add3A_190 = arith.addi %mul3A_178, %add3A_189 : i32
      %get3A_191 = arith.index_cast %add3A_190 : i32 to index
      %get3A_192 = tpu.vector_load %arg11[%get3A_191] {strides = array<i32>} : memref<32768xf32, #tpu.memory_space<vmem>>, vector<16xf32>,
      %mul3A_193 = arith.mulf %get3A_180, %get3A_180 : vector<16xf32>
      %mul3A_194 = arith.mulf %get3A_184, %get3A_184 : vector<16xf32>
      %add3A_195 = arith.addf %mul3A_193, %mul3A_194 : vector<16xf32>
      %mul3A_196 = arith.mulf %get3A_188, %get3A_188 : vector<16xf32>
      %mul3A_197 = arith.mulf %get3A_192, %get3A_192 : vector<16xf32>
      %add3A_198 = arith.addf %mul3A_196, %mul3A_197 : vector<16xf32>
      %add3A_199 = arith.addf %add3A_195, %add3A_198 : vector<16xf32>
      %reduce_sum3A_200 = arith.constant true
      %reduce_sum3A_201 = vector.broadcast %reduce_sum3A_200 : i1 to vector<16xi1>
      %reduce_sum3A_202 = tpu.scan <sum>, %add3A_199 masked %reduce_sum3A_201 : vector<16xf32>, vector<16xi1> -> vector<16xf32>
      %reduce_sum3A_203 = vector.extract %reduce_sum3A_202[15] : f32 from vector<16xf32>
      %broadcast_in_dim3A_204 = vector.broadcast %reduce_sum3A_203 : f32 to vector<16xf32>
      %bitcast3A_205 = vector.bitcast %broadcast_in_dim3A_204 : vector<16xf32> to vector<16xi32>
      %shift_right_arithmetic3A_206 = arith.constant 1 : i32
      %shift_right_arithmetic3A_207 = vector.broadcast %shift_right_arithmetic3A_206 : i32 to vector<16xi32>
      %shift_right_arithmetic3A_208 = arith.shrsi %bitcast3A_205, %shift_right_arithmetic3A_207 : vector<16xi32>
      %sub3A_209 = arith.constant 1597463007 : i32
      %sub3A_210 = vector.broadcast %sub3A_209 : i32 to vector<16xi32>
      %sub3A_211 = arith.subi %sub3A_210, %shift_right_arithmetic3A_208 : vector<16xi32>
      %bitcast3A_212 = vector.bitcast %sub3A_211 : vector<16xi32> to vector<16xf32>
      %mul3A_213 = arith.constant 5.000000e-01 : f32
      %mul3A_214 = vector.broadcast %mul3A_213 : f32 to vector<16xf32>
      %mul3A_215 = arith.mulf %mul3A_214, %broadcast_in_dim3A_204 : vector<16xf32>
      %mul3A_216 = arith.mulf %mul3A_215, %bitcast3A_212 : vector<16xf32>
      %mul3A_217 = arith.mulf %mul3A_216, %bitcast3A_212 : vector<16xf32>
      %sub3A_218 = arith.constant 1.500000e+00 : f32
      %sub3A_219 = vector.broadcast %sub3A_218 : f32 to vector<16xf32>
      %sub3A_220 = arith.subf %sub3A_219, %mul3A_217 : vector<16xf32>
      %mul3A_221 = arith.mulf %bitcast3A_212, %sub3A_220 : vector<16xf32>
      %mul3A_222 = arith.mulf %mul3A_215, %mul3A_221 : vector<16xf32>
      %mul3A_223 = arith.mulf %mul3A_222, %mul3A_221 : vector<16xf32>
      %sub3A_224 = arith.constant 1.500000e+00 : f32
      %sub3A_225 = vector.broadcast %sub3A_224 : f32 to vector<16xf32>
      %sub3A_226 = arith.subf %sub3A_225, %mul3A_223 : vector<16xf32>
      %mul3A_227 = arith.mulf %mul3A_221, %sub3A_226 : vector<16xf32>
      %lt3A_228 = arith.constant 1.000000e-24 : f32
      %lt3A_229 = vector.broadcast %lt3A_228 : f32 to vector<16xf32>
      %lt3A_230 = arith.cmpf olt, %broadcast_in_dim3A_204, %lt3A_229 : vector<16xf32>
      %jit3A_231 = arith.constant 9.99999995E+11 : f32
      %broadcast_in_dim3A_232 = vector.broadcast %jit3A_231 : f32 to vector<16xf32>
      %select_n3A_233 = arith.select %lt3A_230, %broadcast_in_dim3A_232, %mul3A_227 : vector<16xi1>, vector<16xf32>
      %slice3A_234 = vector.extract_strided_slice %div3A_77 {offsets = [1], sizes = [1], strides = [1]} : vector<16xf32> to vector<1xf32>
      %squeeze3A_235 = vector.extract %slice3A_234[0] : f32 from vector<1xf32>
      %broadcast_in_dim3A_236 = vector.broadcast %squeeze3A_235 : f32 to vector<16xf32>
      %shift_right_arithmetic3A_237 = arith.constant 3 : i32
      %shift_right_arithmetic3A_238 = arith.shrsi %add3A_176, %shift_right_arithmetic3A_237 : i32
      %and3A_239 = arith.constant 7 : i32
      %and3A_240 = arith.andi %add3A_176, %and3A_239 : i32
      %mul3A_241 = arith.mulf %get3A_180, %select_n3A_233 : vector<16xf32>
      %get3A_242 = arith.index_cast %shift_right_arithmetic3A_238 : i32 to index
      %get3A_243 = arith.index_cast %and3A_240 : i32 to index
      %get3A_244 = arith.constant 0 : index
      %get3A_245 = tpu.vector_load %arg12[%get3A_242, %get3A_243, %get3A_244] {strides = array<i32>} : memref<64x8x64xf32, #tpu.memory_space<vmem>>, vector<16xf32>,
      %sub3A_246 = arith.subf %mul3A_241, %get3A_245 : vector<16xf32>
      %mul3A_247 = arith.mulf %get3A_184, %select_n3A_233 : vector<16xf32>
      %get3A_248 = arith.index_cast %shift_right_arithmetic3A_238 : i32 to index
      %get3A_249 = arith.index_cast %and3A_240 : i32 to index
      %get3A_250 = arith.constant 16 : index
      %get3A_251 = tpu.vector_load %arg12[%get3A_248, %get3A_249, %get3A_250] {strides = array<i32>} : memref<64x8x64xf32, #tpu.memory_space<vmem>>, vector<16xf32>,
      %sub3A_252 = arith.subf %mul3A_247, %get3A_251 : vector<16xf32>
      %mul3A_253 = arith.mulf %get3A_188, %select_n3A_233 : vector<16xf32>
      %get3A_254 = arith.index_cast %shift_right_arithmetic3A_238 : i32 to index
      %get3A_255 = arith.index_cast %and3A_240 : i32 to index
      %get3A_256 = arith.constant 32 : index
      %get3A_257 = tpu.vector_load %arg12[%get3A_254, %get3A_255, %get3A_256] {strides = array<i32>} : memref<64x8x64xf32, #tpu.memory_space<vmem>>, vector<16xf32>,
      %sub3A_258 = arith.subf %mul3A_253, %get3A_257 : vector<16xf32>
      %mul3A_259 = arith.mulf %get3A_192, %select_n3A_233 : vector<16xf32>
      %get3A_260 = arith.index_cast %shift_right_arithmetic3A_238 : i32 to index
      %get3A_261 = arith.index_cast %and3A_240 : i32 to index
      %get3A_262 = arith.constant 48 : index
      %get3A_263 = tpu.vector_load %arg12[%get3A_260, %get3A_261, %get3A_262] {strides = array<i32>} : memref<64x8x64xf32, #tpu.memory_space<vmem>>, vector<16xf32>,
      %sub3A_264 = arith.subf %mul3A_259, %get3A_263 : vector<16xf32>
      %mul3A_265 = arith.mulf %sub3A_246, %sub3A_246 : vector<16xf32>
      %mul3A_266 = arith.mulf %sub3A_252, %sub3A_252 : vector<16xf32>
      %add3A_267 = arith.addf %mul3A_265, %mul3A_266 : vector<16xf32>
      %mul3A_268 = arith.mulf %sub3A_258, %sub3A_258 : vector<16xf32>
      %mul3A_269 = arith.mulf %sub3A_264, %sub3A_264 : vector<16xf32>
      %add3A_270 = arith.addf %mul3A_268, %mul3A_269 : vector<16xf32>
      %add3A_271 = arith.addf %add3A_267, %add3A_270 : vector<16xf32>
      %mul3A_272 = arith.mulf %broadcast_in_dim3A_236, %add3A_271 : vector<16xf32>
      %add3A_273 = arith.addf %add3A_172, %mul3A_272 : vector<16xf32>
      %mul3A_274 = arith.constant 16 : i32
      %mul3A_275 = arith.muli %add3A_66, %mul3A_274 : i32
      %add3A_276 = arith.constant 2 : i32
      %add3A_277 = arith.addi %mul3A_275, %add3A_276 : i32
      %mul3A_278 = arith.constant 64 : i32
      %mul3A_279 = arith.muli %add3A_277, %mul3A_278 : i32
      %get3A_280 = arith.index_cast %mul3A_279 : i32 to index
      %get3A_281 = tpu.vector_load %arg11[%get3A_280] {strides = array<i32>} : memref<32768xf32, #tpu.memory_space<vmem>>, vector<16xf32>,
      %add3A_282 = arith.constant 16 : i32
      %add3A_283 = arith.addi %mul3A_279, %add3A_282 : i32
      %get3A_284 = arith.index_cast %add3A_283 : i32 to index
      %get3A_285 = tpu.vector_load %arg11[%get3A_284] {strides = array<i32>} : memref<32768xf32, #tpu.memory_space<vmem>>, vector<16xf32>,
      %add3A_286 = arith.constant 32 : i32
      %add3A_287 = arith.addi %mul3A_279, %add3A_286 : i32
      %get3A_288 = arith.index_cast %add3A_287 : i32 to index
      %get3A_289 = tpu.vector_load %arg11[%get3A_288] {strides = array<i32>} : memref<32768xf32, #tpu.memory_space<vmem>>, vector<16xf32>,
      %add3A_290 = arith.constant 48 : i32
      %add3A_291 = arith.addi %mul3A_279, %add3A_290 : i32
      %get3A_292 = arith.index_cast %add3A_291 : i32 to index
      %get3A_293 = tpu.vector_load %arg11[%get3A_292] {strides = array<i32>} : memref<32768xf32, #tpu.memory_space<vmem>>, vector<16xf32>,
      %mul3A_294 = arith.mulf %get3A_281, %get3A_281 : vector<16xf32>
      %mul3A_295 = arith.mulf %get3A_285, %get3A_285 : vector<16xf32>
      %add3A_296 = arith.addf %mul3A_294, %mul3A_295 : vector<16xf32>
      %mul3A_297 = arith.mulf %get3A_289, %get3A_289 : vector<16xf32>
      %mul3A_298 = arith.mulf %get3A_293, %get3A_293 : vector<16xf32>
      %add3A_299 = arith.addf %mul3A_297, %mul3A_298 : vector<16xf32>
      %add3A_300 = arith.addf %add3A_296, %add3A_299 : vector<16xf32>
      %reduce_sum3A_301 = arith.constant true
      %reduce_sum3A_302 = vector.broadcast %reduce_sum3A_301 : i1 to vector<16xi1>
      %reduce_sum3A_303 = tpu.scan <sum>, %add3A_300 masked %reduce_sum3A_302 : vector<16xf32>, vector<16xi1> -> vector<16xf32>
      %reduce_sum3A_304 = vector.extract %reduce_sum3A_303[15] : f32 from vector<16xf32>
      %broadcast_in_dim3A_305 = vector.broadcast %reduce_sum3A_304 : f32 to vector<16xf32>
      %bitcast3A_306 = vector.bitcast %broadcast_in_dim3A_305 : vector<16xf32> to vector<16xi32>
      %shift_right_arithmetic3A_307 = arith.constant 1 : i32
      %shift_right_arithmetic3A_308 = vector.broadcast %shift_right_arithmetic3A_307 : i32 to vector<16xi32>
      %shift_right_arithmetic3A_309 = arith.shrsi %bitcast3A_306, %shift_right_arithmetic3A_308 : vector<16xi32>
      %sub3A_310 = arith.constant 1597463007 : i32
      %sub3A_311 = vector.broadcast %sub3A_310 : i32 to vector<16xi32>
      %sub3A_312 = arith.subi %sub3A_311, %shift_right_arithmetic3A_309 : vector<16xi32>
      %bitcast3A_313 = vector.bitcast %sub3A_312 : vector<16xi32> to vector<16xf32>
      %mul3A_314 = arith.constant 5.000000e-01 : f32
      %mul3A_315 = vector.broadcast %mul3A_314 : f32 to vector<16xf32>
      %mul3A_316 = arith.mulf %mul3A_315, %broadcast_in_dim3A_305 : vector<16xf32>
      %mul3A_317 = arith.mulf %mul3A_316, %bitcast3A_313 : vector<16xf32>
      %mul3A_318 = arith.mulf %mul3A_317, %bitcast3A_313 : vector<16xf32>
      %sub3A_319 = arith.constant 1.500000e+00 : f32
      %sub3A_320 = vector.broadcast %sub3A_319 : f32 to vector<16xf32>
      %sub3A_321 = arith.subf %sub3A_320, %mul3A_318 : vector<16xf32>
      %mul3A_322 = arith.mulf %bitcast3A_313, %sub3A_321 : vector<16xf32>
      %mul3A_323 = arith.mulf %mul3A_316, %mul3A_322 : vector<16xf32>
      %mul3A_324 = arith.mulf %mul3A_323, %mul3A_322 : vector<16xf32>
      %sub3A_325 = arith.constant 1.500000e+00 : f32
      %sub3A_326 = vector.broadcast %sub3A_325 : f32 to vector<16xf32>
      %sub3A_327 = arith.subf %sub3A_326, %mul3A_324 : vector<16xf32>
      %mul3A_328 = arith.mulf %mul3A_322, %sub3A_327 : vector<16xf32>
      %lt3A_329 = arith.constant 1.000000e-24 : f32
      %lt3A_330 = vector.broadcast %lt3A_329 : f32 to vector<16xf32>
      %lt3A_331 = arith.cmpf olt, %broadcast_in_dim3A_305, %lt3A_330 : vector<16xf32>
      %jit3A_332 = arith.constant 9.99999995E+11 : f32
      %broadcast_in_dim3A_333 = vector.broadcast %jit3A_332 : f32 to vector<16xf32>
      %select_n3A_334 = arith.select %lt3A_331, %broadcast_in_dim3A_333, %mul3A_328 : vector<16xi1>, vector<16xf32>
      %slice3A_335 = vector.extract_strided_slice %div3A_77 {offsets = [2], sizes = [1], strides = [1]} : vector<16xf32> to vector<1xf32>
      %squeeze3A_336 = vector.extract %slice3A_335[0] : f32 from vector<1xf32>
      %broadcast_in_dim3A_337 = vector.broadcast %squeeze3A_336 : f32 to vector<16xf32>
      %shift_right_arithmetic3A_338 = arith.constant 3 : i32
      %shift_right_arithmetic3A_339 = arith.shrsi %add3A_277, %shift_right_arithmetic3A_338 : i32
      %and3A_340 = arith.constant 7 : i32
      %and3A_341 = arith.andi %add3A_277, %and3A_340 : i32
      %mul3A_342 = arith.mulf %get3A_281, %select_n3A_334 : vector<16xf32>
      %get3A_343 = arith.index_cast %shift_right_arithmetic3A_339 : i32 to index
      %get3A_344 = arith.index_cast %and3A_341 : i32 to index
      %get3A_345 = arith.constant 0 : index
      %get3A_346 = tpu.vector_load %arg12[%get3A_343, %get3A_344, %get3A_345] {strides = array<i32>} : memref<64x8x64xf32, #tpu.memory_space<vmem>>, vector<16xf32>,
      %sub3A_347 = arith.subf %mul3A_342, %get3A_346 : vector<16xf32>
      %mul3A_348 = arith.mulf %get3A_285, %select_n3A_334 : vector<16xf32>
      %get3A_349 = arith.index_cast %shift_right_arithmetic3A_339 : i32 to index
      %get3A_350 = arith.index_cast %and3A_341 : i32 to index
      %get3A_351 = arith.constant 16 : index
      %get3A_352 = tpu.vector_load %arg12[%get3A_349, %get3A_350, %get3A_351] {strides = array<i32>} : memref<64x8x64xf32, #tpu.memory_space<vmem>>, vector<16xf32>,
      %sub3A_353 = arith.subf %mul3A_348, %get3A_352 : vector<16xf32>
      %mul3A_354 = arith.mulf %get3A_289, %select_n3A_334 : vector<16xf32>
      %get3A_355 = arith.index_cast %shift_right_arithmetic3A_339 : i32 to index
      %get3A_356 = arith.index_cast %and3A_341 : i32 to index
      %get3A_357 = arith.constant 32 : index
      %get3A_358 = tpu.vector_load %arg12[%get3A_355, %get3A_356, %get3A_357] {strides = array<i32>} : memref<64x8x64xf32, #tpu.memory_space<vmem>>, vector<16xf32>,
      %sub3A_359 = arith.subf %mul3A_354, %get3A_358 : vector<16xf32>
      %mul3A_360 = arith.mulf %get3A_293, %select_n3A_334 : vector<16xf32>
      %get3A_361 = arith.index_cast %shift_right_arithmetic3A_339 : i32 to index
      %get3A_362 = arith.index_cast %and3A_341 : i32 to index
      %get3A_363 = arith.constant 48 : index
      %get3A_364 = tpu.vector_load %arg12[%get3A_361, %get3A_362, %get3A_363] {strides = array<i32>} : memref<64x8x64xf32, #tpu.memory_space<vmem>>, vector<16xf32>,
      %sub3A_365 = arith.subf %mul3A_360, %get3A_364 : vector<16xf32>
      %mul3A_366 = arith.mulf %sub3A_347, %sub3A_347 : vector<16xf32>
      %mul3A_367 = arith.mulf %sub3A_353, %sub3A_353 : vector<16xf32>
      %add3A_368 = arith.addf %mul3A_366, %mul3A_367 : vector<16xf32>
      %mul3A_369 = arith.mulf %sub3A_359, %sub3A_359 : vector<16xf32>
      %mul3A_370 = arith.mulf %sub3A_365, %sub3A_365 : vector<16xf32>
      %add3A_371 = arith.addf %mul3A_369, %mul3A_370 : vector<16xf32>
      %add3A_372 = arith.addf %add3A_368, %add3A_371 : vector<16xf32>
      %mul3A_373 = arith.mulf %broadcast_in_dim3A_337, %add3A_372 : vector<16xf32>
      %add3A_374 = arith.addf %add3A_273, %mul3A_373 : vector<16xf32>
      %mul3A_375 = arith.constant 16 : i32
      %mul3A_376 = arith.muli %add3A_66, %mul3A_375 : i32
      %add3A_377 = arith.constant 3 : i32
      %add3A_378 = arith.addi %mul3A_376, %add3A_377 : i32
      %mul3A_379 = arith.constant 64 : i32
      %mul3A_380 = arith.muli %add3A_378, %mul3A_379 : i32
      %get3A_381 = arith.index_cast %mul3A_380 : i32 to index
      %get3A_382 = tpu.vector_load %arg11[%get3A_381] {strides = array<i32>} : memref<32768xf32, #tpu.memory_space<vmem>>, vector<16xf32>,
      %add3A_383 = arith.constant 16 : i32
      %add3A_384 = arith.addi %mul3A_380, %add3A_383 : i32
      %get3A_385 = arith.index_cast %add3A_384 : i32 to index
      %get3A_386 = tpu.vector_load %arg11[%get3A_385] {strides = array<i32>} : memref<32768xf32, #tpu.memory_space<vmem>>, vector<16xf32>,
      %add3A_387 = arith.constant 32 : i32
      %add3A_388 = arith.addi %mul3A_380, %add3A_387 : i32
      %get3A_389 = arith.index_cast %add3A_388 : i32 to index
      %get3A_390 = tpu.vector_load %arg11[%get3A_389] {strides = array<i32>} : memref<32768xf32, #tpu.memory_space<vmem>>, vector<16xf32>,
      %add3A_391 = arith.constant 48 : i32
      %add3A_392 = arith.addi %mul3A_380, %add3A_391 : i32
      %get3A_393 = arith.index_cast %add3A_392 : i32 to index
      %get3A_394 = tpu.vector_load %arg11[%get3A_393] {strides = array<i32>} : memref<32768xf32, #tpu.memory_space<vmem>>, vector<16xf32>,
      %mul3A_395 = arith.mulf %get3A_382, %get3A_382 : vector<16xf32>
      %mul3A_396 = arith.mulf %get3A_386, %get3A_386 : vector<16xf32>
      %add3A_397 = arith.addf %mul3A_395, %mul3A_396 : vector<16xf32>
      %mul3A_398 = arith.mulf %get3A_390, %get3A_390 : vector<16xf32>
      %mul3A_399 = arith.mulf %get3A_394, %get3A_394 : vector<16xf32>
      %add3A_400 = arith.addf %mul3A_398, %mul3A_399 : vector<16xf32>
      %add3A_401 = arith.addf %add3A_397, %add3A_400 : vector<16xf32>
      %reduce_sum3A_402 = arith.constant true
      %reduce_sum3A_403 = vector.broadcast %reduce_sum3A_402 : i1 to vector<16xi1>
      %reduce_sum3A_404 = tpu.scan <sum>, %add3A_401 masked %reduce_sum3A_403 : vector<16xf32>, vector<16xi1> -> vector<16xf32>
      %reduce_sum3A_405 = vector.extract %reduce_sum3A_404[15] : f32 from vector<16xf32>
      %broadcast_in_dim3A_406 = vector.broadcast %reduce_sum3A_405 : f32 to vector<16xf32>
      %bitcast3A_407 = vector.bitcast %broadcast_in_dim3A_406 : vector<16xf32> to vector<16xi32>
      %shift_right_arithmetic3A_408 = arith.constant 1 : i32
      %shift_right_arithmetic3A_409 = vector.broadcast %shift_right_arithmetic3A_408 : i32 to vector<16xi32>
      %shift_right_arithmetic3A_410 = arith.shrsi %bitcast3A_407, %shift_right_arithmetic3A_409 : vector<16xi32>
      %sub3A_411 = arith.constant 1597463007 : i32
      %sub3A_412 = vector.broadcast %sub3A_411 : i32 to vector<16xi32>
      %sub3A_413 = arith.subi %sub3A_412, %shift_right_arithmetic3A_410 : vector<16xi32>
      %bitcast3A_414 = vector.bitcast %sub3A_413 : vector<16xi32> to vector<16xf32>
      %mul3A_415 = arith.constant 5.000000e-01 : f32
      %mul3A_416 = vector.broadcast %mul3A_415 : f32 to vector<16xf32>
      %mul3A_417 = arith.mulf %mul3A_416, %broadcast_in_dim3A_406 : vector<16xf32>
      %mul3A_418 = arith.mulf %mul3A_417, %bitcast3A_414 : vector<16xf32>
      %mul3A_419 = arith.mulf %mul3A_418, %bitcast3A_414 : vector<16xf32>
      %sub3A_420 = arith.constant 1.500000e+00 : f32
      %sub3A_421 = vector.broadcast %sub3A_420 : f32 to vector<16xf32>
      %sub3A_422 = arith.subf %sub3A_421, %mul3A_419 : vector<16xf32>
      %mul3A_423 = arith.mulf %bitcast3A_414, %sub3A_422 : vector<16xf32>
      %mul3A_424 = arith.mulf %mul3A_417, %mul3A_423 : vector<16xf32>
      %mul3A_425 = arith.mulf %mul3A_424, %mul3A_423 : vector<16xf32>
      %sub3A_426 = arith.constant 1.500000e+00 : f32
      %sub3A_427 = vector.broadcast %sub3A_426 : f32 to vector<16xf32>
      %sub3A_428 = arith.subf %sub3A_427, %mul3A_425 : vector<16xf32>
      %mul3A_429 = arith.mulf %mul3A_423, %sub3A_428 : vector<16xf32>
      %lt3A_430 = arith.constant 1.000000e-24 : f32
      %lt3A_431 = vector.broadcast %lt3A_430 : f32 to vector<16xf32>
      %lt3A_432 = arith.cmpf olt, %broadcast_in_dim3A_406, %lt3A_431 : vector<16xf32>
      %jit3A_433 = arith.constant 9.99999995E+11 : f32
      %broadcast_in_dim3A_434 = vector.broadcast %jit3A_433 : f32 to vector<16xf32>
      %select_n3A_435 = arith.select %lt3A_432, %broadcast_in_dim3A_434, %mul3A_429 : vector<16xi1>, vector<16xf32>
      %slice3A_436 = vector.extract_strided_slice %div3A_77 {offsets = [3], sizes = [1], strides = [1]} : vector<16xf32> to vector<1xf32>
      %squeeze3A_437 = vector.extract %slice3A_436[0] : f32 from vector<1xf32>
      %broadcast_in_dim3A_438 = vector.broadcast %squeeze3A_437 : f32 to vector<16xf32>
      %shift_right_arithmetic3A_439 = arith.constant 3 : i32
      %shift_right_arithmetic3A_440 = arith.shrsi %add3A_378, %shift_right_arithmetic3A_439 : i32
      %and3A_441 = arith.constant 7 : i32
      %and3A_442 = arith.andi %add3A_378, %and3A_441 : i32
      %mul3A_443 = arith.mulf %get3A_382, %select_n3A_435 : vector<16xf32>
      %get3A_444 = arith.index_cast %shift_right_arithmetic3A_440 : i32 to index
      %get3A_445 = arith.index_cast %and3A_442 : i32 to index
      %get3A_446 = arith.constant 0 : index
      %get3A_447 = tpu.vector_load %arg12[%get3A_444, %get3A_445, %get3A_446] {strides = array<i32>} : memref<64x8x64xf32, #tpu.memory_space<vmem>>, vector<16xf32>,
      %sub3A_448 = arith.subf %mul3A_443, %get3A_447 : vector<16xf32>
      %mul3A_449 = arith.mulf %get3A_386, %select_n3A_435 : vector<16xf32>
      %get3A_450 = arith.index_cast %shift_right_arithmetic3A_440 : i32 to index
      %get3A_451 = arith.index_cast %and3A_442 : i32 to index
      %get3A_452 = arith.constant 16 : index
      %get3A_453 = tpu.vector_load %arg12[%get3A_450, %get3A_451, %get3A_452] {strides = array<i32>} : memref<64x8x64xf32, #tpu.memory_space<vmem>>, vector<16xf32>,
      %sub3A_454 = arith.subf %mul3A_449, %get3A_453 : vector<16xf32>
      %mul3A_455 = arith.mulf %get3A_390, %select_n3A_435 : vector<16xf32>
      %get3A_456 = arith.index_cast %shift_right_arithmetic3A_440 : i32 to index
      %get3A_457 = arith.index_cast %and3A_442 : i32 to index
      %get3A_458 = arith.constant 32 : index
      %get3A_459 = tpu.vector_load %arg12[%get3A_456, %get3A_457, %get3A_458] {strides = array<i32>} : memref<64x8x64xf32, #tpu.memory_space<vmem>>, vector<16xf32>,
      %sub3A_460 = arith.subf %mul3A_455, %get3A_459 : vector<16xf32>
      %mul3A_461 = arith.mulf %get3A_394, %select_n3A_435 : vector<16xf32>
      %get3A_462 = arith.index_cast %shift_right_arithmetic3A_440 : i32 to index
      %get3A_463 = arith.index_cast %and3A_442 : i32 to index
      %get3A_464 = arith.constant 48 : index
      %get3A_465 = tpu.vector_load %arg12[%get3A_462, %get3A_463, %get3A_464] {strides = array<i32>} : memref<64x8x64xf32, #tpu.memory_space<vmem>>, vector<16xf32>,
      %sub3A_466 = arith.subf %mul3A_461, %get3A_465 : vector<16xf32>
      %mul3A_467 = arith.mulf %sub3A_448, %sub3A_448 : vector<16xf32>
      %mul3A_468 = arith.mulf %sub3A_454, %sub3A_454 : vector<16xf32>
      %add3A_469 = arith.addf %mul3A_467, %mul3A_468 : vector<16xf32>
      %mul3A_470 = arith.mulf %sub3A_460, %sub3A_460 : vector<16xf32>
      %mul3A_471 = arith.mulf %sub3A_466, %sub3A_466 : vector<16xf32>
      %add3A_472 = arith.addf %mul3A_470, %mul3A_471 : vector<16xf32>
      %add3A_473 = arith.addf %add3A_469, %add3A_472 : vector<16xf32>
      %mul3A_474 = arith.mulf %broadcast_in_dim3A_438, %add3A_473 : vector<16xf32>
      %add3A_475 = arith.addf %add3A_374, %mul3A_474 : vector<16xf32>
      %mul3A_476 = arith.constant 16 : i32
      %mul3A_477 = arith.muli %add3A_66, %mul3A_476 : i32
      %add3A_478 = arith.constant 4 : i32
      %add3A_479 = arith.addi %mul3A_477, %add3A_478 : i32
      %mul3A_480 = arith.constant 64 : i32
      %mul3A_481 = arith.muli %add3A_479, %mul3A_480 : i32
      %get3A_482 = arith.index_cast %mul3A_481 : i32 to index
      %get3A_483 = tpu.vector_load %arg11[%get3A_482] {strides = array<i32>} : memref<32768xf32, #tpu.memory_space<vmem>>, vector<16xf32>,
      %add3A_484 = arith.constant 16 : i32
      %add3A_485 = arith.addi %mul3A_481, %add3A_484 : i32
      %get3A_486 = arith.index_cast %add3A_485 : i32 to index
      %get3A_487 = tpu.vector_load %arg11[%get3A_486] {strides = array<i32>} : memref<32768xf32, #tpu.memory_space<vmem>>, vector<16xf32>,
      %add3A_488 = arith.constant 32 : i32
      %add3A_489 = arith.addi %mul3A_481, %add3A_488 : i32
      %get3A_490 = arith.index_cast %add3A_489 : i32 to index
      %get3A_491 = tpu.vector_load %arg11[%get3A_490] {strides = array<i32>} : memref<32768xf32, #tpu.memory_space<vmem>>, vector<16xf32>,
      %add3A_492 = arith.constant 48 : i32
      %add3A_493 = arith.addi %mul3A_481, %add3A_492 : i32
      %get3A_494 = arith.index_cast %add3A_493 : i32 to index
      %get3A_495 = tpu.vector_load %arg11[%get3A_494] {strides = array<i32>} : memref<32768xf32, #tpu.memory_space<vmem>>, vector<16xf32>,
      %mul3A_496 = arith.mulf %get3A_483, %get3A_483 : vector<16xf32>
      %mul3A_497 = arith.mulf %get3A_487, %get3A_487 : vector<16xf32>
      %add3A_498 = arith.addf %mul3A_496, %mul3A_497 : vector<16xf32>
      %mul3A_499 = arith.mulf %get3A_491, %get3A_491 : vector<16xf32>
      %mul3A_500 = arith.mulf %get3A_495, %get3A_495 : vector<16xf32>
      %add3A_501 = arith.addf %mul3A_499, %mul3A_500 : vector<16xf32>
      %add3A_502 = arith.addf %add3A_498, %add3A_501 : vector<16xf32>
      %reduce_sum3A_503 = arith.constant true
      %reduce_sum3A_504 = vector.broadcast %reduce_sum3A_503 : i1 to vector<16xi1>
      %reduce_sum3A_505 = tpu.scan <sum>, %add3A_502 masked %reduce_sum3A_504 : vector<16xf32>, vector<16xi1> -> vector<16xf32>
      %reduce_sum3A_506 = vector.extract %reduce_sum3A_505[15] : f32 from vector<16xf32>
      %broadcast_in_dim3A_507 = vector.broadcast %reduce_sum3A_506 : f32 to vector<16xf32>
      %bitcast3A_508 = vector.bitcast %broadcast_in_dim3A_507 : vector<16xf32> to vector<16xi32>
      %shift_right_arithmetic3A_509 = arith.constant 1 : i32
      %shift_right_arithmetic3A_510 = vector.broadcast %shift_right_arithmetic3A_509 : i32 to vector<16xi32>
      %shift_right_arithmetic3A_511 = arith.shrsi %bitcast3A_508, %shift_right_arithmetic3A_510 : vector<16xi32>
      %sub3A_512 = arith.constant 1597463007 : i32
      %sub3A_513 = vector.broadcast %sub3A_512 : i32 to vector<16xi32>
      %sub3A_514 = arith.subi %sub3A_513, %shift_right_arithmetic3A_511 : vector<16xi32>
      %bitcast3A_515 = vector.bitcast %sub3A_514 : vector<16xi32> to vector<16xf32>
      %mul3A_516 = arith.constant 5.000000e-01 : f32
      %mul3A_517 = vector.broadcast %mul3A_516 : f32 to vector<16xf32>
      %mul3A_518 = arith.mulf %mul3A_517, %broadcast_in_dim3A_507 : vector<16xf32>
      %mul3A_519 = arith.mulf %mul3A_518, %bitcast3A_515 : vector<16xf32>
      %mul3A_520 = arith.mulf %mul3A_519, %bitcast3A_515 : vector<16xf32>
      %sub3A_521 = arith.constant 1.500000e+00 : f32
      %sub3A_522 = vector.broadcast %sub3A_521 : f32 to vector<16xf32>
      %sub3A_523 = arith.subf %sub3A_522, %mul3A_520 : vector<16xf32>
      %mul3A_524 = arith.mulf %bitcast3A_515, %sub3A_523 : vector<16xf32>
      %mul3A_525 = arith.mulf %mul3A_518, %mul3A_524 : vector<16xf32>
      %mul3A_526 = arith.mulf %mul3A_525, %mul3A_524 : vector<16xf32>
      %sub3A_527 = arith.constant 1.500000e+00 : f32
      %sub3A_528 = vector.broadcast %sub3A_527 : f32 to vector<16xf32>
      %sub3A_529 = arith.subf %sub3A_528, %mul3A_526 : vector<16xf32>
      %mul3A_530 = arith.mulf %mul3A_524, %sub3A_529 : vector<16xf32>
      %lt3A_531 = arith.constant 1.000000e-24 : f32
      %lt3A_532 = vector.broadcast %lt3A_531 : f32 to vector<16xf32>
      %lt3A_533 = arith.cmpf olt, %broadcast_in_dim3A_507, %lt3A_532 : vector<16xf32>
      %jit3A_534 = arith.constant 9.99999995E+11 : f32
      %broadcast_in_dim3A_535 = vector.broadcast %jit3A_534 : f32 to vector<16xf32>
      %select_n3A_536 = arith.select %lt3A_533, %broadcast_in_dim3A_535, %mul3A_530 : vector<16xi1>, vector<16xf32>
      %slice3A_537 = vector.extract_strided_slice %div3A_77 {offsets = [4], sizes = [1], strides = [1]} : vector<16xf32> to vector<1xf32>
      %squeeze3A_538 = vector.extract %slice3A_537[0] : f32 from vector<1xf32>
      %broadcast_in_dim3A_539 = vector.broadcast %squeeze3A_538 : f32 to vector<16xf32>
      %shift_right_arithmetic3A_540 = arith.constant 3 : i32
      %shift_right_arithmetic3A_541 = arith.shrsi %add3A_479, %shift_right_arithmetic3A_540 : i32
      %and3A_542 = arith.constant 7 : i32
      %and3A_543 = arith.andi %add3A_479, %and3A_542 : i32
      %mul3A_544 = arith.mulf %get3A_483, %select_n3A_536 : vector<16xf32>
      %get3A_545 = arith.index_cast %shift_right_arithmetic3A_541 : i32 to index
      %get3A_546 = arith.index_cast %and3A_543 : i32 to index
      %get3A_547 = arith.constant 0 : index
      %get3A_548 = tpu.vector_load %arg12[%get3A_545, %get3A_546, %get3A_547] {strides = array<i32>} : memref<64x8x64xf32, #tpu.memory_space<vmem>>, vector<16xf32>,
      %sub3A_549 = arith.subf %mul3A_544, %get3A_548 : vector<16xf32>
      %mul3A_550 = arith.mulf %get3A_487, %select_n3A_536 : vector<16xf32>
      %get3A_551 = arith.index_cast %shift_right_arithmetic3A_541 : i32 to index
      %get3A_552 = arith.index_cast %and3A_543 : i32 to index
      %get3A_553 = arith.constant 16 : index
      %get3A_554 = tpu.vector_load %arg12[%get3A_551, %get3A_552, %get3A_553] {strides = array<i32>} : memref<64x8x64xf32, #tpu.memory_space<vmem>>, vector<16xf32>,
      %sub3A_555 = arith.subf %mul3A_550, %get3A_554 : vector<16xf32>
      %mul3A_556 = arith.mulf %get3A_491, %select_n3A_536 : vector<16xf32>
      %get3A_557 = arith.index_cast %shift_right_arithmetic3A_541 : i32 to index
      %get3A_558 = arith.index_cast %and3A_543 : i32 to index
      %get3A_559 = arith.constant 32 : index
      %get3A_560 = tpu.vector_load %arg12[%get3A_557, %get3A_558, %get3A_559] {strides = array<i32>} : memref<64x8x64xf32, #tpu.memory_space<vmem>>, vector<16xf32>,
      %sub3A_561 = arith.subf %mul3A_556, %get3A_560 : vector<16xf32>
      %mul3A_562 = arith.mulf %get3A_495, %select_n3A_536 : vector<16xf32>
      %get3A_563 = arith.index_cast %shift_right_arithmetic3A_541 : i32 to index
      %get3A_564 = arith.index_cast %and3A_543 : i32 to index
      %get3A_565 = arith.constant 48 : index
      %get3A_566 = tpu.vector_load %arg12[%get3A_563, %get3A_564, %get3A_565] {strides = array<i32>} : memref<64x8x64xf32, #tpu.memory_space<vmem>>, vector<16xf32>,
      %sub3A_567 = arith.subf %mul3A_562, %get3A_566 : vector<16xf32>
      %mul3A_568 = arith.mulf %sub3A_549, %sub3A_549 : vector<16xf32>
      %mul3A_569 = arith.mulf %sub3A_555, %sub3A_555 : vector<16xf32>
      %add3A_570 = arith.addf %mul3A_568, %mul3A_569 : vector<16xf32>
      %mul3A_571 = arith.mulf %sub3A_561, %sub3A_561 : vector<16xf32>
      %mul3A_572 = arith.mulf %sub3A_567, %sub3A_567 : vector<16xf32>
      %add3A_573 = arith.addf %mul3A_571, %mul3A_572 : vector<16xf32>
      %add3A_574 = arith.addf %add3A_570, %add3A_573 : vector<16xf32>
      %mul3A_575 = arith.mulf %broadcast_in_dim3A_539, %add3A_574 : vector<16xf32>
      %add3A_576 = arith.addf %add3A_475, %mul3A_575 : vector<16xf32>
      %mul3A_577 = arith.constant 16 : i32
      %mul3A_578 = arith.muli %add3A_66, %mul3A_577 : i32
      %add3A_579 = arith.constant 5 : i32
      %add3A_580 = arith.addi %mul3A_578, %add3A_579 : i32
      %mul3A_581 = arith.constant 64 : i32
      %mul3A_582 = arith.muli %add3A_580, %mul3A_581 : i32
      %get3A_583 = arith.index_cast %mul3A_582 : i32 to index
      %get3A_584 = tpu.vector_load %arg11[%get3A_583] {strides = array<i32>} : memref<32768xf32, #tpu.memory_space<vmem>>, vector<16xf32>,
      %add3A_585 = arith.constant 16 : i32
      %add3A_586 = arith.addi %mul3A_582, %add3A_585 : i32
      %get3A_587 = arith.index_cast %add3A_586 : i32 to index
      %get3A_588 = tpu.vector_load %arg11[%get3A_587] {strides = array<i32>} : memref<32768xf32, #tpu.memory_space<vmem>>, vector<16xf32>,
      %add3A_589 = arith.constant 32 : i32
      %add3A_590 = arith.addi %mul3A_582, %add3A_589 : i32
      %get3A_591 = arith.index_cast %add3A_590 : i32 to index
      %get3A_592 = tpu.vector_load %arg11[%get3A_591] {strides = array<i32>} : memref<32768xf32, #tpu.memory_space<vmem>>, vector<16xf32>,
      %add3A_593 = arith.constant 48 : i32
      %add3A_594 = arith.addi %mul3A_582, %add3A_593 : i32
      %get3A_595 = arith.index_cast %add3A_594 : i32 to index
      %get3A_596 = tpu.vector_load %arg11[%get3A_595] {strides = array<i32>} : memref<32768xf32, #tpu.memory_space<vmem>>, vector<16xf32>,
      %mul3A_597 = arith.mulf %get3A_584, %get3A_584 : vector<16xf32>
      %mul3A_598 = arith.mulf %get3A_588, %get3A_588 : vector<16xf32>
      %add3A_599 = arith.addf %mul3A_597, %mul3A_598 : vector<16xf32>
      %mul3A_600 = arith.mulf %get3A_592, %get3A_592 : vector<16xf32>
      %mul3A_601 = arith.mulf %get3A_596, %get3A_596 : vector<16xf32>
      %add3A_602 = arith.addf %mul3A_600, %mul3A_601 : vector<16xf32>
      %add3A_603 = arith.addf %add3A_599, %add3A_602 : vector<16xf32>
      %reduce_sum3A_604 = arith.constant true
      %reduce_sum3A_605 = vector.broadcast %reduce_sum3A_604 : i1 to vector<16xi1>
      %reduce_sum3A_606 = tpu.scan <sum>, %add3A_603 masked %reduce_sum3A_605 : vector<16xf32>, vector<16xi1> -> vector<16xf32>
      %reduce_sum3A_607 = vector.extract %reduce_sum3A_606[15] : f32 from vector<16xf32>
      %broadcast_in_dim3A_608 = vector.broadcast %reduce_sum3A_607 : f32 to vector<16xf32>
      %bitcast3A_609 = vector.bitcast %broadcast_in_dim3A_608 : vector<16xf32> to vector<16xi32>
      %shift_right_arithmetic3A_610 = arith.constant 1 : i32
      %shift_right_arithmetic3A_611 = vector.broadcast %shift_right_arithmetic3A_610 : i32 to vector<16xi32>
      %shift_right_arithmetic3A_612 = arith.shrsi %bitcast3A_609, %shift_right_arithmetic3A_611 : vector<16xi32>
      %sub3A_613 = arith.constant 1597463007 : i32
      %sub3A_614 = vector.broadcast %sub3A_613 : i32 to vector<16xi32>
      %sub3A_615 = arith.subi %sub3A_614, %shift_right_arithmetic3A_612 : vector<16xi32>
      %bitcast3A_616 = vector.bitcast %sub3A_615 : vector<16xi32> to vector<16xf32>
      %mul3A_617 = arith.constant 5.000000e-01 : f32
      %mul3A_618 = vector.broadcast %mul3A_617 : f32 to vector<16xf32>
      %mul3A_619 = arith.mulf %mul3A_618, %broadcast_in_dim3A_608 : vector<16xf32>
      %mul3A_620 = arith.mulf %mul3A_619, %bitcast3A_616 : vector<16xf32>
      %mul3A_621 = arith.mulf %mul3A_620, %bitcast3A_616 : vector<16xf32>
      %sub3A_622 = arith.constant 1.500000e+00 : f32
      %sub3A_623 = vector.broadcast %sub3A_622 : f32 to vector<16xf32>
      %sub3A_624 = arith.subf %sub3A_623, %mul3A_621 : vector<16xf32>
      %mul3A_625 = arith.mulf %bitcast3A_616, %sub3A_624 : vector<16xf32>
      %mul3A_626 = arith.mulf %mul3A_619, %mul3A_625 : vector<16xf32>
      %mul3A_627 = arith.mulf %mul3A_626, %mul3A_625 : vector<16xf32>
      %sub3A_628 = arith.constant 1.500000e+00 : f32
      %sub3A_629 = vector.broadcast %sub3A_628 : f32 to vector<16xf32>
      %sub3A_630 = arith.subf %sub3A_629, %mul3A_627 : vector<16xf32>
      %mul3A_631 = arith.mulf %mul3A_625, %sub3A_630 : vector<16xf32>
      %lt3A_632 = arith.constant 1.000000e-24 : f32
      %lt3A_633 = vector.broadcast %lt3A_632 : f32 to vector<16xf32>
      %lt3A_634 = arith.cmpf olt, %broadcast_in_dim3A_608, %lt3A_633 : vector<16xf32>
      %jit3A_635 = arith.constant 9.99999995E+11 : f32
      %broadcast_in_dim3A_636 = vector.broadcast %jit3A_635 : f32 to vector<16xf32>
      %select_n3A_637 = arith.select %lt3A_634, %broadcast_in_dim3A_636, %mul3A_631 : vector<16xi1>, vector<16xf32>
      %slice3A_638 = vector.extract_strided_slice %div3A_77 {offsets = [5], sizes = [1], strides = [1]} : vector<16xf32> to vector<1xf32>
      %squeeze3A_639 = vector.extract %slice3A_638[0] : f32 from vector<1xf32>
      %broadcast_in_dim3A_640 = vector.broadcast %squeeze3A_639 : f32 to vector<16xf32>
      %shift_right_arithmetic3A_641 = arith.constant 3 : i32
      %shift_right_arithmetic3A_642 = arith.shrsi %add3A_580, %shift_right_arithmetic3A_641 : i32
      %and3A_643 = arith.constant 7 : i32
      %and3A_644 = arith.andi %add3A_580, %and3A_643 : i32
      %mul3A_645 = arith.mulf %get3A_584, %select_n3A_637 : vector<16xf32>
      %get3A_646 = arith.index_cast %shift_right_arithmetic3A_642 : i32 to index
      %get3A_647 = arith.index_cast %and3A_644 : i32 to index
      %get3A_648 = arith.constant 0 : index
      %get3A_649 = tpu.vector_load %arg12[%get3A_646, %get3A_647, %get3A_648] {strides = array<i32>} : memref<64x8x64xf32, #tpu.memory_space<vmem>>, vector<16xf32>,
      %sub3A_650 = arith.subf %mul3A_645, %get3A_649 : vector<16xf32>
      %mul3A_651 = arith.mulf %get3A_588, %select_n3A_637 : vector<16xf32>
      %get3A_652 = arith.index_cast %shift_right_arithmetic3A_642 : i32 to index
      %get3A_653 = arith.index_cast %and3A_644 : i32 to index
      %get3A_654 = arith.constant 16 : index
      %get3A_655 = tpu.vector_load %arg12[%get3A_652, %get3A_653, %get3A_654] {strides = array<i32>} : memref<64x8x64xf32, #tpu.memory_space<vmem>>, vector<16xf32>,
      %sub3A_656 = arith.subf %mul3A_651, %get3A_655 : vector<16xf32>
      %mul3A_657 = arith.mulf %get3A_592, %select_n3A_637 : vector<16xf32>
      %get3A_658 = arith.index_cast %shift_right_arithmetic3A_642 : i32 to index
      %get3A_659 = arith.index_cast %and3A_644 : i32 to index
      %get3A_660 = arith.constant 32 : index
      %get3A_661 = tpu.vector_load %arg12[%get3A_658, %get3A_659, %get3A_660] {strides = array<i32>} : memref<64x8x64xf32, #tpu.memory_space<vmem>>, vector<16xf32>,
      %sub3A_662 = arith.subf %mul3A_657, %get3A_661 : vector<16xf32>
      %mul3A_663 = arith.mulf %get3A_596, %select_n3A_637 : vector<16xf32>
      %get3A_664 = arith.index_cast %shift_right_arithmetic3A_642 : i32 to index
      %get3A_665 = arith.index_cast %and3A_644 : i32 to index
      %get3A_666 = arith.constant 48 : index
      %get3A_667 = tpu.vector_load %arg12[%get3A_664, %get3A_665, %get3A_666] {strides = array<i32>} : memref<64x8x64xf32, #tpu.memory_space<vmem>>, vector<16xf32>,
      %sub3A_668 = arith.subf %mul3A_663, %get3A_667 : vector<16xf32>
      %mul3A_669 = arith.mulf %sub3A_650, %sub3A_650 : vector<16xf32>
      %mul3A_670 = arith.mulf %sub3A_656, %sub3A_656 : vector<16xf32>
      %add3A_671 = arith.addf %mul3A_669, %mul3A_670 : vector<16xf32>
      %mul3A_672 = arith.mulf %sub3A_662, %sub3A_662 : vector<16xf32>
      %mul3A_673 = arith.mulf %sub3A_668, %sub3A_668 : vector<16xf32>
      %add3A_674 = arith.addf %mul3A_672, %mul3A_673 : vector<16xf32>
      %add3A_675 = arith.addf %add3A_671, %add3A_674 : vector<16xf32>
      %mul3A_676 = arith.mulf %broadcast_in_dim3A_640, %add3A_675 : vector<16xf32>
      %add3A_677 = arith.addf %add3A_576, %mul3A_676 : vector<16xf32>
      %mul3A_678 = arith.constant 16 : i32
      %mul3A_679 = arith.muli %add3A_66, %mul3A_678 : i32
      %add3A_680 = arith.constant 6 : i32
      %add3A_681 = arith.addi %mul3A_679, %add3A_680 : i32
      %mul3A_682 = arith.constant 64 : i32
      %mul3A_683 = arith.muli %add3A_681, %mul3A_682 : i32
      %get3A_684 = arith.index_cast %mul3A_683 : i32 to index
      %get3A_685 = tpu.vector_load %arg11[%get3A_684] {strides = array<i32>} : memref<32768xf32, #tpu.memory_space<vmem>>, vector<16xf32>,
      %add3A_686 = arith.constant 16 : i32
      %add3A_687 = arith.addi %mul3A_683, %add3A_686 : i32
      %get3A_688 = arith.index_cast %add3A_687 : i32 to index
      %get3A_689 = tpu.vector_load %arg11[%get3A_688] {strides = array<i32>} : memref<32768xf32, #tpu.memory_space<vmem>>, vector<16xf32>,
      %add3A_690 = arith.constant 32 : i32
      %add3A_691 = arith.addi %mul3A_683, %add3A_690 : i32
      %get3A_692 = arith.index_cast %add3A_691 : i32 to index
      %get3A_693 = tpu.vector_load %arg11[%get3A_692] {strides = array<i32>} : memref<32768xf32, #tpu.memory_space<vmem>>, vector<16xf32>,
      %add3A_694 = arith.constant 48 : i32
      %add3A_695 = arith.addi %mul3A_683, %add3A_694 : i32
      %get3A_696 = arith.index_cast %add3A_695 : i32 to index
      %get3A_697 = tpu.vector_load %arg11[%get3A_696] {strides = array<i32>} : memref<32768xf32, #tpu.memory_space<vmem>>, vector<16xf32>,
      %mul3A_698 = arith.mulf %get3A_685, %get3A_685 : vector<16xf32>
      %mul3A_699 = arith.mulf %get3A_689, %get3A_689 : vector<16xf32>
      %add3A_700 = arith.addf %mul3A_698, %mul3A_699 : vector<16xf32>
      %mul3A_701 = arith.mulf %get3A_693, %get3A_693 : vector<16xf32>
      %mul3A_702 = arith.mulf %get3A_697, %get3A_697 : vector<16xf32>
      %add3A_703 = arith.addf %mul3A_701, %mul3A_702 : vector<16xf32>
      %add3A_704 = arith.addf %add3A_700, %add3A_703 : vector<16xf32>
      %reduce_sum3A_705 = arith.constant true
      %reduce_sum3A_706 = vector.broadcast %reduce_sum3A_705 : i1 to vector<16xi1>
      %reduce_sum3A_707 = tpu.scan <sum>, %add3A_704 masked %reduce_sum3A_706 : vector<16xf32>, vector<16xi1> -> vector<16xf32>
      %reduce_sum3A_708 = vector.extract %reduce_sum3A_707[15] : f32 from vector<16xf32>
      %broadcast_in_dim3A_709 = vector.broadcast %reduce_sum3A_708 : f32 to vector<16xf32>
      %bitcast3A_710 = vector.bitcast %broadcast_in_dim3A_709 : vector<16xf32> to vector<16xi32>
      %shift_right_arithmetic3A_711 = arith.constant 1 : i32
      %shift_right_arithmetic3A_712 = vector.broadcast %shift_right_arithmetic3A_711 : i32 to vector<16xi32>
      %shift_right_arithmetic3A_713 = arith.shrsi %bitcast3A_710, %shift_right_arithmetic3A_712 : vector<16xi32>
      %sub3A_714 = arith.constant 1597463007 : i32
      %sub3A_715 = vector.broadcast %sub3A_714 : i32 to vector<16xi32>
      %sub3A_716 = arith.subi %sub3A_715, %shift_right_arithmetic3A_713 : vector<16xi32>
      %bitcast3A_717 = vector.bitcast %sub3A_716 : vector<16xi32> to vector<16xf32>
      %mul3A_718 = arith.constant 5.000000e-01 : f32
      %mul3A_719 = vector.broadcast %mul3A_718 : f32 to vector<16xf32>
      %mul3A_720 = arith.mulf %mul3A_719, %broadcast_in_dim3A_709 : vector<16xf32>
      %mul3A_721 = arith.mulf %mul3A_720, %bitcast3A_717 : vector<16xf32>
      %mul3A_722 = arith.mulf %mul3A_721, %bitcast3A_717 : vector<16xf32>
      %sub3A_723 = arith.constant 1.500000e+00 : f32
      %sub3A_724 = vector.broadcast %sub3A_723 : f32 to vector<16xf32>
      %sub3A_725 = arith.subf %sub3A_724, %mul3A_722 : vector<16xf32>
      %mul3A_726 = arith.mulf %bitcast3A_717, %sub3A_725 : vector<16xf32>
      %mul3A_727 = arith.mulf %mul3A_720, %mul3A_726 : vector<16xf32>
      %mul3A_728 = arith.mulf %mul3A_727, %mul3A_726 : vector<16xf32>
      %sub3A_729 = arith.constant 1.500000e+00 : f32
      %sub3A_730 = vector.broadcast %sub3A_729 : f32 to vector<16xf32>
      %sub3A_731 = arith.subf %sub3A_730, %mul3A_728 : vector<16xf32>
      %mul3A_732 = arith.mulf %mul3A_726, %sub3A_731 : vector<16xf32>
      %lt3A_733 = arith.constant 1.000000e-24 : f32
      %lt3A_734 = vector.broadcast %lt3A_733 : f32 to vector<16xf32>
      %lt3A_735 = arith.cmpf olt, %broadcast_in_dim3A_709, %lt3A_734 : vector<16xf32>
      %jit3A_736 = arith.constant 9.99999995E+11 : f32
      %broadcast_in_dim3A_737 = vector.broadcast %jit3A_736 : f32 to vector<16xf32>
      %select_n3A_738 = arith.select %lt3A_735, %broadcast_in_dim3A_737, %mul3A_732 : vector<16xi1>, vector<16xf32>
      %slice3A_739 = vector.extract_strided_slice %div3A_77 {offsets = [6], sizes = [1], strides = [1]} : vector<16xf32> to vector<1xf32>
      %squeeze3A_740 = vector.extract %slice3A_739[0] : f32 from vector<1xf32>
      %broadcast_in_dim3A_741 = vector.broadcast %squeeze3A_740 : f32 to vector<16xf32>
      %shift_right_arithmetic3A_742 = arith.constant 3 : i32
      %shift_right_arithmetic3A_743 = arith.shrsi %add3A_681, %shift_right_arithmetic3A_742 : i32
      %and3A_744 = arith.constant 7 : i32
      %and3A_745 = arith.andi %add3A_681, %and3A_744 : i32
      %mul3A_746 = arith.mulf %get3A_685, %select_n3A_738 : vector<16xf32>
      %get3A_747 = arith.index_cast %shift_right_arithmetic3A_743 : i32 to index
      %get3A_748 = arith.index_cast %and3A_745 : i32 to index
      %get3A_749 = arith.constant 0 : index
      %get3A_750 = tpu.vector_load %arg12[%get3A_747, %get3A_748, %get3A_749] {strides = array<i32>} : memref<64x8x64xf32, #tpu.memory_space<vmem>>, vector<16xf32>,
      %sub3A_751 = arith.subf %mul3A_746, %get3A_750 : vector<16xf32>
      %mul3A_752 = arith.mulf %get3A_689, %select_n3A_738 : vector<16xf32>
      %get3A_753 = arith.index_cast %shift_right_arithmetic3A_743 : i32 to index
      %get3A_754 = arith.index_cast %and3A_745 : i32 to index
      %get3A_755 = arith.constant 16 : index
      %get3A_756 = tpu.vector_load %arg12[%get3A_753, %get3A_754, %get3A_755] {strides = array<i32>} : memref<64x8x64xf32, #tpu.memory_space<vmem>>, vector<16xf32>,
      %sub3A_757 = arith.subf %mul3A_752, %get3A_756 : vector<16xf32>
      %mul3A_758 = arith.mulf %get3A_693, %select_n3A_738 : vector<16xf32>
      %get3A_759 = arith.index_cast %shift_right_arithmetic3A_743 : i32 to index
      %get3A_760 = arith.index_cast %and3A_745 : i32 to index
      %get3A_761 = arith.constant 32 : index
      %get3A_762 = tpu.vector_load %arg12[%get3A_759, %get3A_760, %get3A_761] {strides = array<i32>} : memref<64x8x64xf32, #tpu.memory_space<vmem>>, vector<16xf32>,
      %sub3A_763 = arith.subf %mul3A_758, %get3A_762 : vector<16xf32>
      %mul3A_764 = arith.mulf %get3A_697, %select_n3A_738 : vector<16xf32>
      %get3A_765 = arith.index_cast %shift_right_arithmetic3A_743 : i32 to index
      %get3A_766 = arith.index_cast %and3A_745 : i32 to index
      %get3A_767 = arith.constant 48 : index
      %get3A_768 = tpu.vector_load %arg12[%get3A_765, %get3A_766, %get3A_767] {strides = array<i32>} : memref<64x8x64xf32, #tpu.memory_space<vmem>>, vector<16xf32>,
      %sub3A_769 = arith.subf %mul3A_764, %get3A_768 : vector<16xf32>
      %mul3A_770 = arith.mulf %sub3A_751, %sub3A_751 : vector<16xf32>
      %mul3A_771 = arith.mulf %sub3A_757, %sub3A_757 : vector<16xf32>
      %add3A_772 = arith.addf %mul3A_770, %mul3A_771 : vector<16xf32>
      %mul3A_773 = arith.mulf %sub3A_763, %sub3A_763 : vector<16xf32>
      %mul3A_774 = arith.mulf %sub3A_769, %sub3A_769 : vector<16xf32>
      %add3A_775 = arith.addf %mul3A_773, %mul3A_774 : vector<16xf32>
      %add3A_776 = arith.addf %add3A_772, %add3A_775 : vector<16xf32>
      %mul3A_777 = arith.mulf %broadcast_in_dim3A_741, %add3A_776 : vector<16xf32>
      %add3A_778 = arith.addf %add3A_677, %mul3A_777 : vector<16xf32>
      %mul3A_779 = arith.constant 16 : i32
      %mul3A_780 = arith.muli %add3A_66, %mul3A_779 : i32
      %add3A_781 = arith.constant 7 : i32
      %add3A_782 = arith.addi %mul3A_780, %add3A_781 : i32
      %mul3A_783 = arith.constant 64 : i32
      %mul3A_784 = arith.muli %add3A_782, %mul3A_783 : i32
      %get3A_785 = arith.index_cast %mul3A_784 : i32 to index
      %get3A_786 = tpu.vector_load %arg11[%get3A_785] {strides = array<i32>} : memref<32768xf32, #tpu.memory_space<vmem>>, vector<16xf32>,
      %add3A_787 = arith.constant 16 : i32
      %add3A_788 = arith.addi %mul3A_784, %add3A_787 : i32
      %get3A_789 = arith.index_cast %add3A_788 : i32 to index
      %get3A_790 = tpu.vector_load %arg11[%get3A_789] {strides = array<i32>} : memref<32768xf32, #tpu.memory_space<vmem>>, vector<16xf32>,
      %add3A_791 = arith.constant 32 : i32
      %add3A_792 = arith.addi %mul3A_784, %add3A_791 : i32
      %get3A_793 = arith.index_cast %add3A_792 : i32 to index
      %get3A_794 = tpu.vector_load %arg11[%get3A_793] {strides = array<i32>} : memref<32768xf32, #tpu.memory_space<vmem>>, vector<16xf32>,
      %add3A_795 = arith.constant 48 : i32
      %add3A_796 = arith.addi %mul3A_784, %add3A_795 : i32
      %get3A_797 = arith.index_cast %add3A_796 : i32 to index
      %get3A_798 = tpu.vector_load %arg11[%get3A_797] {strides = array<i32>} : memref<32768xf32, #tpu.memory_space<vmem>>, vector<16xf32>,
      %mul3A_799 = arith.mulf %get3A_786, %get3A_786 : vector<16xf32>
      %mul3A_800 = arith.mulf %get3A_790, %get3A_790 : vector<16xf32>
      %add3A_801 = arith.addf %mul3A_799, %mul3A_800 : vector<16xf32>
      %mul3A_802 = arith.mulf %get3A_794, %get3A_794 : vector<16xf32>
      %mul3A_803 = arith.mulf %get3A_798, %get3A_798 : vector<16xf32>
      %add3A_804 = arith.addf %mul3A_802, %mul3A_803 : vector<16xf32>
      %add3A_805 = arith.addf %add3A_801, %add3A_804 : vector<16xf32>
      %reduce_sum3A_806 = arith.constant true
      %reduce_sum3A_807 = vector.broadcast %reduce_sum3A_806 : i1 to vector<16xi1>
      %reduce_sum3A_808 = tpu.scan <sum>, %add3A_805 masked %reduce_sum3A_807 : vector<16xf32>, vector<16xi1> -> vector<16xf32>
      %reduce_sum3A_809 = vector.extract %reduce_sum3A_808[15] : f32 from vector<16xf32>
      %broadcast_in_dim3A_810 = vector.broadcast %reduce_sum3A_809 : f32 to vector<16xf32>
      %bitcast3A_811 = vector.bitcast %broadcast_in_dim3A_810 : vector<16xf32> to vector<16xi32>
      %shift_right_arithmetic3A_812 = arith.constant 1 : i32
      %shift_right_arithmetic3A_813 = vector.broadcast %shift_right_arithmetic3A_812 : i32 to vector<16xi32>
      %shift_right_arithmetic3A_814 = arith.shrsi %bitcast3A_811, %shift_right_arithmetic3A_813 : vector<16xi32>
      %sub3A_815 = arith.constant 1597463007 : i32
      %sub3A_816 = vector.broadcast %sub3A_815 : i32 to vector<16xi32>
      %sub3A_817 = arith.subi %sub3A_816, %shift_right_arithmetic3A_814 : vector<16xi32>
      %bitcast3A_818 = vector.bitcast %sub3A_817 : vector<16xi32> to vector<16xf32>
      %mul3A_819 = arith.constant 5.000000e-01 : f32
      %mul3A_820 = vector.broadcast %mul3A_819 : f32 to vector<16xf32>
      %mul3A_821 = arith.mulf %mul3A_820, %broadcast_in_dim3A_810 : vector<16xf32>
      %mul3A_822 = arith.mulf %mul3A_821, %bitcast3A_818 : vector<16xf32>
      %mul3A_823 = arith.mulf %mul3A_822, %bitcast3A_818 : vector<16xf32>
      %sub3A_824 = arith.constant 1.500000e+00 : f32
      %sub3A_825 = vector.broadcast %sub3A_824 : f32 to vector<16xf32>
      %sub3A_826 = arith.subf %sub3A_825, %mul3A_823 : vector<16xf32>
      %mul3A_827 = arith.mulf %bitcast3A_818, %sub3A_826 : vector<16xf32>
      %mul3A_828 = arith.mulf %mul3A_821, %mul3A_827 : vector<16xf32>
      %mul3A_829 = arith.mulf %mul3A_828, %mul3A_827 : vector<16xf32>
      %sub3A_830 = arith.constant 1.500000e+00 : f32
      %sub3A_831 = vector.broadcast %sub3A_830 : f32 to vector<16xf32>
      %sub3A_832 = arith.subf %sub3A_831, %mul3A_829 : vector<16xf32>
      %mul3A_833 = arith.mulf %mul3A_827, %sub3A_832 : vector<16xf32>
      %lt3A_834 = arith.constant 1.000000e-24 : f32
      %lt3A_835 = vector.broadcast %lt3A_834 : f32 to vector<16xf32>
      %lt3A_836 = arith.cmpf olt, %broadcast_in_dim3A_810, %lt3A_835 : vector<16xf32>
      %jit3A_837 = arith.constant 9.99999995E+11 : f32
      %broadcast_in_dim3A_838 = vector.broadcast %jit3A_837 : f32 to vector<16xf32>
      %select_n3A_839 = arith.select %lt3A_836, %broadcast_in_dim3A_838, %mul3A_833 : vector<16xi1>, vector<16xf32>
      %slice3A_840 = vector.extract_strided_slice %div3A_77 {offsets = [7], sizes = [1], strides = [1]} : vector<16xf32> to vector<1xf32>
      %squeeze3A_841 = vector.extract %slice3A_840[0] : f32 from vector<1xf32>
      %broadcast_in_dim3A_842 = vector.broadcast %squeeze3A_841 : f32 to vector<16xf32>
      %shift_right_arithmetic3A_843 = arith.constant 3 : i32
      %shift_right_arithmetic3A_844 = arith.shrsi %add3A_782, %shift_right_arithmetic3A_843 : i32
      %and3A_845 = arith.constant 7 : i32
      %and3A_846 = arith.andi %add3A_782, %and3A_845 : i32
      %mul3A_847 = arith.mulf %get3A_786, %select_n3A_839 : vector<16xf32>
      %get3A_848 = arith.index_cast %shift_right_arithmetic3A_844 : i32 to index
      %get3A_849 = arith.index_cast %and3A_846 : i32 to index
      %get3A_850 = arith.constant 0 : index
      %get3A_851 = tpu.vector_load %arg12[%get3A_848, %get3A_849, %get3A_850] {strides = array<i32>} : memref<64x8x64xf32, #tpu.memory_space<vmem>>, vector<16xf32>,
      %sub3A_852 = arith.subf %mul3A_847, %get3A_851 : vector<16xf32>
      %mul3A_853 = arith.mulf %get3A_790, %select_n3A_839 : vector<16xf32>
      %get3A_854 = arith.index_cast %shift_right_arithmetic3A_844 : i32 to index
      %get3A_855 = arith.index_cast %and3A_846 : i32 to index
      %get3A_856 = arith.constant 16 : index
      %get3A_857 = tpu.vector_load %arg12[%get3A_854, %get3A_855, %get3A_856] {strides = array<i32>} : memref<64x8x64xf32, #tpu.memory_space<vmem>>, vector<16xf32>,
      %sub3A_858 = arith.subf %mul3A_853, %get3A_857 : vector<16xf32>
      %mul3A_859 = arith.mulf %get3A_794, %select_n3A_839 : vector<16xf32>
      %get3A_860 = arith.index_cast %shift_right_arithmetic3A_844 : i32 to index
      %get3A_861 = arith.index_cast %and3A_846 : i32 to index
      %get3A_862 = arith.constant 32 : index
      %get3A_863 = tpu.vector_load %arg12[%get3A_860, %get3A_861, %get3A_862] {strides = array<i32>} : memref<64x8x64xf32, #tpu.memory_space<vmem>>, vector<16xf32>,
      %sub3A_864 = arith.subf %mul3A_859, %get3A_863 : vector<16xf32>
      %mul3A_865 = arith.mulf %get3A_798, %select_n3A_839 : vector<16xf32>
      %get3A_866 = arith.index_cast %shift_right_arithmetic3A_844 : i32 to index
      %get3A_867 = arith.index_cast %and3A_846 : i32 to index
      %get3A_868 = arith.constant 48 : index
      %get3A_869 = tpu.vector_load %arg12[%get3A_866, %get3A_867, %get3A_868] {strides = array<i32>} : memref<64x8x64xf32, #tpu.memory_space<vmem>>, vector<16xf32>,
      %sub3A_870 = arith.subf %mul3A_865, %get3A_869 : vector<16xf32>
      %mul3A_871 = arith.mulf %sub3A_852, %sub3A_852 : vector<16xf32>
      %mul3A_872 = arith.mulf %sub3A_858, %sub3A_858 : vector<16xf32>
      %add3A_873 = arith.addf %mul3A_871, %mul3A_872 : vector<16xf32>
      %mul3A_874 = arith.mulf %sub3A_864, %sub3A_864 : vector<16xf32>
      %mul3A_875 = arith.mulf %sub3A_870, %sub3A_870 : vector<16xf32>
      %add3A_876 = arith.addf %mul3A_874, %mul3A_875 : vector<16xf32>
      %add3A_877 = arith.addf %add3A_873, %add3A_876 : vector<16xf32>
      %mul3A_878 = arith.mulf %broadcast_in_dim3A_842, %add3A_877 : vector<16xf32>
      %add3A_879 = arith.addf %add3A_778, %mul3A_878 : vector<16xf32>
      %mul3A_880 = arith.constant 16 : i32
      %mul3A_881 = arith.muli %add3A_66, %mul3A_880 : i32
      %add3A_882 = arith.constant 8 : i32
      %add3A_883 = arith.addi %mul3A_881, %add3A_882 : i32
      %mul3A_884 = arith.constant 64 : i32
      %mul3A_885 = arith.muli %add3A_883, %mul3A_884 : i32
      %get3A_886 = arith.index_cast %mul3A_885 : i32 to index
      %get3A_887 = tpu.vector_load %arg11[%get3A_886] {strides = array<i32>} : memref<32768xf32, #tpu.memory_space<vmem>>, vector<16xf32>,
      %add3A_888 = arith.constant 16 : i32
      %add3A_889 = arith.addi %mul3A_885, %add3A_888 : i32
      %get3A_890 = arith.index_cast %add3A_889 : i32 to index
      %get3A_891 = tpu.vector_load %arg11[%get3A_890] {strides = array<i32>} : memref<32768xf32, #tpu.memory_space<vmem>>, vector<16xf32>,
      %add3A_892 = arith.constant 32 : i32
      %add3A_893 = arith.addi %mul3A_885, %add3A_892 : i32
      %get3A_894 = arith.index_cast %add3A_893 : i32 to index
      %get3A_895 = tpu.vector_load %arg11[%get3A_894] {strides = array<i32>} : memref<32768xf32, #tpu.memory_space<vmem>>, vector<16xf32>,
      %add3A_896 = arith.constant 48 : i32
      %add3A_897 = arith.addi %mul3A_885, %add3A_896 : i32
      %get3A_898 = arith.index_cast %add3A_897 : i32 to index
      %get3A_899 = tpu.vector_load %arg11[%get3A_898] {strides = array<i32>} : memref<32768xf32, #tpu.memory_space<vmem>>, vector<16xf32>,
      %mul3A_900 = arith.mulf %get3A_887, %get3A_887 : vector<16xf32>
      %mul3A_901 = arith.mulf %get3A_891, %get3A_891 : vector<16xf32>
      %add3A_902 = arith.addf %mul3A_900, %mul3A_901 : vector<16xf32>
      %mul3A_903 = arith.mulf %get3A_895, %get3A_895 : vector<16xf32>
      %mul3A_904 = arith.mulf %get3A_899, %get3A_899 : vector<16xf32>
      %add3A_905 = arith.addf %mul3A_903, %mul3A_904 : vector<16xf32>
      %add3A_906 = arith.addf %add3A_902, %add3A_905 : vector<16xf32>
      %reduce_sum3A_907 = arith.constant true
      %reduce_sum3A_908 = vector.broadcast %reduce_sum3A_907 : i1 to vector<16xi1>
      %reduce_sum3A_909 = tpu.scan <sum>, %add3A_906 masked %reduce_sum3A_908 : vector<16xf32>, vector<16xi1> -> vector<16xf32>
      %reduce_sum3A_910 = vector.extract %reduce_sum3A_909[15] : f32 from vector<16xf32>
      %broadcast_in_dim3A_911 = vector.broadcast %reduce_sum3A_910 : f32 to vector<16xf32>
      %bitcast3A_912 = vector.bitcast %broadcast_in_dim3A_911 : vector<16xf32> to vector<16xi32>
      %shift_right_arithmetic3A_913 = arith.constant 1 : i32
      %shift_right_arithmetic3A_914 = vector.broadcast %shift_right_arithmetic3A_913 : i32 to vector<16xi32>
      %shift_right_arithmetic3A_915 = arith.shrsi %bitcast3A_912, %shift_right_arithmetic3A_914 : vector<16xi32>
      %sub3A_916 = arith.constant 1597463007 : i32
      %sub3A_917 = vector.broadcast %sub3A_916 : i32 to vector<16xi32>
      %sub3A_918 = arith.subi %sub3A_917, %shift_right_arithmetic3A_915 : vector<16xi32>
      %bitcast3A_919 = vector.bitcast %sub3A_918 : vector<16xi32> to vector<16xf32>
      %mul3A_920 = arith.constant 5.000000e-01 : f32
      %mul3A_921 = vector.broadcast %mul3A_920 : f32 to vector<16xf32>
      %mul3A_922 = arith.mulf %mul3A_921, %broadcast_in_dim3A_911 : vector<16xf32>
      %mul3A_923 = arith.mulf %mul3A_922, %bitcast3A_919 : vector<16xf32>
      %mul3A_924 = arith.mulf %mul3A_923, %bitcast3A_919 : vector<16xf32>
      %sub3A_925 = arith.constant 1.500000e+00 : f32
      %sub3A_926 = vector.broadcast %sub3A_925 : f32 to vector<16xf32>
      %sub3A_927 = arith.subf %sub3A_926, %mul3A_924 : vector<16xf32>
      %mul3A_928 = arith.mulf %bitcast3A_919, %sub3A_927 : vector<16xf32>
      %mul3A_929 = arith.mulf %mul3A_922, %mul3A_928 : vector<16xf32>
      %mul3A_930 = arith.mulf %mul3A_929, %mul3A_928 : vector<16xf32>
      %sub3A_931 = arith.constant 1.500000e+00 : f32
      %sub3A_932 = vector.broadcast %sub3A_931 : f32 to vector<16xf32>
      %sub3A_933 = arith.subf %sub3A_932, %mul3A_930 : vector<16xf32>
      %mul3A_934 = arith.mulf %mul3A_928, %sub3A_933 : vector<16xf32>
      %lt3A_935 = arith.constant 1.000000e-24 : f32
      %lt3A_936 = vector.broadcast %lt3A_935 : f32 to vector<16xf32>
      %lt3A_937 = arith.cmpf olt, %broadcast_in_dim3A_911, %lt3A_936 : vector<16xf32>
      %jit3A_938 = arith.constant 9.99999995E+11 : f32
      %broadcast_in_dim3A_939 = vector.broadcast %jit3A_938 : f32 to vector<16xf32>
      %select_n3A_940 = arith.select %lt3A_937, %broadcast_in_dim3A_939, %mul3A_934 : vector<16xi1>, vector<16xf32>
      %slice3A_941 = vector.extract_strided_slice %div3A_77 {offsets = [8], sizes = [1], strides = [1]} : vector<16xf32> to vector<1xf32>
      %squeeze3A_942 = vector.extract %slice3A_941[0] : f32 from vector<1xf32>
      %broadcast_in_dim3A_943 = vector.broadcast %squeeze3A_942 : f32 to vector<16xf32>
      %shift_right_arithmetic3A_944 = arith.constant 3 : i32
      %shift_right_arithmetic3A_945 = arith.shrsi %add3A_883, %shift_right_arithmetic3A_944 : i32
      %and3A_946 = arith.constant 7 : i32
      %and3A_947 = arith.andi %add3A_883, %and3A_946 : i32
      %mul3A_948 = arith.mulf %get3A_887, %select_n3A_940 : vector<16xf32>
      %get3A_949 = arith.index_cast %shift_right_arithmetic3A_945 : i32 to index
      %get3A_950 = arith.index_cast %and3A_947 : i32 to index
      %get3A_951 = arith.constant 0 : index
      %get3A_952 = tpu.vector_load %arg12[%get3A_949, %get3A_950, %get3A_951] {strides = array<i32>} : memref<64x8x64xf32, #tpu.memory_space<vmem>>, vector<16xf32>,
      %sub3A_953 = arith.subf %mul3A_948, %get3A_952 : vector<16xf32>
      %mul3A_954 = arith.mulf %get3A_891, %select_n3A_940 : vector<16xf32>
      %get3A_955 = arith.index_cast %shift_right_arithmetic3A_945 : i32 to index
      %get3A_956 = arith.index_cast %and3A_947 : i32 to index
      %get3A_957 = arith.constant 16 : index
      %get3A_958 = tpu.vector_load %arg12[%get3A_955, %get3A_956, %get3A_957] {strides = array<i32>} : memref<64x8x64xf32, #tpu.memory_space<vmem>>, vector<16xf32>,
      %sub3A_959 = arith.subf %mul3A_954, %get3A_958 : vector<16xf32>
      %mul3A_960 = arith.mulf %get3A_895, %select_n3A_940 : vector<16xf32>
      %get3A_961 = arith.index_cast %shift_right_arithmetic3A_945 : i32 to index
      %get3A_962 = arith.index_cast %and3A_947 : i32 to index
      %get3A_963 = arith.constant 32 : index
      %get3A_964 = tpu.vector_load %arg12[%get3A_961, %get3A_962, %get3A_963] {strides = array<i32>} : memref<64x8x64xf32, #tpu.memory_space<vmem>>, vector<16xf32>,
      %sub3A_965 = arith.subf %mul3A_960, %get3A_964 : vector<16xf32>
      %mul3A_966 = arith.mulf %get3A_899, %select_n3A_940 : vector<16xf32>
      %get3A_967 = arith.index_cast %shift_right_arithmetic3A_945 : i32 to index
      %get3A_968 = arith.index_cast %and3A_947 : i32 to index
      %get3A_969 = arith.constant 48 : index
      %get3A_970 = tpu.vector_load %arg12[%get3A_967, %get3A_968, %get3A_969] {strides = array<i32>} : memref<64x8x64xf32, #tpu.memory_space<vmem>>, vector<16xf32>,
      %sub3A_971 = arith.subf %mul3A_966, %get3A_970 : vector<16xf32>
      %mul3A_972 = arith.mulf %sub3A_953, %sub3A_953 : vector<16xf32>
      %mul3A_973 = arith.mulf %sub3A_959, %sub3A_959 : vector<16xf32>
      %add3A_974 = arith.addf %mul3A_972, %mul3A_973 : vector<16xf32>
      %mul3A_975 = arith.mulf %sub3A_965, %sub3A_965 : vector<16xf32>
      %mul3A_976 = arith.mulf %sub3A_971, %sub3A_971 : vector<16xf32>
      %add3A_977 = arith.addf %mul3A_975, %mul3A_976 : vector<16xf32>
      %add3A_978 = arith.addf %add3A_974, %add3A_977 : vector<16xf32>
      %mul3A_979 = arith.mulf %broadcast_in_dim3A_943, %add3A_978 : vector<16xf32>
      %add3A_980 = arith.addf %add3A_879, %mul3A_979 : vector<16xf32>
      %mul3A_981 = arith.constant 16 : i32
      %mul3A_982 = arith.muli %add3A_66, %mul3A_981 : i32
      %add3A_983 = arith.constant 9 : i32
      %add3A_984 = arith.addi %mul3A_982, %add3A_983 : i32
      %mul3A_985 = arith.constant 64 : i32
      %mul3A_986 = arith.muli %add3A_984, %mul3A_985 : i32
      %get3A_987 = arith.index_cast %mul3A_986 : i32 to index
      %get3A_988 = tpu.vector_load %arg11[%get3A_987] {strides = array<i32>} : memref<32768xf32, #tpu.memory_space<vmem>>, vector<16xf32>,
      %add3A_989 = arith.constant 16 : i32
      %add3A_990 = arith.addi %mul3A_986, %add3A_989 : i32
      %get3A_991 = arith.index_cast %add3A_990 : i32 to index
      %get3A_992 = tpu.vector_load %arg11[%get3A_991] {strides = array<i32>} : memref<32768xf32, #tpu.memory_space<vmem>>, vector<16xf32>,
      %add3A_993 = arith.constant 32 : i32
      %add3A_994 = arith.addi %mul3A_986, %add3A_993 : i32
      %get3A_995 = arith.index_cast %add3A_994 : i32 to index
      %get3A_996 = tpu.vector_load %arg11[%get3A_995] {strides = array<i32>} : memref<32768xf32, #tpu.memory_space<vmem>>, vector<16xf32>,
      %add3A_997 = arith.constant 48 : i32
      %add3A_998 = arith.addi %mul3A_986, %add3A_997 : i32
      %get3A_999 = arith.index_cast %add3A_998 : i32 to index
      %get3A_1000 = tpu.vector_load %arg11[%get3A_999] {strides = array<i32>} : memref<32768xf32, #tpu.memory_space<vmem>>, vector<16xf32>,
      %mul3A_1001 = arith.mulf %get3A_988, %get3A_988 : vector<16xf32>
      %mul3A_1002 = arith.mulf %get3A_992, %get3A_992 : vector<16xf32>
      %add3A_1003 = arith.addf %mul3A_1001, %mul3A_1002 : vector<16xf32>
      %mul3A_1004 = arith.mulf %get3A_996, %get3A_996 : vector<16xf32>
      %mul3A_1005 = arith.mulf %get3A_1000, %get3A_1000 : vector<16xf32>
      %add3A_1006 = arith.addf %mul3A_1004, %mul3A_1005 : vector<16xf32>
      %add3A_1007 = arith.addf %add3A_1003, %add3A_1006 : vector<16xf32>
      %reduce_sum3A_1008 = arith.constant true
      %reduce_sum3A_1009 = vector.broadcast %reduce_sum3A_1008 : i1 to vector<16xi1>
      %reduce_sum3A_1010 = tpu.scan <sum>, %add3A_1007 masked %reduce_sum3A_1009 : vector<16xf32>, vector<16xi1> -> vector<16xf32>
      %reduce_sum3A_1011 = vector.extract %reduce_sum3A_1010[15] : f32 from vector<16xf32>
      %broadcast_in_dim3A_1012 = vector.broadcast %reduce_sum3A_1011 : f32 to vector<16xf32>
      %bitcast3A_1013 = vector.bitcast %broadcast_in_dim3A_1012 : vector<16xf32> to vector<16xi32>
      %shift_right_arithmetic3A_1014 = arith.constant 1 : i32
      %shift_right_arithmetic3A_1015 = vector.broadcast %shift_right_arithmetic3A_1014 : i32 to vector<16xi32>
      %shift_right_arithmetic3A_1016 = arith.shrsi %bitcast3A_1013, %shift_right_arithmetic3A_1015 : vector<16xi32>
      %sub3A_1017 = arith.constant 1597463007 : i32
      %sub3A_1018 = vector.broadcast %sub3A_1017 : i32 to vector<16xi32>
      %sub3A_1019 = arith.subi %sub3A_1018, %shift_right_arithmetic3A_1016 : vector<16xi32>
      %bitcast3A_1020 = vector.bitcast %sub3A_1019 : vector<16xi32> to vector<16xf32>
      %mul3A_1021 = arith.constant 5.000000e-01 : f32
      %mul3A_1022 = vector.broadcast %mul3A_1021 : f32 to vector<16xf32>
      %mul3A_1023 = arith.mulf %mul3A_1022, %broadcast_in_dim3A_1012 : vector<16xf32>
      %mul3A_1024 = arith.mulf %mul3A_1023, %bitcast3A_1020 : vector<16xf32>
      %mul3A_1025 = arith.mulf %mul3A_1024, %bitcast3A_1020 : vector<16xf32>
      %sub3A_1026 = arith.constant 1.500000e+00 : f32
      %sub3A_1027 = vector.broadcast %sub3A_1026 : f32 to vector<16xf32>
      %sub3A_1028 = arith.subf %sub3A_1027, %mul3A_1025 : vector<16xf32>
      %mul3A_1029 = arith.mulf %bitcast3A_1020, %sub3A_1028 : vector<16xf32>
      %mul3A_1030 = arith.mulf %mul3A_1023, %mul3A_1029 : vector<16xf32>
      %mul3A_1031 = arith.mulf %mul3A_1030, %mul3A_1029 : vector<16xf32>
      %sub3A_1032 = arith.constant 1.500000e+00 : f32
      %sub3A_1033 = vector.broadcast %sub3A_1032 : f32 to vector<16xf32>
      %sub3A_1034 = arith.subf %sub3A_1033, %mul3A_1031 : vector<16xf32>
      %mul3A_1035 = arith.mulf %mul3A_1029, %sub3A_1034 : vector<16xf32>
      %lt3A_1036 = arith.constant 1.000000e-24 : f32
      %lt3A_1037 = vector.broadcast %lt3A_1036 : f32 to vector<16xf32>
      %lt3A_1038 = arith.cmpf olt, %broadcast_in_dim3A_1012, %lt3A_1037 : vector<16xf32>
      %jit3A_1039 = arith.constant 9.99999995E+11 : f32
      %broadcast_in_dim3A_1040 = vector.broadcast %jit3A_1039 : f32 to vector<16xf32>
      %select_n3A_1041 = arith.select %lt3A_1038, %broadcast_in_dim3A_1040, %mul3A_1035 : vector<16xi1>, vector<16xf32>
      %slice3A_1042 = vector.extract_strided_slice %div3A_77 {offsets = [9], sizes = [1], strides = [1]} : vector<16xf32> to vector<1xf32>
      %squeeze3A_1043 = vector.extract %slice3A_1042[0] : f32 from vector<1xf32>
      %broadcast_in_dim3A_1044 = vector.broadcast %squeeze3A_1043 : f32 to vector<16xf32>
      %shift_right_arithmetic3A_1045 = arith.constant 3 : i32
      %shift_right_arithmetic3A_1046 = arith.shrsi %add3A_984, %shift_right_arithmetic3A_1045 : i32
      %and3A_1047 = arith.constant 7 : i32
      %and3A_1048 = arith.andi %add3A_984, %and3A_1047 : i32
      %mul3A_1049 = arith.mulf %get3A_988, %select_n3A_1041 : vector<16xf32>
      %get3A_1050 = arith.index_cast %shift_right_arithmetic3A_1046 : i32 to index
      %get3A_1051 = arith.index_cast %and3A_1048 : i32 to index
      %get3A_1052 = arith.constant 0 : index
      %get3A_1053 = tpu.vector_load %arg12[%get3A_1050, %get3A_1051, %get3A_1052] {strides = array<i32>} : memref<64x8x64xf32, #tpu.memory_space<vmem>>, vector<16xf32>,
      %sub3A_1054 = arith.subf %mul3A_1049, %get3A_1053 : vector<16xf32>
      %mul3A_1055 = arith.mulf %get3A_992, %select_n3A_1041 : vector<16xf32>
      %get3A_1056 = arith.index_cast %shift_right_arithmetic3A_1046 : i32 to index
      %get3A_1057 = arith.index_cast %and3A_1048 : i32 to index
      %get3A_1058 = arith.constant 16 : index
      %get3A_1059 = tpu.vector_load %arg12[%get3A_1056, %get3A_1057, %get3A_1058] {strides = array<i32>} : memref<64x8x64xf32, #tpu.memory_space<vmem>>, vector<16xf32>,
      %sub3A_1060 = arith.subf %mul3A_1055, %get3A_1059 : vector<16xf32>
      %mul3A_1061 = arith.mulf %get3A_996, %select_n3A_1041 : vector<16xf32>
      %get3A_1062 = arith.index_cast %shift_right_arithmetic3A_1046 : i32 to index
      %get3A_1063 = arith.index_cast %and3A_1048 : i32 to index
      %get3A_1064 = arith.constant 32 : index
      %get3A_1065 = tpu.vector_load %arg12[%get3A_1062, %get3A_1063, %get3A_1064] {strides = array<i32>} : memref<64x8x64xf32, #tpu.memory_space<vmem>>, vector<16xf32>,
      %sub3A_1066 = arith.subf %mul3A_1061, %get3A_1065 : vector<16xf32>
      %mul3A_1067 = arith.mulf %get3A_1000, %select_n3A_1041 : vector<16xf32>
      %get3A_1068 = arith.index_cast %shift_right_arithmetic3A_1046 : i32 to index
      %get3A_1069 = arith.index_cast %and3A_1048 : i32 to index
      %get3A_1070 = arith.constant 48 : index
      %get3A_1071 = tpu.vector_load %arg12[%get3A_1068, %get3A_1069, %get3A_1070] {strides = array<i32>} : memref<64x8x64xf32, #tpu.memory_space<vmem>>, vector<16xf32>,
      %sub3A_1072 = arith.subf %mul3A_1067, %get3A_1071 : vector<16xf32>
      %mul3A_1073 = arith.mulf %sub3A_1054, %sub3A_1054 : vector<16xf32>
      %mul3A_1074 = arith.mulf %sub3A_1060, %sub3A_1060 : vector<16xf32>
      %add3A_1075 = arith.addf %mul3A_1073, %mul3A_1074 : vector<16xf32>
      %mul3A_1076 = arith.mulf %sub3A_1066, %sub3A_1066 : vector<16xf32>
      %mul3A_1077 = arith.mulf %sub3A_1072, %sub3A_1072 : vector<16xf32>
      %add3A_1078 = arith.addf %mul3A_1076, %mul3A_1077 : vector<16xf32>
      %add3A_1079 = arith.addf %add3A_1075, %add3A_1078 : vector<16xf32>
      %mul3A_1080 = arith.mulf %broadcast_in_dim3A_1044, %add3A_1079 : vector<16xf32>
      %add3A_1081 = arith.addf %add3A_980, %mul3A_1080 : vector<16xf32>
      %mul3A_1082 = arith.constant 16 : i32
      %mul3A_1083 = arith.muli %add3A_66, %mul3A_1082 : i32
      %add3A_1084 = arith.constant 10 : i32
      %add3A_1085 = arith.addi %mul3A_1083, %add3A_1084 : i32
      %mul3A_1086 = arith.constant 64 : i32
      %mul3A_1087 = arith.muli %add3A_1085, %mul3A_1086 : i32
      %get3A_1088 = arith.index_cast %mul3A_1087 : i32 to index
      %get3A_1089 = tpu.vector_load %arg11[%get3A_1088] {strides = array<i32>} : memref<32768xf32, #tpu.memory_space<vmem>>, vector<16xf32>,
      %add3A_1090 = arith.constant 16 : i32
      %add3A_1091 = arith.addi %mul3A_1087, %add3A_1090 : i32
      %get3A_1092 = arith.index_cast %add3A_1091 : i32 to index
      %get3A_1093 = tpu.vector_load %arg11[%get3A_1092] {strides = array<i32>} : memref<32768xf32, #tpu.memory_space<vmem>>, vector<16xf32>,
      %add3A_1094 = arith.constant 32 : i32
      %add3A_1095 = arith.addi %mul3A_1087, %add3A_1094 : i32
      %get3A_1096 = arith.index_cast %add3A_1095 : i32 to index
      %get3A_1097 = tpu.vector_load %arg11[%get3A_1096] {strides = array<i32>} : memref<32768xf32, #tpu.memory_space<vmem>>, vector<16xf32>,
      %add3A_1098 = arith.constant 48 : i32
      %add3A_1099 = arith.addi %mul3A_1087, %add3A_1098 : i32
      %get3A_1100 = arith.index_cast %add3A_1099 : i32 to index
      %get3A_1101 = tpu.vector_load %arg11[%get3A_1100] {strides = array<i32>} : memref<32768xf32, #tpu.memory_space<vmem>>, vector<16xf32>,
      %mul3A_1102 = arith.mulf %get3A_1089, %get3A_1089 : vector<16xf32>
      %mul3A_1103 = arith.mulf %get3A_1093, %get3A_1093 : vector<16xf32>
      %add3A_1104 = arith.addf %mul3A_1102, %mul3A_1103 : vector<16xf32>
      %mul3A_1105 = arith.mulf %get3A_1097, %get3A_1097 : vector<16xf32>
      %mul3A_1106 = arith.mulf %get3A_1101, %get3A_1101 : vector<16xf32>
      %add3A_1107 = arith.addf %mul3A_1105, %mul3A_1106 : vector<16xf32>
      %add3A_1108 = arith.addf %add3A_1104, %add3A_1107 : vector<16xf32>
      %reduce_sum3A_1109 = arith.constant true
      %reduce_sum3A_1110 = vector.broadcast %reduce_sum3A_1109 : i1 to vector<16xi1>
      %reduce_sum3A_1111 = tpu.scan <sum>, %add3A_1108 masked %reduce_sum3A_1110 : vector<16xf32>, vector<16xi1> -> vector<16xf32>
      %reduce_sum3A_1112 = vector.extract %reduce_sum3A_1111[15] : f32 from vector<16xf32>
      %broadcast_in_dim3A_1113 = vector.broadcast %reduce_sum3A_1112 : f32 to vector<16xf32>
      %bitcast3A_1114 = vector.bitcast %broadcast_in_dim3A_1113 : vector<16xf32> to vector<16xi32>
      %shift_right_arithmetic3A_1115 = arith.constant 1 : i32
      %shift_right_arithmetic3A_1116 = vector.broadcast %shift_right_arithmetic3A_1115 : i32 to vector<16xi32>
      %shift_right_arithmetic3A_1117 = arith.shrsi %bitcast3A_1114, %shift_right_arithmetic3A_1116 : vector<16xi32>
      %sub3A_1118 = arith.constant 1597463007 : i32
      %sub3A_1119 = vector.broadcast %sub3A_1118 : i32 to vector<16xi32>
      %sub3A_1120 = arith.subi %sub3A_1119, %shift_right_arithmetic3A_1117 : vector<16xi32>
      %bitcast3A_1121 = vector.bitcast %sub3A_1120 : vector<16xi32> to vector<16xf32>
      %mul3A_1122 = arith.constant 5.000000e-01 : f32
      %mul3A_1123 = vector.broadcast %mul3A_1122 : f32 to vector<16xf32>
      %mul3A_1124 = arith.mulf %mul3A_1123, %broadcast_in_dim3A_1113 : vector<16xf32>
      %mul3A_1125 = arith.mulf %mul3A_1124, %bitcast3A_1121 : vector<16xf32>
      %mul3A_1126 = arith.mulf %mul3A_1125, %bitcast3A_1121 : vector<16xf32>
      %sub3A_1127 = arith.constant 1.500000e+00 : f32
      %sub3A_1128 = vector.broadcast %sub3A_1127 : f32 to vector<16xf32>
      %sub3A_1129 = arith.subf %sub3A_1128, %mul3A_1126 : vector<16xf32>
      %mul3A_1130 = arith.mulf %bitcast3A_1121, %sub3A_1129 : vector<16xf32>
      %mul3A_1131 = arith.mulf %mul3A_1124, %mul3A_1130 : vector<16xf32>
      %mul3A_1132 = arith.mulf %mul3A_1131, %mul3A_1130 : vector<16xf32>
      %sub3A_1133 = arith.constant 1.500000e+00 : f32
      %sub3A_1134 = vector.broadcast %sub3A_1133 : f32 to vector<16xf32>
      %sub3A_1135 = arith.subf %sub3A_1134, %mul3A_1132 : vector<16xf32>
      %mul3A_1136 = arith.mulf %mul3A_1130, %sub3A_1135 : vector<16xf32>
      %lt3A_1137 = arith.constant 1.000000e-24 : f32
      %lt3A_1138 = vector.broadcast %lt3A_1137 : f32 to vector<16xf32>
      %lt3A_1139 = arith.cmpf olt, %broadcast_in_dim3A_1113, %lt3A_1138 : vector<16xf32>
      %jit3A_1140 = arith.constant 9.99999995E+11 : f32
      %broadcast_in_dim3A_1141 = vector.broadcast %jit3A_1140 : f32 to vector<16xf32>
      %select_n3A_1142 = arith.select %lt3A_1139, %broadcast_in_dim3A_1141, %mul3A_1136 : vector<16xi1>, vector<16xf32>
      %slice3A_1143 = vector.extract_strided_slice %div3A_77 {offsets = [10], sizes = [1], strides = [1]} : vector<16xf32> to vector<1xf32>
      %squeeze3A_1144 = vector.extract %slice3A_1143[0] : f32 from vector<1xf32>
      %broadcast_in_dim3A_1145 = vector.broadcast %squeeze3A_1144 : f32 to vector<16xf32>
      %shift_right_arithmetic3A_1146 = arith.constant 3 : i32
      %shift_right_arithmetic3A_1147 = arith.shrsi %add3A_1085, %shift_right_arithmetic3A_1146 : i32
      %and3A_1148 = arith.constant 7 : i32
      %and3A_1149 = arith.andi %add3A_1085, %and3A_1148 : i32
      %mul3A_1150 = arith.mulf %get3A_1089, %select_n3A_1142 : vector<16xf32>
      %get3A_1151 = arith.index_cast %shift_right_arithmetic3A_1147 : i32 to index
      %get3A_1152 = arith.index_cast %and3A_1149 : i32 to index
      %get3A_1153 = arith.constant 0 : index
      %get3A_1154 = tpu.vector_load %arg12[%get3A_1151, %get3A_1152, %get3A_1153] {strides = array<i32>} : memref<64x8x64xf32, #tpu.memory_space<vmem>>, vector<16xf32>,
      %sub3A_1155 = arith.subf %mul3A_1150, %get3A_1154 : vector<16xf32>
      %mul3A_1156 = arith.mulf %get3A_1093, %select_n3A_1142 : vector<16xf32>
      %get3A_1157 = arith.index_cast %shift_right_arithmetic3A_1147 : i32 to index
      %get3A_1158 = arith.index_cast %and3A_1149 : i32 to index
      %get3A_1159 = arith.constant 16 : index
      %get3A_1160 = tpu.vector_load %arg12[%get3A_1157, %get3A_1158, %get3A_1159] {strides = array<i32>} : memref<64x8x64xf32, #tpu.memory_space<vmem>>, vector<16xf32>,
      %sub3A_1161 = arith.subf %mul3A_1156, %get3A_1160 : vector<16xf32>
      %mul3A_1162 = arith.mulf %get3A_1097, %select_n3A_1142 : vector<16xf32>
      %get3A_1163 = arith.index_cast %shift_right_arithmetic3A_1147 : i32 to index
      %get3A_1164 = arith.index_cast %and3A_1149 : i32 to index
      %get3A_1165 = arith.constant 32 : index
      %get3A_1166 = tpu.vector_load %arg12[%get3A_1163, %get3A_1164, %get3A_1165] {strides = array<i32>} : memref<64x8x64xf32, #tpu.memory_space<vmem>>, vector<16xf32>,
      %sub3A_1167 = arith.subf %mul3A_1162, %get3A_1166 : vector<16xf32>
      %mul3A_1168 = arith.mulf %get3A_1101, %select_n3A_1142 : vector<16xf32>
      %get3A_1169 = arith.index_cast %shift_right_arithmetic3A_1147 : i32 to index
      %get3A_1170 = arith.index_cast %and3A_1149 : i32 to index
      %get3A_1171 = arith.constant 48 : index
      %get3A_1172 = tpu.vector_load %arg12[%get3A_1169, %get3A_1170, %get3A_1171] {strides = array<i32>} : memref<64x8x64xf32, #tpu.memory_space<vmem>>, vector<16xf32>,
      %sub3A_1173 = arith.subf %mul3A_1168, %get3A_1172 : vector<16xf32>
      %mul3A_1174 = arith.mulf %sub3A_1155, %sub3A_1155 : vector<16xf32>
      %mul3A_1175 = arith.mulf %sub3A_1161, %sub3A_1161 : vector<16xf32>
      %add3A_1176 = arith.addf %mul3A_1174, %mul3A_1175 : vector<16xf32>
      %mul3A_1177 = arith.mulf %sub3A_1167, %sub3A_1167 : vector<16xf32>
      %mul3A_1178 = arith.mulf %sub3A_1173, %sub3A_1173 : vector<16xf32>
      %add3A_1179 = arith.addf %mul3A_1177, %mul3A_1178 : vector<16xf32>
      %add3A_1180 = arith.addf %add3A_1176, %add3A_1179 : vector<16xf32>
      %mul3A_1181 = arith.mulf %broadcast_in_dim3A_1145, %add3A_1180 : vector<16xf32>
      %add3A_1182 = arith.addf %add3A_1081, %mul3A_1181 : vector<16xf32>
      %mul3A_1183 = arith.constant 16 : i32
      %mul3A_1184 = arith.muli %add3A_66, %mul3A_1183 : i32
      %add3A_1185 = arith.constant 11 : i32
      %add3A_1186 = arith.addi %mul3A_1184, %add3A_1185 : i32
      %mul3A_1187 = arith.constant 64 : i32
      %mul3A_1188 = arith.muli %add3A_1186, %mul3A_1187 : i32
      %get3A_1189 = arith.index_cast %mul3A_1188 : i32 to index
      %get3A_1190 = tpu.vector_load %arg11[%get3A_1189] {strides = array<i32>} : memref<32768xf32, #tpu.memory_space<vmem>>, vector<16xf32>,
      %add3A_1191 = arith.constant 16 : i32
      %add3A_1192 = arith.addi %mul3A_1188, %add3A_1191 : i32
      %get3A_1193 = arith.index_cast %add3A_1192 : i32 to index
      %get3A_1194 = tpu.vector_load %arg11[%get3A_1193] {strides = array<i32>} : memref<32768xf32, #tpu.memory_space<vmem>>, vector<16xf32>,
      %add3A_1195 = arith.constant 32 : i32
      %add3A_1196 = arith.addi %mul3A_1188, %add3A_1195 : i32
      %get3A_1197 = arith.index_cast %add3A_1196 : i32 to index
      %get3A_1198 = tpu.vector_load %arg11[%get3A_1197] {strides = array<i32>} : memref<32768xf32, #tpu.memory_space<vmem>>, vector<16xf32>,
      %add3A_1199 = arith.constant 48 : i32
      %add3A_1200 = arith.addi %mul3A_1188, %add3A_1199 : i32
      %get3A_1201 = arith.index_cast %add3A_1200 : i32 to index
      %get3A_1202 = tpu.vector_load %arg11[%get3A_1201] {strides = array<i32>} : memref<32768xf32, #tpu.memory_space<vmem>>, vector<16xf32>,
      %mul3A_1203 = arith.mulf %get3A_1190, %get3A_1190 : vector<16xf32>
      %mul3A_1204 = arith.mulf %get3A_1194, %get3A_1194 : vector<16xf32>
      %add3A_1205 = arith.addf %mul3A_1203, %mul3A_1204 : vector<16xf32>
      %mul3A_1206 = arith.mulf %get3A_1198, %get3A_1198 : vector<16xf32>
      %mul3A_1207 = arith.mulf %get3A_1202, %get3A_1202 : vector<16xf32>
      %add3A_1208 = arith.addf %mul3A_1206, %mul3A_1207 : vector<16xf32>
      %add3A_1209 = arith.addf %add3A_1205, %add3A_1208 : vector<16xf32>
      %reduce_sum3A_1210 = arith.constant true
      %reduce_sum3A_1211 = vector.broadcast %reduce_sum3A_1210 : i1 to vector<16xi1>
      %reduce_sum3A_1212 = tpu.scan <sum>, %add3A_1209 masked %reduce_sum3A_1211 : vector<16xf32>, vector<16xi1> -> vector<16xf32>
      %reduce_sum3A_1213 = vector.extract %reduce_sum3A_1212[15] : f32 from vector<16xf32>
      %broadcast_in_dim3A_1214 = vector.broadcast %reduce_sum3A_1213 : f32 to vector<16xf32>
      %bitcast3A_1215 = vector.bitcast %broadcast_in_dim3A_1214 : vector<16xf32> to vector<16xi32>
      %shift_right_arithmetic3A_1216 = arith.constant 1 : i32
      %shift_right_arithmetic3A_1217 = vector.broadcast %shift_right_arithmetic3A_1216 : i32 to vector<16xi32>
      %shift_right_arithmetic3A_1218 = arith.shrsi %bitcast3A_1215, %shift_right_arithmetic3A_1217 : vector<16xi32>
      %sub3A_1219 = arith.constant 1597463007 : i32
      %sub3A_1220 = vector.broadcast %sub3A_1219 : i32 to vector<16xi32>
      %sub3A_1221 = arith.subi %sub3A_1220, %shift_right_arithmetic3A_1218 : vector<16xi32>
      %bitcast3A_1222 = vector.bitcast %sub3A_1221 : vector<16xi32> to vector<16xf32>
      %mul3A_1223 = arith.constant 5.000000e-01 : f32
      %mul3A_1224 = vector.broadcast %mul3A_1223 : f32 to vector<16xf32>
      %mul3A_1225 = arith.mulf %mul3A_1224, %broadcast_in_dim3A_1214 : vector<16xf32>
      %mul3A_1226 = arith.mulf %mul3A_1225, %bitcast3A_1222 : vector<16xf32>
      %mul3A_1227 = arith.mulf %mul3A_1226, %bitcast3A_1222 : vector<16xf32>
      %sub3A_1228 = arith.constant 1.500000e+00 : f32
      %sub3A_1229 = vector.broadcast %sub3A_1228 : f32 to vector<16xf32>
      %sub3A_1230 = arith.subf %sub3A_1229, %mul3A_1227 : vector<16xf32>
      %mul3A_1231 = arith.mulf %bitcast3A_1222, %sub3A_1230 : vector<16xf32>
      %mul3A_1232 = arith.mulf %mul3A_1225, %mul3A_1231 : vector<16xf32>
      %mul3A_1233 = arith.mulf %mul3A_1232, %mul3A_1231 : vector<16xf32>
      %sub3A_1234 = arith.constant 1.500000e+00 : f32
      %sub3A_1235 = vector.broadcast %sub3A_1234 : f32 to vector<16xf32>
      %sub3A_1236 = arith.subf %sub3A_1235, %mul3A_1233 : vector<16xf32>
      %mul3A_1237 = arith.mulf %mul3A_1231, %sub3A_1236 : vector<16xf32>
      %lt3A_1238 = arith.constant 1.000000e-24 : f32
      %lt3A_1239 = vector.broadcast %lt3A_1238 : f32 to vector<16xf32>
      %lt3A_1240 = arith.cmpf olt, %broadcast_in_dim3A_1214, %lt3A_1239 : vector<16xf32>
      %jit3A_1241 = arith.constant 9.99999995E+11 : f32
      %broadcast_in_dim3A_1242 = vector.broadcast %jit3A_1241 : f32 to vector<16xf32>
      %select_n3A_1243 = arith.select %lt3A_1240, %broadcast_in_dim3A_1242, %mul3A_1237 : vector<16xi1>, vector<16xf32>
      %slice3A_1244 = vector.extract_strided_slice %div3A_77 {offsets = [11], sizes = [1], strides = [1]} : vector<16xf32> to vector<1xf32>
      %squeeze3A_1245 = vector.extract %slice3A_1244[0] : f32 from vector<1xf32>
      %broadcast_in_dim3A_1246 = vector.broadcast %squeeze3A_1245 : f32 to vector<16xf32>
      %shift_right_arithmetic3A_1247 = arith.constant 3 : i32
      %shift_right_arithmetic3A_1248 = arith.shrsi %add3A_1186, %shift_right_arithmetic3A_1247 : i32
      %and3A_1249 = arith.constant 7 : i32
      %and3A_1250 = arith.andi %add3A_1186, %and3A_1249 : i32
      %mul3A_1251 = arith.mulf %get3A_1190, %select_n3A_1243 : vector<16xf32>
      %get3A_1252 = arith.index_cast %shift_right_arithmetic3A_1248 : i32 to index
      %get3A_1253 = arith.index_cast %and3A_1250 : i32 to index
      %get3A_1254 = arith.constant 0 : index
      %get3A_1255 = tpu.vector_load %arg12[%get3A_1252, %get3A_1253, %get3A_1254] {strides = array<i32>} : memref<64x8x64xf32, #tpu.memory_space<vmem>>, vector<16xf32>,
      %sub3A_1256 = arith.subf %mul3A_1251, %get3A_1255 : vector<16xf32>
      %mul3A_1257 = arith.mulf %get3A_1194, %select_n3A_1243 : vector<16xf32>
      %get3A_1258 = arith.index_cast %shift_right_arithmetic3A_1248 : i32 to index
      %get3A_1259 = arith.index_cast %and3A_1250 : i32 to index
      %get3A_1260 = arith.constant 16 : index
      %get3A_1261 = tpu.vector_load %arg12[%get3A_1258, %get3A_1259, %get3A_1260] {strides = array<i32>} : memref<64x8x64xf32, #tpu.memory_space<vmem>>, vector<16xf32>,
      %sub3A_1262 = arith.subf %mul3A_1257, %get3A_1261 : vector<16xf32>
      %mul3A_1263 = arith.mulf %get3A_1198, %select_n3A_1243 : vector<16xf32>
      %get3A_1264 = arith.index_cast %shift_right_arithmetic3A_1248 : i32 to index
      %get3A_1265 = arith.index_cast %and3A_1250 : i32 to index
      %get3A_1266 = arith.constant 32 : index
      %get3A_1267 = tpu.vector_load %arg12[%get3A_1264, %get3A_1265, %get3A_1266] {strides = array<i32>} : memref<64x8x64xf32, #tpu.memory_space<vmem>>, vector<16xf32>,
      %sub3A_1268 = arith.subf %mul3A_1263, %get3A_1267 : vector<16xf32>
      %mul3A_1269 = arith.mulf %get3A_1202, %select_n3A_1243 : vector<16xf32>
      %get3A_1270 = arith.index_cast %shift_right_arithmetic3A_1248 : i32 to index
      %get3A_1271 = arith.index_cast %and3A_1250 : i32 to index
      %get3A_1272 = arith.constant 48 : index
      %get3A_1273 = tpu.vector_load %arg12[%get3A_1270, %get3A_1271, %get3A_1272] {strides = array<i32>} : memref<64x8x64xf32, #tpu.memory_space<vmem>>, vector<16xf32>,
      %sub3A_1274 = arith.subf %mul3A_1269, %get3A_1273 : vector<16xf32>
      %mul3A_1275 = arith.mulf %sub3A_1256, %sub3A_1256 : vector<16xf32>
      %mul3A_1276 = arith.mulf %sub3A_1262, %sub3A_1262 : vector<16xf32>
      %add3A_1277 = arith.addf %mul3A_1275, %mul3A_1276 : vector<16xf32>
      %mul3A_1278 = arith.mulf %sub3A_1268, %sub3A_1268 : vector<16xf32>
      %mul3A_1279 = arith.mulf %sub3A_1274, %sub3A_1274 : vector<16xf32>
      %add3A_1280 = arith.addf %mul3A_1278, %mul3A_1279 : vector<16xf32>
      %add3A_1281 = arith.addf %add3A_1277, %add3A_1280 : vector<16xf32>
      %mul3A_1282 = arith.mulf %broadcast_in_dim3A_1246, %add3A_1281 : vector<16xf32>
      %add3A_1283 = arith.addf %add3A_1182, %mul3A_1282 : vector<16xf32>
      %mul3A_1284 = arith.constant 16 : i32
      %mul3A_1285 = arith.muli %add3A_66, %mul3A_1284 : i32
      %add3A_1286 = arith.constant 12 : i32
      %add3A_1287 = arith.addi %mul3A_1285, %add3A_1286 : i32
      %mul3A_1288 = arith.constant 64 : i32
      %mul3A_1289 = arith.muli %add3A_1287, %mul3A_1288 : i32
      %get3A_1290 = arith.index_cast %mul3A_1289 : i32 to index
      %get3A_1291 = tpu.vector_load %arg11[%get3A_1290] {strides = array<i32>} : memref<32768xf32, #tpu.memory_space<vmem>>, vector<16xf32>,
      %add3A_1292 = arith.constant 16 : i32
      %add3A_1293 = arith.addi %mul3A_1289, %add3A_1292 : i32
      %get3A_1294 = arith.index_cast %add3A_1293 : i32 to index
      %get3A_1295 = tpu.vector_load %arg11[%get3A_1294] {strides = array<i32>} : memref<32768xf32, #tpu.memory_space<vmem>>, vector<16xf32>,
      %add3A_1296 = arith.constant 32 : i32
      %add3A_1297 = arith.addi %mul3A_1289, %add3A_1296 : i32
      %get3A_1298 = arith.index_cast %add3A_1297 : i32 to index
      %get3A_1299 = tpu.vector_load %arg11[%get3A_1298] {strides = array<i32>} : memref<32768xf32, #tpu.memory_space<vmem>>, vector<16xf32>,
      %add3A_1300 = arith.constant 48 : i32
      %add3A_1301 = arith.addi %mul3A_1289, %add3A_1300 : i32
      %get3A_1302 = arith.index_cast %add3A_1301 : i32 to index
      %get3A_1303 = tpu.vector_load %arg11[%get3A_1302] {strides = array<i32>} : memref<32768xf32, #tpu.memory_space<vmem>>, vector<16xf32>,
      %mul3A_1304 = arith.mulf %get3A_1291, %get3A_1291 : vector<16xf32>
      %mul3A_1305 = arith.mulf %get3A_1295, %get3A_1295 : vector<16xf32>
      %add3A_1306 = arith.addf %mul3A_1304, %mul3A_1305 : vector<16xf32>
      %mul3A_1307 = arith.mulf %get3A_1299, %get3A_1299 : vector<16xf32>
      %mul3A_1308 = arith.mulf %get3A_1303, %get3A_1303 : vector<16xf32>
      %add3A_1309 = arith.addf %mul3A_1307, %mul3A_1308 : vector<16xf32>
      %add3A_1310 = arith.addf %add3A_1306, %add3A_1309 : vector<16xf32>
      %reduce_sum3A_1311 = arith.constant true
      %reduce_sum3A_1312 = vector.broadcast %reduce_sum3A_1311 : i1 to vector<16xi1>
      %reduce_sum3A_1313 = tpu.scan <sum>, %add3A_1310 masked %reduce_sum3A_1312 : vector<16xf32>, vector<16xi1> -> vector<16xf32>
      %reduce_sum3A_1314 = vector.extract %reduce_sum3A_1313[15] : f32 from vector<16xf32>
      %broadcast_in_dim3A_1315 = vector.broadcast %reduce_sum3A_1314 : f32 to vector<16xf32>
      %bitcast3A_1316 = vector.bitcast %broadcast_in_dim3A_1315 : vector<16xf32> to vector<16xi32>
      %shift_right_arithmetic3A_1317 = arith.constant 1 : i32
      %shift_right_arithmetic3A_1318 = vector.broadcast %shift_right_arithmetic3A_1317 : i32 to vector<16xi32>
      %shift_right_arithmetic3A_1319 = arith.shrsi %bitcast3A_1316, %shift_right_arithmetic3A_1318 : vector<16xi32>
      %sub3A_1320 = arith.constant 1597463007 : i32
      %sub3A_1321 = vector.broadcast %sub3A_1320 : i32 to vector<16xi32>
      %sub3A_1322 = arith.subi %sub3A_1321, %shift_right_arithmetic3A_1319 : vector<16xi32>
      %bitcast3A_1323 = vector.bitcast %sub3A_1322 : vector<16xi32> to vector<16xf32>
      %mul3A_1324 = arith.constant 5.000000e-01 : f32
      %mul3A_1325 = vector.broadcast %mul3A_1324 : f32 to vector<16xf32>
      %mul3A_1326 = arith.mulf %mul3A_1325, %broadcast_in_dim3A_1315 : vector<16xf32>
      %mul3A_1327 = arith.mulf %mul3A_1326, %bitcast3A_1323 : vector<16xf32>
      %mul3A_1328 = arith.mulf %mul3A_1327, %bitcast3A_1323 : vector<16xf32>
      %sub3A_1329 = arith.constant 1.500000e+00 : f32
      %sub3A_1330 = vector.broadcast %sub3A_1329 : f32 to vector<16xf32>
      %sub3A_1331 = arith.subf %sub3A_1330, %mul3A_1328 : vector<16xf32>
      %mul3A_1332 = arith.mulf %bitcast3A_1323, %sub3A_1331 : vector<16xf32>
      %mul3A_1333 = arith.mulf %mul3A_1326, %mul3A_1332 : vector<16xf32>
      %mul3A_1334 = arith.mulf %mul3A_1333, %mul3A_1332 : vector<16xf32>
      %sub3A_1335 = arith.constant 1.500000e+00 : f32
      %sub3A_1336 = vector.broadcast %sub3A_1335 : f32 to vector<16xf32>
      %sub3A_1337 = arith.subf %sub3A_1336, %mul3A_1334 : vector<16xf32>
      %mul3A_1338 = arith.mulf %mul3A_1332, %sub3A_1337 : vector<16xf32>
      %lt3A_1339 = arith.constant 1.000000e-24 : f32
      %lt3A_1340 = vector.broadcast %lt3A_1339 : f32 to vector<16xf32>
      %lt3A_1341 = arith.cmpf olt, %broadcast_in_dim3A_1315, %lt3A_1340 : vector<16xf32>
      %jit3A_1342 = arith.constant 9.99999995E+11 : f32
      %broadcast_in_dim3A_1343 = vector.broadcast %jit3A_1342 : f32 to vector<16xf32>
      %select_n3A_1344 = arith.select %lt3A_1341, %broadcast_in_dim3A_1343, %mul3A_1338 : vector<16xi1>, vector<16xf32>
      %slice3A_1345 = vector.extract_strided_slice %div3A_77 {offsets = [12], sizes = [1], strides = [1]} : vector<16xf32> to vector<1xf32>
      %squeeze3A_1346 = vector.extract %slice3A_1345[0] : f32 from vector<1xf32>
      %broadcast_in_dim3A_1347 = vector.broadcast %squeeze3A_1346 : f32 to vector<16xf32>
      %shift_right_arithmetic3A_1348 = arith.constant 3 : i32
      %shift_right_arithmetic3A_1349 = arith.shrsi %add3A_1287, %shift_right_arithmetic3A_1348 : i32
      %and3A_1350 = arith.constant 7 : i32
      %and3A_1351 = arith.andi %add3A_1287, %and3A_1350 : i32
      %mul3A_1352 = arith.mulf %get3A_1291, %select_n3A_1344 : vector<16xf32>
      %get3A_1353 = arith.index_cast %shift_right_arithmetic3A_1349 : i32 to index
      %get3A_1354 = arith.index_cast %and3A_1351 : i32 to index
      %get3A_1355 = arith.constant 0 : index
      %get3A_1356 = tpu.vector_load %arg12[%get3A_1353, %get3A_1354, %get3A_1355] {strides = array<i32>} : memref<64x8x64xf32, #tpu.memory_space<vmem>>, vector<16xf32>,
      %sub3A_1357 = arith.subf %mul3A_1352, %get3A_1356 : vector<16xf32>
      %mul3A_1358 = arith.mulf %get3A_1295, %select_n3A_1344 : vector<16xf32>
      %get3A_1359 = arith.index_cast %shift_right_arithmetic3A_1349 : i32 to index
      %get3A_1360 = arith.index_cast %and3A_1351 : i32 to index
      %get3A_1361 = arith.constant 16 : index
      %get3A_1362 = tpu.vector_load %arg12[%get3A_1359, %get3A_1360, %get3A_1361] {strides = array<i32>} : memref<64x8x64xf32, #tpu.memory_space<vmem>>, vector<16xf32>,
      %sub3A_1363 = arith.subf %mul3A_1358, %get3A_1362 : vector<16xf32>
      %mul3A_1364 = arith.mulf %get3A_1299, %select_n3A_1344 : vector<16xf32>
      %get3A_1365 = arith.index_cast %shift_right_arithmetic3A_1349 : i32 to index
      %get3A_1366 = arith.index_cast %and3A_1351 : i32 to index
      %get3A_1367 = arith.constant 32 : index
      %get3A_1368 = tpu.vector_load %arg12[%get3A_1365, %get3A_1366, %get3A_1367] {strides = array<i32>} : memref<64x8x64xf32, #tpu.memory_space<vmem>>, vector<16xf32>,
      %sub3A_1369 = arith.subf %mul3A_1364, %get3A_1368 : vector<16xf32>
      %mul3A_1370 = arith.mulf %get3A_1303, %select_n3A_1344 : vector<16xf32>
      %get3A_1371 = arith.index_cast %shift_right_arithmetic3A_1349 : i32 to index
      %get3A_1372 = arith.index_cast %and3A_1351 : i32 to index
      %get3A_1373 = arith.constant 48 : index
      %get3A_1374 = tpu.vector_load %arg12[%get3A_1371, %get3A_1372, %get3A_1373] {strides = array<i32>} : memref<64x8x64xf32, #tpu.memory_space<vmem>>, vector<16xf32>,
      %sub3A_1375 = arith.subf %mul3A_1370, %get3A_1374 : vector<16xf32>
      %mul3A_1376 = arith.mulf %sub3A_1357, %sub3A_1357 : vector<16xf32>
      %mul3A_1377 = arith.mulf %sub3A_1363, %sub3A_1363 : vector<16xf32>
      %add3A_1378 = arith.addf %mul3A_1376, %mul3A_1377 : vector<16xf32>
      %mul3A_1379 = arith.mulf %sub3A_1369, %sub3A_1369 : vector<16xf32>
      %mul3A_1380 = arith.mulf %sub3A_1375, %sub3A_1375 : vector<16xf32>
      %add3A_1381 = arith.addf %mul3A_1379, %mul3A_1380 : vector<16xf32>
      %add3A_1382 = arith.addf %add3A_1378, %add3A_1381 : vector<16xf32>
      %mul3A_1383 = arith.mulf %broadcast_in_dim3A_1347, %add3A_1382 : vector<16xf32>
      %add3A_1384 = arith.addf %add3A_1283, %mul3A_1383 : vector<16xf32>
      %mul3A_1385 = arith.constant 16 : i32
      %mul3A_1386 = arith.muli %add3A_66, %mul3A_1385 : i32
      %add3A_1387 = arith.constant 13 : i32
      %add3A_1388 = arith.addi %mul3A_1386, %add3A_1387 : i32
      %mul3A_1389 = arith.constant 64 : i32
      %mul3A_1390 = arith.muli %add3A_1388, %mul3A_1389 : i32
      %get3A_1391 = arith.index_cast %mul3A_1390 : i32 to index
      %get3A_1392 = tpu.vector_load %arg11[%get3A_1391] {strides = array<i32>} : memref<32768xf32, #tpu.memory_space<vmem>>, vector<16xf32>,
      %add3A_1393 = arith.constant 16 : i32
      %add3A_1394 = arith.addi %mul3A_1390, %add3A_1393 : i32
      %get3A_1395 = arith.index_cast %add3A_1394 : i32 to index
      %get3A_1396 = tpu.vector_load %arg11[%get3A_1395] {strides = array<i32>} : memref<32768xf32, #tpu.memory_space<vmem>>, vector<16xf32>,
      %add3A_1397 = arith.constant 32 : i32
      %add3A_1398 = arith.addi %mul3A_1390, %add3A_1397 : i32
      %get3A_1399 = arith.index_cast %add3A_1398 : i32 to index
      %get3A_1400 = tpu.vector_load %arg11[%get3A_1399] {strides = array<i32>} : memref<32768xf32, #tpu.memory_space<vmem>>, vector<16xf32>,
      %add3A_1401 = arith.constant 48 : i32
      %add3A_1402 = arith.addi %mul3A_1390, %add3A_1401 : i32
      %get3A_1403 = arith.index_cast %add3A_1402 : i32 to index
      %get3A_1404 = tpu.vector_load %arg11[%get3A_1403] {strides = array<i32>} : memref<32768xf32, #tpu.memory_space<vmem>>, vector<16xf32>,
      %mul3A_1405 = arith.mulf %get3A_1392, %get3A_1392 : vector<16xf32>
      %mul3A_1406 = arith.mulf %get3A_1396, %get3A_1396 : vector<16xf32>
      %add3A_1407 = arith.addf %mul3A_1405, %mul3A_1406 : vector<16xf32>
      %mul3A_1408 = arith.mulf %get3A_1400, %get3A_1400 : vector<16xf32>
      %mul3A_1409 = arith.mulf %get3A_1404, %get3A_1404 : vector<16xf32>
      %add3A_1410 = arith.addf %mul3A_1408, %mul3A_1409 : vector<16xf32>
      %add3A_1411 = arith.addf %add3A_1407, %add3A_1410 : vector<16xf32>
      %reduce_sum3A_1412 = arith.constant true
      %reduce_sum3A_1413 = vector.broadcast %reduce_sum3A_1412 : i1 to vector<16xi1>
      %reduce_sum3A_1414 = tpu.scan <sum>, %add3A_1411 masked %reduce_sum3A_1413 : vector<16xf32>, vector<16xi1> -> vector<16xf32>
      %reduce_sum3A_1415 = vector.extract %reduce_sum3A_1414[15] : f32 from vector<16xf32>
      %broadcast_in_dim3A_1416 = vector.broadcast %reduce_sum3A_1415 : f32 to vector<16xf32>
      %bitcast3A_1417 = vector.bitcast %broadcast_in_dim3A_1416 : vector<16xf32> to vector<16xi32>
      %shift_right_arithmetic3A_1418 = arith.constant 1 : i32
      %shift_right_arithmetic3A_1419 = vector.broadcast %shift_right_arithmetic3A_1418 : i32 to vector<16xi32>
      %shift_right_arithmetic3A_1420 = arith.shrsi %bitcast3A_1417, %shift_right_arithmetic3A_1419 : vector<16xi32>
      %sub3A_1421 = arith.constant 1597463007 : i32
      %sub3A_1422 = vector.broadcast %sub3A_1421 : i32 to vector<16xi32>
      %sub3A_1423 = arith.subi %sub3A_1422, %shift_right_arithmetic3A_1420 : vector<16xi32>
      %bitcast3A_1424 = vector.bitcast %sub3A_1423 : vector<16xi32> to vector<16xf32>
      %mul3A_1425 = arith.constant 5.000000e-01 : f32
      %mul3A_1426 = vector.broadcast %mul3A_1425 : f32 to vector<16xf32>
      %mul3A_1427 = arith.mulf %mul3A_1426, %broadcast_in_dim3A_1416 : vector<16xf32>
      %mul3A_1428 = arith.mulf %mul3A_1427, %bitcast3A_1424 : vector<16xf32>
      %mul3A_1429 = arith.mulf %mul3A_1428, %bitcast3A_1424 : vector<16xf32>
      %sub3A_1430 = arith.constant 1.500000e+00 : f32
      %sub3A_1431 = vector.broadcast %sub3A_1430 : f32 to vector<16xf32>
      %sub3A_1432 = arith.subf %sub3A_1431, %mul3A_1429 : vector<16xf32>
      %mul3A_1433 = arith.mulf %bitcast3A_1424, %sub3A_1432 : vector<16xf32>
      %mul3A_1434 = arith.mulf %mul3A_1427, %mul3A_1433 : vector<16xf32>
      %mul3A_1435 = arith.mulf %mul3A_1434, %mul3A_1433 : vector<16xf32>
      %sub3A_1436 = arith.constant 1.500000e+00 : f32
      %sub3A_1437 = vector.broadcast %sub3A_1436 : f32 to vector<16xf32>
      %sub3A_1438 = arith.subf %sub3A_1437, %mul3A_1435 : vector<16xf32>
      %mul3A_1439 = arith.mulf %mul3A_1433, %sub3A_1438 : vector<16xf32>
      %lt3A_1440 = arith.constant 1.000000e-24 : f32
      %lt3A_1441 = vector.broadcast %lt3A_1440 : f32 to vector<16xf32>
      %lt3A_1442 = arith.cmpf olt, %broadcast_in_dim3A_1416, %lt3A_1441 : vector<16xf32>
      %jit3A_1443 = arith.constant 9.99999995E+11 : f32
      %broadcast_in_dim3A_1444 = vector.broadcast %jit3A_1443 : f32 to vector<16xf32>
      %select_n3A_1445 = arith.select %lt3A_1442, %broadcast_in_dim3A_1444, %mul3A_1439 : vector<16xi1>, vector<16xf32>
      %slice3A_1446 = vector.extract_strided_slice %div3A_77 {offsets = [13], sizes = [1], strides = [1]} : vector<16xf32> to vector<1xf32>
      %squeeze3A_1447 = vector.extract %slice3A_1446[0] : f32 from vector<1xf32>
      %broadcast_in_dim3A_1448 = vector.broadcast %squeeze3A_1447 : f32 to vector<16xf32>
      %shift_right_arithmetic3A_1449 = arith.constant 3 : i32
      %shift_right_arithmetic3A_1450 = arith.shrsi %add3A_1388, %shift_right_arithmetic3A_1449 : i32
      %and3A_1451 = arith.constant 7 : i32
      %and3A_1452 = arith.andi %add3A_1388, %and3A_1451 : i32
      %mul3A_1453 = arith.mulf %get3A_1392, %select_n3A_1445 : vector<16xf32>
      %get3A_1454 = arith.index_cast %shift_right_arithmetic3A_1450 : i32 to index
      %get3A_1455 = arith.index_cast %and3A_1452 : i32 to index
      %get3A_1456 = arith.constant 0 : index
      %get3A_1457 = tpu.vector_load %arg12[%get3A_1454, %get3A_1455, %get3A_1456] {strides = array<i32>} : memref<64x8x64xf32, #tpu.memory_space<vmem>>, vector<16xf32>,
      %sub3A_1458 = arith.subf %mul3A_1453, %get3A_1457 : vector<16xf32>
      %mul3A_1459 = arith.mulf %get3A_1396, %select_n3A_1445 : vector<16xf32>
      %get3A_1460 = arith.index_cast %shift_right_arithmetic3A_1450 : i32 to index
      %get3A_1461 = arith.index_cast %and3A_1452 : i32 to index
      %get3A_1462 = arith.constant 16 : index
      %get3A_1463 = tpu.vector_load %arg12[%get3A_1460, %get3A_1461, %get3A_1462] {strides = array<i32>} : memref<64x8x64xf32, #tpu.memory_space<vmem>>, vector<16xf32>,
      %sub3A_1464 = arith.subf %mul3A_1459, %get3A_1463 : vector<16xf32>
      %mul3A_1465 = arith.mulf %get3A_1400, %select_n3A_1445 : vector<16xf32>
      %get3A_1466 = arith.index_cast %shift_right_arithmetic3A_1450 : i32 to index
      %get3A_1467 = arith.index_cast %and3A_1452 : i32 to index
      %get3A_1468 = arith.constant 32 : index
      %get3A_1469 = tpu.vector_load %arg12[%get3A_1466, %get3A_1467, %get3A_1468] {strides = array<i32>} : memref<64x8x64xf32, #tpu.memory_space<vmem>>, vector<16xf32>,
      %sub3A_1470 = arith.subf %mul3A_1465, %get3A_1469 : vector<16xf32>
      %mul3A_1471 = arith.mulf %get3A_1404, %select_n3A_1445 : vector<16xf32>
      %get3A_1472 = arith.index_cast %shift_right_arithmetic3A_1450 : i32 to index
      %get3A_1473 = arith.index_cast %and3A_1452 : i32 to index
      %get3A_1474 = arith.constant 48 : index
      %get3A_1475 = tpu.vector_load %arg12[%get3A_1472, %get3A_1473, %get3A_1474] {strides = array<i32>} : memref<64x8x64xf32, #tpu.memory_space<vmem>>, vector<16xf32>,
      %sub3A_1476 = arith.subf %mul3A_1471, %get3A_1475 : vector<16xf32>
      %mul3A_1477 = arith.mulf %sub3A_1458, %sub3A_1458 : vector<16xf32>
      %mul3A_1478 = arith.mulf %sub3A_1464, %sub3A_1464 : vector<16xf32>
      %add3A_1479 = arith.addf %mul3A_1477, %mul3A_1478 : vector<16xf32>
      %mul3A_1480 = arith.mulf %sub3A_1470, %sub3A_1470 : vector<16xf32>
      %mul3A_1481 = arith.mulf %sub3A_1476, %sub3A_1476 : vector<16xf32>
      %add3A_1482 = arith.addf %mul3A_1480, %mul3A_1481 : vector<16xf32>
      %add3A_1483 = arith.addf %add3A_1479, %add3A_1482 : vector<16xf32>
      %mul3A_1484 = arith.mulf %broadcast_in_dim3A_1448, %add3A_1483 : vector<16xf32>
      %add3A_1485 = arith.addf %add3A_1384, %mul3A_1484 : vector<16xf32>
      %mul3A_1486 = arith.constant 16 : i32
      %mul3A_1487 = arith.muli %add3A_66, %mul3A_1486 : i32
      %add3A_1488 = arith.constant 14 : i32
      %add3A_1489 = arith.addi %mul3A_1487, %add3A_1488 : i32
      %mul3A_1490 = arith.constant 64 : i32
      %mul3A_1491 = arith.muli %add3A_1489, %mul3A_1490 : i32
      %get3A_1492 = arith.index_cast %mul3A_1491 : i32 to index
      %get3A_1493 = tpu.vector_load %arg11[%get3A_1492] {strides = array<i32>} : memref<32768xf32, #tpu.memory_space<vmem>>, vector<16xf32>,
      %add3A_1494 = arith.constant 16 : i32
      %add3A_1495 = arith.addi %mul3A_1491, %add3A_1494 : i32
      %get3A_1496 = arith.index_cast %add3A_1495 : i32 to index
      %get3A_1497 = tpu.vector_load %arg11[%get3A_1496] {strides = array<i32>} : memref<32768xf32, #tpu.memory_space<vmem>>, vector<16xf32>,
      %add3A_1498 = arith.constant 32 : i32
      %add3A_1499 = arith.addi %mul3A_1491, %add3A_1498 : i32
      %get3A_1500 = arith.index_cast %add3A_1499 : i32 to index
      %get3A_1501 = tpu.vector_load %arg11[%get3A_1500] {strides = array<i32>} : memref<32768xf32, #tpu.memory_space<vmem>>, vector<16xf32>,
      %add3A_1502 = arith.constant 48 : i32
      %add3A_1503 = arith.addi %mul3A_1491, %add3A_1502 : i32
      %get3A_1504 = arith.index_cast %add3A_1503 : i32 to index
      %get3A_1505 = tpu.vector_load %arg11[%get3A_1504] {strides = array<i32>} : memref<32768xf32, #tpu.memory_space<vmem>>, vector<16xf32>,
      %mul3A_1506 = arith.mulf %get3A_1493, %get3A_1493 : vector<16xf32>
      %mul3A_1507 = arith.mulf %get3A_1497, %get3A_1497 : vector<16xf32>
      %add3A_1508 = arith.addf %mul3A_1506, %mul3A_1507 : vector<16xf32>
      %mul3A_1509 = arith.mulf %get3A_1501, %get3A_1501 : vector<16xf32>
      %mul3A_1510 = arith.mulf %get3A_1505, %get3A_1505 : vector<16xf32>
      %add3A_1511 = arith.addf %mul3A_1509, %mul3A_1510 : vector<16xf32>
      %add3A_1512 = arith.addf %add3A_1508, %add3A_1511 : vector<16xf32>
      %reduce_sum3A_1513 = arith.constant true
      %reduce_sum3A_1514 = vector.broadcast %reduce_sum3A_1513 : i1 to vector<16xi1>
      %reduce_sum3A_1515 = tpu.scan <sum>, %add3A_1512 masked %reduce_sum3A_1514 : vector<16xf32>, vector<16xi1> -> vector<16xf32>
      %reduce_sum3A_1516 = vector.extract %reduce_sum3A_1515[15] : f32 from vector<16xf32>
      %broadcast_in_dim3A_1517 = vector.broadcast %reduce_sum3A_1516 : f32 to vector<16xf32>
      %bitcast3A_1518 = vector.bitcast %broadcast_in_dim3A_1517 : vector<16xf32> to vector<16xi32>
      %shift_right_arithmetic3A_1519 = arith.constant 1 : i32
      %shift_right_arithmetic3A_1520 = vector.broadcast %shift_right_arithmetic3A_1519 : i32 to vector<16xi32>
      %shift_right_arithmetic3A_1521 = arith.shrsi %bitcast3A_1518, %shift_right_arithmetic3A_1520 : vector<16xi32>
      %sub3A_1522 = arith.constant 1597463007 : i32
      %sub3A_1523 = vector.broadcast %sub3A_1522 : i32 to vector<16xi32>
      %sub3A_1524 = arith.subi %sub3A_1523, %shift_right_arithmetic3A_1521 : vector<16xi32>
      %bitcast3A_1525 = vector.bitcast %sub3A_1524 : vector<16xi32> to vector<16xf32>
      %mul3A_1526 = arith.constant 5.000000e-01 : f32
      %mul3A_1527 = vector.broadcast %mul3A_1526 : f32 to vector<16xf32>
      %mul3A_1528 = arith.mulf %mul3A_1527, %broadcast_in_dim3A_1517 : vector<16xf32>
      %mul3A_1529 = arith.mulf %mul3A_1528, %bitcast3A_1525 : vector<16xf32>
      %mul3A_1530 = arith.mulf %mul3A_1529, %bitcast3A_1525 : vector<16xf32>
      %sub3A_1531 = arith.constant 1.500000e+00 : f32
      %sub3A_1532 = vector.broadcast %sub3A_1531 : f32 to vector<16xf32>
      %sub3A_1533 = arith.subf %sub3A_1532, %mul3A_1530 : vector<16xf32>
      %mul3A_1534 = arith.mulf %bitcast3A_1525, %sub3A_1533 : vector<16xf32>
      %mul3A_1535 = arith.mulf %mul3A_1528, %mul3A_1534 : vector<16xf32>
      %mul3A_1536 = arith.mulf %mul3A_1535, %mul3A_1534 : vector<16xf32>
      %sub3A_1537 = arith.constant 1.500000e+00 : f32
      %sub3A_1538 = vector.broadcast %sub3A_1537 : f32 to vector<16xf32>
      %sub3A_1539 = arith.subf %sub3A_1538, %mul3A_1536 : vector<16xf32>
      %mul3A_1540 = arith.mulf %mul3A_1534, %sub3A_1539 : vector<16xf32>
      %lt3A_1541 = arith.constant 1.000000e-24 : f32
      %lt3A_1542 = vector.broadcast %lt3A_1541 : f32 to vector<16xf32>
      %lt3A_1543 = arith.cmpf olt, %broadcast_in_dim3A_1517, %lt3A_1542 : vector<16xf32>
      %jit3A_1544 = arith.constant 9.99999995E+11 : f32
      %broadcast_in_dim3A_1545 = vector.broadcast %jit3A_1544 : f32 to vector<16xf32>
      %select_n3A_1546 = arith.select %lt3A_1543, %broadcast_in_dim3A_1545, %mul3A_1540 : vector<16xi1>, vector<16xf32>
      %slice3A_1547 = vector.extract_strided_slice %div3A_77 {offsets = [14], sizes = [1], strides = [1]} : vector<16xf32> to vector<1xf32>
      %squeeze3A_1548 = vector.extract %slice3A_1547[0] : f32 from vector<1xf32>
      %broadcast_in_dim3A_1549 = vector.broadcast %squeeze3A_1548 : f32 to vector<16xf32>
      %shift_right_arithmetic3A_1550 = arith.constant 3 : i32
      %shift_right_arithmetic3A_1551 = arith.shrsi %add3A_1489, %shift_right_arithmetic3A_1550 : i32
      %and3A_1552 = arith.constant 7 : i32
      %and3A_1553 = arith.andi %add3A_1489, %and3A_1552 : i32
      %mul3A_1554 = arith.mulf %get3A_1493, %select_n3A_1546 : vector<16xf32>
      %get3A_1555 = arith.index_cast %shift_right_arithmetic3A_1551 : i32 to index
      %get3A_1556 = arith.index_cast %and3A_1553 : i32 to index
      %get3A_1557 = arith.constant 0 : index
      %get3A_1558 = tpu.vector_load %arg12[%get3A_1555, %get3A_1556, %get3A_1557] {strides = array<i32>} : memref<64x8x64xf32, #tpu.memory_space<vmem>>, vector<16xf32>,
      %sub3A_1559 = arith.subf %mul3A_1554, %get3A_1558 : vector<16xf32>
      %mul3A_1560 = arith.mulf %get3A_1497, %select_n3A_1546 : vector<16xf32>
      %get3A_1561 = arith.index_cast %shift_right_arithmetic3A_1551 : i32 to index
      %get3A_1562 = arith.index_cast %and3A_1553 : i32 to index
      %get3A_1563 = arith.constant 16 : index
      %get3A_1564 = tpu.vector_load %arg12[%get3A_1561, %get3A_1562, %get3A_1563] {strides = array<i32>} : memref<64x8x64xf32, #tpu.memory_space<vmem>>, vector<16xf32>,
      %sub3A_1565 = arith.subf %mul3A_1560, %get3A_1564 : vector<16xf32>
      %mul3A_1566 = arith.mulf %get3A_1501, %select_n3A_1546 : vector<16xf32>
      %get3A_1567 = arith.index_cast %shift_right_arithmetic3A_1551 : i32 to index
      %get3A_1568 = arith.index_cast %and3A_1553 : i32 to index
      %get3A_1569 = arith.constant 32 : index
      %get3A_1570 = tpu.vector_load %arg12[%get3A_1567, %get3A_1568, %get3A_1569] {strides = array<i32>} : memref<64x8x64xf32, #tpu.memory_space<vmem>>, vector<16xf32>,
      %sub3A_1571 = arith.subf %mul3A_1566, %get3A_1570 : vector<16xf32>
      %mul3A_1572 = arith.mulf %get3A_1505, %select_n3A_1546 : vector<16xf32>
      %get3A_1573 = arith.index_cast %shift_right_arithmetic3A_1551 : i32 to index
      %get3A_1574 = arith.index_cast %and3A_1553 : i32 to index
      %get3A_1575 = arith.constant 48 : index
      %get3A_1576 = tpu.vector_load %arg12[%get3A_1573, %get3A_1574, %get3A_1575] {strides = array<i32>} : memref<64x8x64xf32, #tpu.memory_space<vmem>>, vector<16xf32>,
      %sub3A_1577 = arith.subf %mul3A_1572, %get3A_1576 : vector<16xf32>
      %mul3A_1578 = arith.mulf %sub3A_1559, %sub3A_1559 : vector<16xf32>
      %mul3A_1579 = arith.mulf %sub3A_1565, %sub3A_1565 : vector<16xf32>
      %add3A_1580 = arith.addf %mul3A_1578, %mul3A_1579 : vector<16xf32>
      %mul3A_1581 = arith.mulf %sub3A_1571, %sub3A_1571 : vector<16xf32>
      %mul3A_1582 = arith.mulf %sub3A_1577, %sub3A_1577 : vector<16xf32>
      %add3A_1583 = arith.addf %mul3A_1581, %mul3A_1582 : vector<16xf32>
      %add3A_1584 = arith.addf %add3A_1580, %add3A_1583 : vector<16xf32>
      %mul3A_1585 = arith.mulf %broadcast_in_dim3A_1549, %add3A_1584 : vector<16xf32>
      %add3A_1586 = arith.addf %add3A_1485, %mul3A_1585 : vector<16xf32>
      %mul3A_1587 = arith.constant 16 : i32
      %mul3A_1588 = arith.muli %add3A_66, %mul3A_1587 : i32
      %add3A_1589 = arith.constant 15 : i32
      %add3A_1590 = arith.addi %mul3A_1588, %add3A_1589 : i32
      %mul3A_1591 = arith.constant 64 : i32
      %mul3A_1592 = arith.muli %add3A_1590, %mul3A_1591 : i32
      %get3A_1593 = arith.index_cast %mul3A_1592 : i32 to index
      %get3A_1594 = tpu.vector_load %arg11[%get3A_1593] {strides = array<i32>} : memref<32768xf32, #tpu.memory_space<vmem>>, vector<16xf32>,
      %add3A_1595 = arith.constant 16 : i32
      %add3A_1596 = arith.addi %mul3A_1592, %add3A_1595 : i32
      %get3A_1597 = arith.index_cast %add3A_1596 : i32 to index
      %get3A_1598 = tpu.vector_load %arg11[%get3A_1597] {strides = array<i32>} : memref<32768xf32, #tpu.memory_space<vmem>>, vector<16xf32>,
      %add3A_1599 = arith.constant 32 : i32
      %add3A_1600 = arith.addi %mul3A_1592, %add3A_1599 : i32
      %get3A_1601 = arith.index_cast %add3A_1600 : i32 to index
      %get3A_1602 = tpu.vector_load %arg11[%get3A_1601] {strides = array<i32>} : memref<32768xf32, #tpu.memory_space<vmem>>, vector<16xf32>,
      %add3A_1603 = arith.constant 48 : i32
      %add3A_1604 = arith.addi %mul3A_1592, %add3A_1603 : i32
      %get3A_1605 = arith.index_cast %add3A_1604 : i32 to index
      %get3A_1606 = tpu.vector_load %arg11[%get3A_1605] {strides = array<i32>} : memref<32768xf32, #tpu.memory_space<vmem>>, vector<16xf32>,
      %mul3A_1607 = arith.mulf %get3A_1594, %get3A_1594 : vector<16xf32>
      %mul3A_1608 = arith.mulf %get3A_1598, %get3A_1598 : vector<16xf32>
      %add3A_1609 = arith.addf %mul3A_1607, %mul3A_1608 : vector<16xf32>
      %mul3A_1610 = arith.mulf %get3A_1602, %get3A_1602 : vector<16xf32>
      %mul3A_1611 = arith.mulf %get3A_1606, %get3A_1606 : vector<16xf32>
      %add3A_1612 = arith.addf %mul3A_1610, %mul3A_1611 : vector<16xf32>
      %add3A_1613 = arith.addf %add3A_1609, %add3A_1612 : vector<16xf32>
      %reduce_sum3A_1614 = arith.constant true
      %reduce_sum3A_1615 = vector.broadcast %reduce_sum3A_1614 : i1 to vector<16xi1>
      %reduce_sum3A_1616 = tpu.scan <sum>, %add3A_1613 masked %reduce_sum3A_1615 : vector<16xf32>, vector<16xi1> -> vector<16xf32>
      %reduce_sum3A_1617 = vector.extract %reduce_sum3A_1616[15] : f32 from vector<16xf32>
      %broadcast_in_dim3A_1618 = vector.broadcast %reduce_sum3A_1617 : f32 to vector<16xf32>
      %bitcast3A_1619 = vector.bitcast %broadcast_in_dim3A_1618 : vector<16xf32> to vector<16xi32>
      %shift_right_arithmetic3A_1620 = arith.constant 1 : i32
      %shift_right_arithmetic3A_1621 = vector.broadcast %shift_right_arithmetic3A_1620 : i32 to vector<16xi32>
      %shift_right_arithmetic3A_1622 = arith.shrsi %bitcast3A_1619, %shift_right_arithmetic3A_1621 : vector<16xi32>
      %sub3A_1623 = arith.constant 1597463007 : i32
      %sub3A_1624 = vector.broadcast %sub3A_1623 : i32 to vector<16xi32>
      %sub3A_1625 = arith.subi %sub3A_1624, %shift_right_arithmetic3A_1622 : vector<16xi32>
      %bitcast3A_1626 = vector.bitcast %sub3A_1625 : vector<16xi32> to vector<16xf32>
      %mul3A_1627 = arith.constant 5.000000e-01 : f32
      %mul3A_1628 = vector.broadcast %mul3A_1627 : f32 to vector<16xf32>
      %mul3A_1629 = arith.mulf %mul3A_1628, %broadcast_in_dim3A_1618 : vector<16xf32>
      %mul3A_1630 = arith.mulf %mul3A_1629, %bitcast3A_1626 : vector<16xf32>
      %mul3A_1631 = arith.mulf %mul3A_1630, %bitcast3A_1626 : vector<16xf32>
      %sub3A_1632 = arith.constant 1.500000e+00 : f32
      %sub3A_1633 = vector.broadcast %sub3A_1632 : f32 to vector<16xf32>
      %sub3A_1634 = arith.subf %sub3A_1633, %mul3A_1631 : vector<16xf32>
      %mul3A_1635 = arith.mulf %bitcast3A_1626, %sub3A_1634 : vector<16xf32>
      %mul3A_1636 = arith.mulf %mul3A_1629, %mul3A_1635 : vector<16xf32>
      %mul3A_1637 = arith.mulf %mul3A_1636, %mul3A_1635 : vector<16xf32>
      %sub3A_1638 = arith.constant 1.500000e+00 : f32
      %sub3A_1639 = vector.broadcast %sub3A_1638 : f32 to vector<16xf32>
      %sub3A_1640 = arith.subf %sub3A_1639, %mul3A_1637 : vector<16xf32>
      %mul3A_1641 = arith.mulf %mul3A_1635, %sub3A_1640 : vector<16xf32>
      %lt3A_1642 = arith.constant 1.000000e-24 : f32
      %lt3A_1643 = vector.broadcast %lt3A_1642 : f32 to vector<16xf32>
      %lt3A_1644 = arith.cmpf olt, %broadcast_in_dim3A_1618, %lt3A_1643 : vector<16xf32>
      %jit3A_1645 = arith.constant 9.99999995E+11 : f32
      %broadcast_in_dim3A_1646 = vector.broadcast %jit3A_1645 : f32 to vector<16xf32>
      %select_n3A_1647 = arith.select %lt3A_1644, %broadcast_in_dim3A_1646, %mul3A_1641 : vector<16xi1>, vector<16xf32>
      %slice3A_1648 = vector.extract_strided_slice %div3A_77 {offsets = [15], sizes = [1], strides = [1]} : vector<16xf32> to vector<1xf32>
      %squeeze3A_1649 = vector.extract %slice3A_1648[0] : f32 from vector<1xf32>
      %broadcast_in_dim3A_1650 = vector.broadcast %squeeze3A_1649 : f32 to vector<16xf32>
      %shift_right_arithmetic3A_1651 = arith.constant 3 : i32
      %shift_right_arithmetic3A_1652 = arith.shrsi %add3A_1590, %shift_right_arithmetic3A_1651 : i32
      %and3A_1653 = arith.constant 7 : i32
      %and3A_1654 = arith.andi %add3A_1590, %and3A_1653 : i32
      %mul3A_1655 = arith.mulf %get3A_1594, %select_n3A_1647 : vector<16xf32>
      %get3A_1656 = arith.index_cast %shift_right_arithmetic3A_1652 : i32 to index
      %get3A_1657 = arith.index_cast %and3A_1654 : i32 to index
      %get3A_1658 = arith.constant 0 : index
      %get3A_1659 = tpu.vector_load %arg12[%get3A_1656, %get3A_1657, %get3A_1658] {strides = array<i32>} : memref<64x8x64xf32, #tpu.memory_space<vmem>>, vector<16xf32>,
      %sub3A_1660 = arith.subf %mul3A_1655, %get3A_1659 : vector<16xf32>
      %mul3A_1661 = arith.mulf %get3A_1598, %select_n3A_1647 : vector<16xf32>
      %get3A_1662 = arith.index_cast %shift_right_arithmetic3A_1652 : i32 to index
      %get3A_1663 = arith.index_cast %and3A_1654 : i32 to index
      %get3A_1664 = arith.constant 16 : index
      %get3A_1665 = tpu.vector_load %arg12[%get3A_1662, %get3A_1663, %get3A_1664] {strides = array<i32>} : memref<64x8x64xf32, #tpu.memory_space<vmem>>, vector<16xf32>,
      %sub3A_1666 = arith.subf %mul3A_1661, %get3A_1665 : vector<16xf32>
      %mul3A_1667 = arith.mulf %get3A_1602, %select_n3A_1647 : vector<16xf32>
      %get3A_1668 = arith.index_cast %shift_right_arithmetic3A_1652 : i32 to index
      %get3A_1669 = arith.index_cast %and3A_1654 : i32 to index
      %get3A_1670 = arith.constant 32 : index
      %get3A_1671 = tpu.vector_load %arg12[%get3A_1668, %get3A_1669, %get3A_1670] {strides = array<i32>} : memref<64x8x64xf32, #tpu.memory_space<vmem>>, vector<16xf32>,
      %sub3A_1672 = arith.subf %mul3A_1667, %get3A_1671 : vector<16xf32>
      %mul3A_1673 = arith.mulf %get3A_1606, %select_n3A_1647 : vector<16xf32>
      %get3A_1674 = arith.index_cast %shift_right_arithmetic3A_1652 : i32 to index
      %get3A_1675 = arith.index_cast %and3A_1654 : i32 to index
      %get3A_1676 = arith.constant 48 : index
      %get3A_1677 = tpu.vector_load %arg12[%get3A_1674, %get3A_1675, %get3A_1676] {strides = array<i32>} : memref<64x8x64xf32, #tpu.memory_space<vmem>>, vector<16xf32>,
      %sub3A_1678 = arith.subf %mul3A_1673, %get3A_1677 : vector<16xf32>
      %mul3A_1679 = arith.mulf %sub3A_1660, %sub3A_1660 : vector<16xf32>
      %mul3A_1680 = arith.mulf %sub3A_1666, %sub3A_1666 : vector<16xf32>
      %add3A_1681 = arith.addf %mul3A_1679, %mul3A_1680 : vector<16xf32>
      %mul3A_1682 = arith.mulf %sub3A_1672, %sub3A_1672 : vector<16xf32>
      %mul3A_1683 = arith.mulf %sub3A_1678, %sub3A_1678 : vector<16xf32>
      %add3A_1684 = arith.addf %mul3A_1682, %mul3A_1683 : vector<16xf32>
      %add3A_1685 = arith.addf %add3A_1681, %add3A_1684 : vector<16xf32>
      %mul3A_1686 = arith.mulf %broadcast_in_dim3A_1650, %add3A_1685 : vector<16xf32>
      %add3A_1687 = arith.addf %add3A_1586, %mul3A_1686 : vector<16xf32>
      %swap3A_1688 = arith.constant 0 : index
      %swap3A_1689 = tpu.vector_load %arg13[%swap3A_1688] {strides = array<i32>} : memref<16xf32, #tpu.memory_space<vmem>>, vector<16xf32>,
      tpu.vector_store %arg13[%swap3A_1688], %add3A_1687 {strides = array<i32>} : memref<16xf32, #tpu.memory_space<vmem>>, vector<16xf32>,
    }
    %scan3A_61 = arith.constant 32 : i32
    "tpu.region"() ({
      %run_scoped3A_62 = tpu.sem_alloc : memref<!tpu.dma_semaphore, #tpu.memory_space<semaphore_mem>>
      %dma_start3A_63 = arith.constant 0 : i32
      %dma_start3A_64 = tpu.memref_slice %arg5[%add3A, %dma_start3A_63] : memref<32x16xf32, #tpu.memory_space<hbm>> -> memref<1x16xf32, #tpu.memory_space<hbm>>
      %dma_start3A_65 = tpu.memref_squeeze %dma_start3A_64 : memref<1x16xf32, #tpu.memory_space<hbm>> -> memref<16xf32, #tpu.memory_space<hbm>>
      %dma_start3A_66 = arith.constant 0 : i32
      %dma_start3A_67 = tpu.memref_slice %arg5[%add3A, %dma_start3A_66] : memref<32x16xf32, #tpu.memory_space<hbm>> -> memref<1x16xf32, #tpu.memory_space<hbm>>
      %dma_start3A_68 = tpu.memref_squeeze %dma_start3A_67 : memref<1x16xf32, #tpu.memory_space<hbm>> -> memref<16xf32, #tpu.memory_space<hbm>>
      tpu.enqueue_dma source(%arg13 : memref<16xf32, #tpu.memory_space<vmem>>) target(%dma_start3A_68 : memref<16xf32, #tpu.memory_space<hbm>>) target_semaphore(%run_scoped3A_62 : memref<!tpu.dma_semaphore, #tpu.memory_space<semaphore_mem>>)
      %dma_wait3A_69 = arith.constant 0 : i32
      %dma_wait3A_70 = tpu.memref_slice %arg5[%add3A, %dma_wait3A_69] : memref<32x16xf32, #tpu.memory_space<hbm>> -> memref<1x16xf32, #tpu.memory_space<hbm>>
      %dma_wait3A_71 = tpu.memref_squeeze %dma_wait3A_70 : memref<1x16xf32, #tpu.memory_space<hbm>> -> memref<16xf32, #tpu.memory_space<hbm>>
      %dma_wait3A_72 = arith.constant 0 : i32
      %dma_wait3A_73 = tpu.memref_slice %arg5[%add3A, %dma_wait3A_72] : memref<32x16xf32, #tpu.memory_space<hbm>> -> memref<1x16xf32, #tpu.memory_space<hbm>>
      %dma_wait3A_74 = tpu.memref_squeeze %dma_wait3A_73 : memref<1x16xf32, #tpu.memory_space<hbm>> -> memref<16xf32, #tpu.memory_space<hbm>>
      tpu.wait_dma2 semaphore(%run_scoped3A_62 : memref<!tpu.dma_semaphore, #tpu.memory_space<semaphore_mem>>) src(%arg13 : memref<16xf32, #tpu.memory_space<vmem>>) dst(%dma_wait3A_74 : memref<16xf32, #tpu.memory_space<hbm>>)
      tpu.yield
    }) : () -> ()
    return
  }
}

module attributes {stable_mosaic.version = 14 : i64} {
  func.func @_tc_sum_body(%arg0: memref<32x16xf32, #tpu.memory_space<vmem>>, %arg1: memref<1x1xf32, #tpu.memory_space<vmem>>) attributes {dimension_semantics = [], scalar_prefetch = 0 : i64, scratch_operands = 0 : i64, tpu.core_type = #tpu.core_type<tc>} {
    %get3A = arith.constant 0 : index
    %get3A_0 = arith.constant 0 : index
    %get3A_1 = vector.load %arg0[%get3A, %get3A_0] : memref<32x16xf32, #tpu.memory_space<vmem>>, vector<32x16xf32>
    %reduce_sum3A = vector.shape_cast %get3A_1 : vector<32x16xf32> to vector<1x32x16xf32>
    %reduce_sum3A_2 = arith.constant dense<0.000000e+00> : vector<1xf32>
    %reduce_sum3A_3 = vector.multi_reduction <add>, %reduce_sum3A, %reduce_sum3A_2 [1, 2] : vector<1x32x16xf32> to vector<1xf32>
    %reduce_sum3A_4 = vector.shape_cast %reduce_sum3A_3 : vector<1xf32> to vector<1x1x1xf32>
    %reduce_sum3A_5 = vector.extract %reduce_sum3A_4[0, 0, 0] : f32 from vector<1x1x1xf32>
    %broadcast_in_dim3A = vector.broadcast %reduce_sum3A_5 : f32 to vector<1x1xf32>
    %swap3A = arith.constant 0 : index
    %swap3A_6 = arith.constant 0 : index
    %swap3A_7 = vector.load %arg1[%swap3A, %swap3A_6] : memref<1x1xf32, #tpu.memory_space<vmem>>, vector<1x1xf32>
    tpu.vector_store %arg1[%swap3A, %swap3A_6], %broadcast_in_dim3A {strides = array<i32>} : memref<1x1xf32, #tpu.memory_space<vmem>>, vector<1x1xf32>,
    return
  }
}

</mosaic_0001>

<sc_bundles>
// kernel: kernel.4.cloned.1.call-start
scs
__scs_entry_jumppad:
0x0: {  	(pc) =	sbr.rel $0x88, $3  }
0x1: {  	(tag) =	ssettag $0x0;
	lr =	simm.s32 $0x1  }
0x2: {  	[smem:$0x3F9E] =	sst lr;
	_ =	strace $0xD0000000  }
0x3: {  	_ = 	snop  }
0x4: {  	_ = 	snop  }
0x5: {  	_ = 	snop  }
0x6: {  	_ = 	snop  }
0x7: {  	_ = 	snop  }
__scs_overlays_trampoline_lowered:
0x8: {  	[smem:$0x3FAD] =	sst s0  }
0x9: {  	[smem:$0x3FAE] =	sst s1  }
0xa: {  	[smem:$0x3FAF] =	sst s2  }
0xb: {  	[smem:$0x3FB0] =	sst s3  }
0xc: {  	[smem:$0x3FB1] =	sst s4  }
0xd: {  	[smem:$0x3FB2] =	sst s5  }
0xe: {  	[smem:$0x3FB3] =	sst s6  }
0xf: {  	[smem:$0x3FB4] =	sst s7  }
0x10: {  	[smem:$0x3FB5] =	sst s8  }
0x11: {  	[smem:$0x3FB6] =	sst s9;
	s0 =	simm.s32 @!p0 $0x0  }
0x12: {  	s1 =	sld [smem:$0x3F9C];
	s0 =	simm.s32 @p0 $0x1  }
0x13: {  	[smem:$0x3FB7] =	sst s0;
	s0 =	simm.s32 @!p1 $0x0  }
0x14: {  	s2 =	sld [smem:$0x3F9B];
	s0 =	simm.s32 @p1 $0x1  }
0x15: {  	[smem:$0x3FB8] =	sst s0;
	s0 =	simm.s32 @!p2 $0x0  }
0x16: {  	s3 =	sld [smem:$0x3FDB];
	s0 =	simm.s32 @p2 $0x1  }
0x17: {  	s4 =	simm.s32 $0x1BF5;
	[smem:$0x3FBA] =	sst s0  }
0x18: {  	s0 =	sld [smem:$0x3F9D];
	_ =	swait.ge [sflag:s4], $0x0  }
0x19: {  	s7 =	sld [smem:$0x3F9E]  }
0x1a: {  	s8 =	sadd.s32 $0xFFFFE003, lr  }
0x1b: {  	s9 =	sadd.s32 $0xFFFFFEF7, lr;
	s5 =	simm.s32 $0xFFFFFFFF;
	p2 =	slt.u32 s8, $0xFFFFF086  }
0x1c: {  	p1 =	slt.u32 s9, $0xF7A;
	s5 =	simm.s32 @!p2 $0x0  }
0x1d: {  	s5 =	simm.s32 @p1 $0x1;
	p0 =	seq.s32 s7, s2  }
0x1e: {  	s7 =	smul.u32 @!p0 $0xF7A, s2;
	p2 =	seq.s32 @!p0 s5, $0x0  }
0x1f: {  	s9 =	smul.u32 $0xF7A, s1;
	s8 =	simm.s32 @!p0 $0x1BF5;
	p2 =	por !p2, p0  }
0x20: {  	[sflag:s8] =	ssyncset.s32 @!p0 $0xFFFFF086;
	s6 =	sadd.s32 @!p0 s3, s7;
	s7 =	simm.s32 @!p0 $0x108  }
0x21: {  	s3 =	sadd.s32 s3, s9;
	s6 =	sadd.s32 @!p0 $0x88, s6;
	s7 =	simm.s32 @p2 $0x1082  }
0x22: {  	[simem:s7], [sflag:s8] =	dma.local @!p0 [hbm:s6], $0xF7A  }
0x23: {  	s9 =	sor.u32 $0xD0000000, s2;
	s6 =	simm.s32 $0x108;
	_ =	swait.ge @!p0 [sflag:s8], $0x0  }
0x24: {  	s3 =	sadd.s32 $0x88, s3;
	s6 =	simm.s32 @!p1 $0x1082;
	[sflag:s4] =	ssyncset.s32 $0xFFFFF086  }
0x25: {  	[simem:s6], [sflag:s4] =	dma.local [hbm:s3], $0xF7A  }
0x26: {  	[smem:$0x3F9E] =	sst s1;
	(tag) =	ssettag s2;
	_ =	strace s9  }
0x27: {  	s1 =	sld [smem:$0x3FAE]  }
0x28: {  	s2 =	sld [smem:$0x3FAF]  }
0x29: {  	s4 =	sld [smem:$0x3FB1]  }
0x2a: {  	p0 =	seq.s32 s5, $0x0;
	s5 =	sld [smem:$0x3FB2]  }
0x2b: {  	s6 =	sld [smem:$0x3FB3]  }
0x2c: {  	s7 =	sld [smem:$0x3FB4]  }
0x2d: {  	s3 =	simm.s32 $0x108;
	s8 =	sld [smem:$0x3FB5]  }
0x2e: {  	s3 =	simm.s32 @!p0 $0x1082;
	s9 =	sld [smem:$0x3FB6]  }
0x2f: {  	lr =	sadd.s32 s0, s3;
	s0 =	sld [smem:$0x3FAD]  }
0x30: {  	s3 =	sld [smem:$0x3FB0]  }
0x31: {  	[smem:$0x3FB9] =	sst s10  }
0x32: {  	s10 =	sld [smem:$0x3FB7];
	_ =	sdelay $0x3  }
0x33: {  	p0 =	seq.s32 s10, $0x1;
	s10 =	sld [smem:$0x3FB9];
	_ =	sdelay $0x3  }
0x34: {  	[smem:$0x3FB9] =	sst s10  }
0x35: {  	s10 =	sld [smem:$0x3FB8];
	_ =	sdelay $0x3  }
0x36: {  	p1 =	seq.s32 s10, $0x1;
	s10 =	sld [smem:$0x3FB9];
	_ =	sdelay $0x3  }
0x37: {  	[smem:$0x3FB9] =	sst s10  }
0x38: {  	s10 =	sld [smem:$0x3FBA]  }
0x39: {  	_ = 	snop;
	(pc) =	sbr.ind lr, $3  }
0x3a: {  	_ = 	snop  }
0x3b: {  	_ = 	snop  }
0x3c: {  	p2 =	seq.s32 s10, $0x1;
	s10 =	sld [smem:$0x3FB9]  }
0x3d: {  	_ =	shalt  }
0x3e: {  	_ =	shalt  }
0x3f: {  	_ =	shalt  }
0x40: {  	_ =	shalt  }
0x41: {  	_ =	shalt  }
0x42: {  	_ =	shalt  }
0x43: {  	_ =	shalt  }
0x44: {  	_ =	shalt  }
0x45: {  	_ =	shalt  }
0x46: {  	_ =	shalt  }
0x47: {  	_ =	shalt  }
0x48: {  	_ =	shalt  }
0x49: {  	_ =	shalt  }
0x4a: {  	_ =	shalt  }
0x4b: {  	_ =	shalt  }
0x4c: {  	_ =	shalt  }
0x4d: {  	_ =	shalt  }
0x4e: {  	_ =	shalt  }
0x4f: {  	_ =	shalt  }
0x50: {  	_ =	shalt  }
0x51: {  	_ =	shalt  }
0x52: {  	_ =	shalt  }
0x53: {  	_ =	shalt  }
0x54: {  	_ =	shalt  }
0x55: {  	_ =	shalt  }
0x56: {  	_ =	shalt  }
0x57: {  	_ =	shalt  }
0x58: {  	_ =	shalt  }
0x59: {  	_ =	shalt  }
0x5a: {  	_ =	shalt  }
0x5b: {  	_ =	shalt  }
0x5c: {  	_ =	shalt  }
0x5d: {  	_ =	shalt  }
0x5e: {  	_ =	shalt  }
0x5f: {  	_ =	shalt  }
0x60: {  	_ =	shalt  }
0x61: {  	_ =	shalt  }
0x62: {  	_ =	shalt  }
0x63: {  	_ =	shalt  }
0x64: {  	_ =	shalt  }
0x65: {  	_ =	shalt  }
0x66: {  	_ =	shalt  }
0x67: {  	_ =	shalt  }
0x68: {  	_ =	shalt  }
0x69: {  	_ =	shalt  }
0x6a: {  	_ =	shalt  }
0x6b: {  	_ =	shalt  }
0x6c: {  	_ =	shalt  }
0x6d: {  	_ =	shalt  }
0x6e: {  	_ =	shalt  }
0x6f: {  	_ =	shalt  }
0x70: {  	_ =	shalt  }
0x71: {  	_ =	shalt  }
0x72: {  	_ =	shalt  }
0x73: {  	_ =	shalt  }
0x74: {  	_ =	shalt  }
0x75: {  	_ =	shalt  }
0x76: {  	_ =	shalt  }
0x77: {  	_ =	shalt  }
0x78: {  	_ =	shalt  }
0x79: {  	_ =	shalt  }
0x7a: {  	_ =	shalt  }
0x7b: {  	_ =	shalt  }
0x7c: {  	_ =	shalt  }
0x7d: {  	_ =	shalt  }
0x7e: {  	_ =	shalt  }
0x7f: {  	_ =	shalt  }
0x80: {  	_ =	shalt  }
0x81: {  	_ =	shalt  }
0x82: {  	_ =	shalt  }
0x83: {  	_ =	shalt  }
0x84: {  	_ =	shalt  }
0x85: {  	_ =	shalt  }
0x86: {  	_ =	shalt  }
0x87: {  	_ =	shalt  }
.Lfunc_end0:
.L_simem_size_0:
called_computation_lowered:
.L_overlay_start_0:
0x88: {  	s2 =	sld [smem:$0x3FD9]  }
0x89: {  	s3 =	sld [smem:$0x3FFE];
	_ =	sdelay $0x1  }
0x8a: {  	s1 =	srdreg.scid  }
0x8b: {  	s0 =	sand.u32 $0x1, s1  }
0x8c: {  	s17 =	sshll.u32 s0, $0xA;
	s2 =	sadd.s32 s3, s2  }
0x8d: {  	s2 =	sadd.s32 s2, s17  }
0x8e: {  	[smem:$0x3FC5] =	sst s2  }
0x8f: {  	_ = 	snop  }
0x90: {  	s2 =	sld [smem:$0x3FC8];
	(tm) =	ssettm $0x1  }
0x91: {  	s18 =	sld [smem:$0x3FFB];
	_ =	sdelay $0x3  }
0x92: {  	_ =	strace s18  }
0x93: {  	s3 =	sld [smem:$0x3FFC];
	_ =	sdelay $0x3  }
0x94: {  	_ =	strace s3  }
0x95: {  	s3 =	sld [smem:$0x3FFD];
	_ =	sdelay $0x3  }
0x96: {  	_ =	strace s3  }
0x97: {  	_ =	strace $0x8FFFFFFF  }
0x98: {  	s19 =	sld [smem:$0x3FDB];
	_ =	sdelay $0x1  }
0x99: {  	s4 =	simm.s32 $_scs_section_size  }
0x9a: {  	s5 =	simm.s32 $_size__tile_overlayer_lowered;
	s6 =	simm.s32 $_tile_overlayer_lowered  }
0x9b: {  	s22 =	simm.s32 $0x1BFF;
	s21 =	sshll.u32 s6, $0x1;
	s3 =	sadd.s32 s4, s19  }
0x9c: {  	s7 =	simm.s32 $0x0;
	s20 =	sshll.u32 s5, $0x1;
	s5 =	sadd.s32 s21, s3  }
0x9d: {  	[timem:s7], [sflag:s22] =	dma.local [hbm:s5], s20  }
0x9e: {  	_ =	swait.ge [sflag:s22], s20  }
0x9f: {  	s4 =	ssub.s32 $0x0, s20;
	[sflag:s22] =	ssyncset.done $0x0  }
0xa0: {  	[sflag:s22] =	ssyncadd.s32 s4;
	_ =	sdelay $0x1  }
0xa1: {  	s23 =	simm.s32 $0x1B8B  }
0xa2: {  	_ =	swait.ge [sflag:s23], $0x1  }
0xa3: {  	[sflag:s23] =	ssyncset.done $0x0  }
0xa4: {  	s25 =	simm.s32 $0x1B8E;
	s24 =	sld [smem:$0x3FFE];
	[sflag:s23] =	ssyncadd.s32 $0xFFFFFFFF  }
0xa5: {  	s26 =	simm.s32 $execute0_lowered;
	[smem:$0x3FD2] =	sst s25  }
0xa6: {  	s5 =	sshll.u32 s26, $0x1;
	_ =	strace $0x80000046;
	[dreg:$0x1] =	wrdreg $0xFFFFFFFF  }
0xa7: {  	s28 =	simm.s32 $_size_execute0_lowered;
	s3 =	sadd.s32 s3, s5;
	[dreg:$0x0] =	wrdreg $0x0  }
0xa8: {  	s5 =	sshll.u32 s28, $0x1;
	[dreg:$0x2] =	wrdreg s3  }
0xa9: {  	[dreg:$0x3] =	wrdreg s5  }
0xaa: {  	[dreg:$0x4] =	wrdreg $0xC0  }
0xab: {  	_ =	task [dreg:s7], $0x5FFFF  }
0xac: {  	[dreg:$0x1] =	wrdreg $0xFFFFFFFF  }
0xad: {  	[dreg:$0x0] =	wrdreg $0x60  }
0xae: {  	[dreg:$0x2] =	wrdreg s24  }
0xaf: {  	[dreg:$0x3] =	wrdreg s2  }
0xb0: {  	[dreg:$0x4] =	wrdreg $0x1A1800  }
0xb1: {  	[dreg:$0x5] =	wrdreg $0x9  }
0xb2: {  	_ =	task.clear_ibuf [dreg:s7], $0x6FFFF;
	_ =	strace $0x90000046  }
0xb3: {  	s29 =	simm.s32 $0x9;
	_ =	strace $0x80000048  }
0xb4: {  	_ =	swait.ge [sflag:s29], $0x1  }
0xb5: {  	[sflag:s29] =	ssyncadd.s32 $0xFFFFFFFF  }
0xb6: {  	_ =	strace $0x90000048  }
0xb7: {  	_ =	sfence  }
0xb8: {  	s30 =	sld [smem:$0x0];
	_ =	sdelay $0x2  }
0xb9: {  	s31 =	sshll.u32 s1, $0xD;
	s1 =	sshrl.u32 s1, $0x2  }
0xba: {  	s3 =	sand.u32 $0x4000, s31;
	s1 =	sadd.s32 s1, s30  }
0xbb: {  	s0 =	sor.u32 s3, s0;
	s1 =	sshll.u32 s1, $0x11  }
0xbc: {  	s0 =	sor.u32 s1, s0  }
0xbd: {  	s0 =	sadd.s32 $0x8F2B, s0  }
0xbe: {  	[sflag:s0] =	ssyncadd.remote.s32 $0x1  }
0xbf: {  	_ =	sfence.sel $0xFFFF  }
0xc0: {  	[dreg:$0x0] =	wrdreg $0xFFFFFFFF;
	(pc) =	sbr.abs _section_cstart, $3  }
0xc1: {  	[dreg:$0x1] =	wrdreg $0xFFFFFFFF  }
0xc2: {  	_ =	task.clear_ibuf [dreg:s7], $0x2FFFF;
	_ =	strace $0x9FFFFFFF  }
0xc3: {  	(tm) =	ssettm $0x7FFFFFFF  }
tec
execute0_lowered:
.L_overlay_start_1:
0x0: {  	(tag) =	ssettag $0x1  }
0x1: {  	s0 =	rddreg [dreg:$0x0]  }
0x2: {  	s1 =	rddreg [dreg:$0x1]  }
0x3: {  	s2 =	rddreg [dreg:$0x2];
	s4 =	srdreg.scid  }
0x4: {  	s12 =	stileid.u32;
	s3 =	simm.s32 $0x0;
	s15 =	simm.s32 $0x3  }
0x5: {  	s16 =	simm.s32 $0x80;
	s17 =	simm.s32 $0x600;
	s14 =	simm.s32 $0x0  }
0x6: {  	s5 =	sand.u32 $0x1, s4;
	s26 =	sshll.u32 s12, $0x1;
	[smem:$0x7FF] =	sst s3  }
0x7: {  	s10 =	smul.u32 $0x61C0, s12;
	s28 =	sshll.u32 s12, $0x7;
	s6 =	sor.u32 s5, s26  }
0x8: {  	_ =	strace $0x80000047;
	s7 =	ssub.s32 $0x2, s5;
	s5 =	sshll.u32 s5, $0x6  }
0x9: {  	s4 =	sshll.u32 s6, $0xC;
	s6 =	sshll.u32 s6, $0x4;
	s9 =	sshrl.u32 s7, $0x1  }
0xa: {  	s5 =	sadd.s32 s1, s5;
	s29 =	sshrl.u32 s10, $0x2;
	s1 =	sadd.s32 s1, s28  }
0xb: {  	s8 =	sadd.s32 s4, s0;
	s4 =	sadd.s32 $0x20600, s0;
	s0 =	sadd.s32 s6, s0  }
0xc: {  	s11 =	ssub.s32 s7, s9;
	s5 =	sadd.s32 s28, s5;
	[dreg:$0x5] =	wrdreg s1  }
0xd: {  	s30 =	sadd.s32 s29, s2;
	s7 =	simm.s32 $0x200;
	[dreg:$0x4] =	wrdreg s5  }
0xe: {  	s1 =	simm.s32 $0x1;
	[dreg:$0x6] =	wrdreg s30;
	s31 =	sadd.s32 $0x600, s8  }
0xf: {  	s0 =	sadd.s32 $0x1A7000, s0;
	s10 =	smax.u32 s11, $0x1;
	[dreg:$0x7] =	wrdreg s31  }
0x10: {  	v0 =	vimm.f32 $0.0e+00;
	v1 =	vimm.f32 $1.000000000e+00;
	s11 =	simm.s32 $0x4;
	[dreg:$0x8] =	wrdreg s0;
	s0 =	simm.s32 $0x2  }
.LBB2_1:
0x11: {  	s5 =	rddreg [dreg:$0x4]  }
0x12: {  	[tilespmem:s3], [sflag:$0x4] =	stream.linear.gather [hbm4b:s5+s3], $0x200, $0x38;
	[tilespmem:$0x1B9F0] =	vst v63  }
0x13: {  	_ =	swait.ge [sflag:s11], $0x200  }
0x14: {  	[sflag:s11] =	ssyncset.done $0x0  }
0x15: {  	s31 =	rddreg [dreg:$0x5];
	[sflag:s11] =	ssyncadd.s32 $0xFFFFFE00  }
0x16: {  	[tilespmem:s7], [sflag:$0x4] =	stream.linear.gather [hbm4b:s31+s3], $0x400, $0x38;
	[tilespmem:$0x1B9F0] =	vst v63  }
0x17: {  	_ =	swait.ge [sflag:s11], $0x400  }
0x18: {  	[sflag:s11] =	ssyncset.done $0x0  }
0x19: {  	s18 =	simm.s32 $0x40;
	s19 =	simm.s32 $0x0;
	[sflag:s11] =	ssyncadd.s32 $0xFFFFFC00  }
.LBB2_2:
0x1a: {  	p0 =	sne.s32 s18, $0x6180;
	[tilespmem:s19+$0x680] =	vst v0;
	s19 =	smov.u32 s18;
	s18 =	sadd.s32 $0x40, s18  }
.Ltmp0:
0x1b: {  	(pc) =	sbr.rel @p0 .LBB2_2-.Ltmp0, $2  }
0x1c: {  	_ =	sdelay $0x2  }
0x1d: {  	s19 =	sshra.s32 s19, $0x2  }
0x1e: {  	[tilespmem:s19+$0x680] =	vst v0;
	s5 =	rddreg [dreg:$0x6];
	s6 =	simm.s32 $0x680;
	s18 =	simm.s32 $0x0  }
0x1f: {  	[spmem:s5] =	stream.linear.scatter [tilespmem:s6], [sflag:$0x3], $0x1870, $0x38;
	[tilespmem:$0x1B9F0] =	vst v63  }
0x20: {  	s29 =	rddreg [dreg:$0x7];
	s30 =	simm.s32 $0x2100;
	s31 =	sand.u32 $0x1F0, s18  }
0x21: {  	[tilespmem:s30], [sflag:$0x1] =	stream.linear.gather [hbm4b:s29+s18], $0x8000, $0x38;
	[tilespmem:$0x1B9F0] =	vst v63  }
0x22: {  	v2 =	vld [tilespmem:s31+$0x0];
	_ =	sdelay $0x4  }
0x23: {  	v2 =	vshll.u32 v2, $0x4  }
0x24: {  	(v2sf) =	vpush v2, $0x0  }
0x25: {  	(v2sf) =	vpush v2, $0x2  }
0x26: {  	(v2sf) =	vpush v2, $0x1;
	_ =	sdelay $0x1  }
0x27: {  	(v2sf) =	vpush v2, $0x3  }
0x28: {  	(v2sf) =	vpush v2, $0x4;
	_ =	sdelay $0x2  }
0x29: {  	s19 =	simm.s32 $0x2000;
	s20 =	simm.s32 $0x10  }
.LBB2_4:
0x2a: {  	p0 =	sne.s32 s19, $0x3E000;
	(v2sf) =	vpush v2, $0x5;
	s22 =	smov.u32 s19;
	s19 =	sadd.s32 $0x2000, s19  }
0x2b: {  	s21 =	sshra.s32 s18, $0x2;
	s18 =	smov.u32 s22  }
0x2c: {  	s30 =	sadd.s32 $0xA180, s21;
	(v2sf) =	vpush v2, $0x6  }
0x2d: {  	s31 =	sadd.s32 $0xA100, s21  }
0x2e: {  	s24 =	sadd.s32 $0xA680, s21;
	s23 =	sadd.s32 $0xA700, s21;
	s22 =	sadd.s32 $0xA780, s21;
	(v2sf) =	vpush v2, $0x7  }
0x2f: {  	s28 =	sadd.s32 $0xA500, s21;
	s26 =	sadd.s32 $0xA580, s21;
	s25 =	sadd.s32 $0xA600, s21  }
0x30: {  	s13 =	sadd.s32 $0xA400, s21;
	s29 =	sadd.s32 $0xA480, s21;
	s12 =	spop (v2sf);
	(v2sf) =	vpush v2, $0x8  }
0x31: {  	s5 =	sadd.s32 $0xA200, s21;
	s12 =	sand.u32 $0x1FFFFFF0, s12;
	s6 =	spop (v2sf)  }
0x32: {  	s7 =	sadd.s32 $0xA380, s21;
	s12 =	sadd.s32 s4, s12;
	s8 =	spop (v2sf);
	(v2sf) =	vpush v2, $0x9  }
0x33: {  	[tilespmem:s31], [sflag:$0x2] =	stream.linear.gather [hbm4b:s12+s3], $0x80, $0x38;
	[tilespmem:$0x1B9F0] =	vst v63  }
0x34: {  	s6 =	sand.u32 $0x1FFFFFF0, s6;
	s8 =	sand.u32 $0x1FFFFFF0, s8;
	s12 =	spop (v2sf);
	(v2sf) =	vpush v2, $0xA  }
0x35: {  	s31 =	sadd.s32 $0xA300, s21;
	s8 =	sadd.s32 s4, s8;
	s9 =	spop (v2sf)  }
0x36: {  	[tilespmem:s30], [sflag:$0x2] =	stream.linear.gather [hbm4b:s8+s3], $0x80, $0x38;
	(v2sf) =	vpush v2, $0xB;
	[tilespmem:$0x1B9F0] =	vst v63  }
0x37: {  	s6 =	sadd.s32 s4, s6;
	s8 =	sand.u32 $0x1FFFFFF0, s12;
	s9 =	sand.u32 $0x1FFFFFF0, s9  }
0x38: {  	[tilespmem:s5], [sflag:$0x2] =	stream.linear.gather [hbm4b:s6+s3], $0x80, $0x38;
	(v2sf) =	vpush v2, $0xC;
	[tilespmem:$0x1B9F0] =	vst v63  }
0x39: {  	s5 =	sadd.s32 $0xA280, s21;
	s6 =	sadd.s32 s4, s8;
	s8 =	spop (v2sf)  }
0x3a: {  	[tilespmem:s5], [sflag:$0x2] =	stream.linear.gather [hbm4b:s6+s3], $0x80, $0x38;
	(v2sf) =	vpush v2, $0xD;
	[tilespmem:$0x1B9F0] =	vst v63  }
0x3b: {  	s5 =	sadd.s32 s4, s9;
	s6 =	sand.u32 $0x1FFFFFF0, s8;
	s8 =	spop (v2sf)  }
0x3c: {  	[tilespmem:s31], [sflag:$0x2] =	stream.linear.gather [hbm4b:s5+s3], $0x80, $0x38;
	(v2sf) =	vpush v2, $0xE;
	[tilespmem:$0x1B9F0] =	vst v63  }
0x3d: {  	s5 =	sadd.s32 s4, s6;
	s6 =	sand.u32 $0x1FFFFFF0, s8;
	s8 =	spop (v2sf)  }
0x3e: {  	[tilespmem:s7], [sflag:$0x2] =	stream.linear.gather [hbm4b:s5+s3], $0x80, $0x38;
	(v2sf) =	vpush v2, $0xF;
	[tilespmem:$0x1B9F0] =	vst v63  }
0x3f: {  	s5 =	sadd.s32 s4, s6;
	s6 =	sand.u32 $0x1FFFFFF0, s8;
	s7 =	spop (v2sf)  }
0x40: {  	[tilespmem:s13], [sflag:$0x2] =	stream.linear.gather [hbm4b:s5+s3], $0x80, $0x38;
	[tilespmem:$0x1B9F0] =	vst v63  }
0x41: {  	s5 =	sadd.s32 s4, s6;
	s6 =	sand.u32 $0x1FFFFFF0, s7;
	s7 =	spop (v2sf)  }
0x42: {  	[tilespmem:s29], [sflag:$0x2] =	stream.linear.gather [hbm4b:s5+s3], $0x80, $0x38;
	[tilespmem:$0x1B9F0] =	vst v63  }
0x43: {  	s5 =	sadd.s32 s4, s6;
	s6 =	sand.u32 $0x1FFFFFF0, s7;
	s7 =	spop (v2sf)  }
0x44: {  	[tilespmem:s28], [sflag:$0x2] =	stream.linear.gather [hbm4b:s5+s3], $0x80, $0x38;
	[tilespmem:$0x1B9F0] =	vst v63  }
0x45: {  	s5 =	sadd.s32 s4, s6;
	s6 =	sand.u32 $0x1FFFFFF0, s7;
	s7 =	spop (v2sf)  }
0x46: {  	[tilespmem:s26], [sflag:$0x2] =	stream.linear.gather [hbm4b:s5+s3], $0x80, $0x38;
	[tilespmem:$0x1B9F0] =	vst v63  }
0x47: {  	s5 =	sadd.s32 s4, s6;
	s6 =	sand.u32 $0x1FFFFFF0, s7;
	s7 =	spop (v2sf)  }
0x48: {  	[tilespmem:s25], [sflag:$0x2] =	stream.linear.gather [hbm4b:s5+s3], $0x80, $0x38;
	[tilespmem:$0x1B9F0] =	vst v63  }
0x49: {  	s5 =	sadd.s32 s4, s6;
	s6 =	sand.u32 $0x1FFFFFF0, s7;
	s7 =	spop (v2sf)  }
0x4a: {  	[tilespmem:s24], [sflag:$0x2] =	stream.linear.gather [hbm4b:s5+s3], $0x80, $0x38;
	[tilespmem:$0x1B9F0] =	vst v63  }
0x4b: {  	s5 =	sadd.s32 s4, s6;
	s6 =	sand.u32 $0x1FFFFFF0, s7;
	s7 =	spop (v2sf)  }
0x4c: {  	[tilespmem:s23], [sflag:$0x2] =	stream.linear.gather [hbm4b:s5+s3], $0x80, $0x38;
	[tilespmem:$0x1B9F0] =	vst v63  }
0x4d: {  	s5 =	sadd.s32 s4, s6;
	s6 =	sand.u32 $0x1FFFFFF0, s7;
	s7 =	spop (v2sf)  }
0x4e: {  	[tilespmem:s22], [sflag:$0x2] =	stream.linear.gather [hbm4b:s5+s3], $0x80, $0x38;
	[tilespmem:$0x1B9F0] =	vst v63  }
0x4f: {  	s6 =	sadd.s32 s4, s6;
	s5 =	sadd.s32 $0xA800, s21;
	s7 =	sand.u32 $0x1FFFFFF0, s7  }
0x50: {  	[tilespmem:s5], [sflag:$0x2] =	stream.linear.gather [hbm4b:s6+s3], $0x80, $0x38;
	[tilespmem:$0x1B9F0] =	vst v63  }
0x51: {  	s7 =	sadd.s32 s4, s7;
	s5 =	sand.u32 $0x1F0, s20;
	s6 =	sadd.s32 $0xA880, s21  }
0x52: {  	[tilespmem:s6], [sflag:$0x2] =	stream.linear.gather [hbm4b:s7+s3], $0x80, $0x38;
	[tilespmem:$0x1B9F0] =	vst v63  }
0x53: {  	v2 =	vld [tilespmem:s5+$0x0];
	_ =	sdelay $0x4  }
0x54: {  	v2 =	vshll.u32 v2, $0x4  }
0x55: {  	(v2sf) =	vpush v2, $0x0  }
0x56: {  	(v2sf) =	vpush v2, $0x2  }
0x57: {  	(v2sf) =	vpush v2, $0x1;
	_ =	sdelay $0x1  }
.Ltmp1:
0x58: {  	(v2sf) =	vpush v2, $0x3;
	(pc) =	sbr.rel @p0 .LBB2_4-.Ltmp1, $2  }
0x59: {  	(v2sf) =	vpush v2, $0x4;
	_ =	sdelay $0x2  }
0x5a: {  	s20 =	sadd.s32 $0x10, s20  }
0x5b: {  	_ =	sdelay $0x1  }
0x5c: {  	(v2sf) =	vpush v2, $0x5;
	_ =	sdelay $0x3  }
0x5d: {  	s18 =	sshra.s32 s18, $0x2;
	s5 =	spop (v2sf);
	(v2sf) =	vpush v2, $0x6  }
0x5e: {  	s6 =	sadd.s32 $0xA100, s18  }
0x5f: {  	s13 =	sadd.s32 $0xA180, s18;
	s21 =	sadd.s32 $0xA200, s18;
	s7 =	spop (v2sf);
	(v2sf) =	vpush v2, $0x7  }
0x60: {  	s23 =	sadd.s32 $0xA280, s18;
	s5 =	sand.u32 $0x1FFFFFF0, s5;
	s12 =	spop (v2sf);
	(v2sf) =	vpush v2, $0x8  }
0x61: {  	s25 =	sadd.s32 $0xA300, s18;
	s26 =	sadd.s32 $0xA380, s18;
	s5 =	sadd.s32 s4, s5  }
0x62: {  	[tilespmem:s6], [sflag:$0x2] =	stream.linear.gather [hbm4b:s5+s3], $0x80, $0x38;
	(v2sf) =	vpush v2, $0x9;
	[tilespmem:$0x1B9F0] =	vst v63  }
0x63: {  	s31 =	sadd.s32 $0xA400, s18;
	s19 =	sand.u32 $0x1FFFFFF0, s7;
	s5 =	sand.u32 $0x1FFFFFF0, s12  }
0x64: {  	s7 =	sadd.s32 $0xA480, s18;
	s5 =	sadd.s32 s4, s5;
	s20 =	spop (v2sf);
	(v2sf) =	vpush v2, $0xA  }
0x65: {  	[tilespmem:s13], [sflag:$0x2] =	stream.linear.gather [hbm4b:s5+s3], $0x80, $0x38;
	[tilespmem:$0x1B9F0] =	vst v63  }
0x66: {  	s5 =	sadd.s32 s4, s19;
	s6 =	sand.u32 $0x1FFFFFF0, s20;
	s22 =	spop (v2sf);
	(v2sf) =	vpush v2, $0xB  }
0x67: {  	[tilespmem:s21], [sflag:$0x2] =	stream.linear.gather [hbm4b:s5+s3], $0x80, $0x38;
	[tilespmem:$0x1B9F0] =	vst v63  }
0x68: {  	s6 =	sadd.s32 s4, s6;
	s5 =	sand.u32 $0x1FFFFFF0, s22;
	s24 =	spop (v2sf);
	(v2sf) =	vpush v2, $0xC  }
0x69: {  	[tilespmem:s23], [sflag:$0x2] =	stream.linear.gather [hbm4b:s6+s3], $0x80, $0x38;
	[tilespmem:$0x1B9F0] =	vst v63  }
0x6a: {  	s13 =	sadd.s32 $0xA500, s18;
	s5 =	sadd.s32 s4, s5;
	s6 =	sand.u32 $0x1FFFFFF0, s24  }
0x6b: {  	[tilespmem:s25], [sflag:$0x2] =	stream.linear.gather [hbm4b:s5+s3], $0x80, $0x38;
	[tilespmem:$0x1B9F0] =	vst v63  }
0x6c: {  	s19 =	sadd.s32 $0xA580, s18;
	s6 =	sadd.s32 s4, s6;
	s28 =	spop (v2sf);
	(v2sf) =	vpush v2, $0xD  }
0x6d: {  	[tilespmem:s26], [sflag:$0x2] =	stream.linear.gather [hbm4b:s6+s3], $0x80, $0x38;
	[tilespmem:$0x1B9F0] =	vst v63  }
0x6e: {  	s23 =	sadd.s32 $0xA600, s18;
	s29 =	sand.u32 $0x1FFFFFF0, s28;
	s30 =	spop (v2sf);
	(v2sf) =	vpush v2, $0xE  }
0x6f: {  	s5 =	sadd.s32 s4, s29;
	s6 =	sand.u32 $0x1FFFFFF0, s30;
	s8 =	spop (v2sf);
	(v2sf) =	vpush v2, $0xF  }
0x70: {  	[tilespmem:s31], [sflag:$0x2] =	stream.linear.gather [hbm4b:s5+s3], $0x80, $0x38;
	[tilespmem:$0x1B9F0] =	vst v63  }
0x71: {  	s6 =	sadd.s32 s4, s6;
	s9 =	sand.u32 $0x1FFFFFF0, s8;
	s12 =	spop (v2sf)  }
0x72: {  	[tilespmem:s7], [sflag:$0x2] =	stream.linear.gather [hbm4b:s6+s3], $0x80, $0x38;
	[tilespmem:$0x1B9F0] =	vst v63  }
0x73: {  	s5 =	sadd.s32 s4, s9;
	s20 =	spop (v2sf);
	s6 =	sand.u32 $0x1FFFFFF0, s12  }
0x74: {  	[tilespmem:s13], [sflag:$0x2] =	stream.linear.gather [hbm4b:s5+s3], $0x80, $0x38;
	[tilespmem:$0x1B9F0] =	vst v63  }
0x75: {  	s21 =	sand.u32 $0x1FFFFFF0, s20;
	s22 =	spop (v2sf);
	s6 =	sadd.s32 s4, s6  }
0x76: {  	[tilespmem:s19], [sflag:$0x2] =	stream.linear.gather [hbm4b:s6+s3], $0x80, $0x38;
	[tilespmem:$0x1B9F0] =	vst v63  }
0x77: {  	s5 =	sadd.s32 s4, s21;
	s6 =	sand.u32 $0x1FFFFFF0, s22;
	s25 =	spop (v2sf)  }
0x78: {  	[tilespmem:s23], [sflag:$0x2] =	stream.linear.gather [hbm4b:s5+s3], $0x80, $0x38;
	[tilespmem:$0x1B9F0] =	vst v63  }
0x79: {  	s24 =	sadd.s32 $0xA680, s18;
	s6 =	sadd.s32 s4, s6;
	s26 =	sand.u32 $0x1FFFFFF0, s25  }
0x7a: {  	[tilespmem:s24], [sflag:$0x2] =	stream.linear.gather [hbm4b:s6+s3], $0x80, $0x38;
	[tilespmem:$0x1B9F0] =	vst v63  }
0x7b: {  	s29 =	sadd.s32 $0xA700, s18;
	s5 =	sadd.s32 s4, s26;
	s28 =	spop (v2sf)  }
0x7c: {  	[tilespmem:s29], [sflag:$0x2] =	stream.linear.gather [hbm4b:s5+s3], $0x80, $0x38;
	[tilespmem:$0x1B9F0] =	vst v63  }
0x7d: {  	s30 =	sadd.s32 $0xA780, s18;
	s6 =	sand.u32 $0x1FFFFFF0, s28;
	s31 =	spop (v2sf)  }
0x7e: {  	s6 =	sadd.s32 s4, s6;
	s8 =	sand.u32 $0x1FFFFFF0, s31;
	s9 =	spop (v2sf)  }
0x7f: {  	[tilespmem:s30], [sflag:$0x2] =	stream.linear.gather [hbm4b:s6+s3], $0x80, $0x38;
	[tilespmem:$0x1B9F0] =	vst v63  }
0x80: {  	s12 =	sadd.s32 $0xA800, s18;
	s5 =	sadd.s32 s4, s8;
	s6 =	sand.u32 $0x1FFFFFF0, s9  }
0x81: {  	[tilespmem:s12], [sflag:$0x2] =	stream.linear.gather [hbm4b:s5+s3], $0x80, $0x38;
	[tilespmem:$0x1B9F0] =	vst v63  }
0x82: {  	s13 =	sadd.s32 $0xA880, s18;
	s6 =	sadd.s32 s4, s6  }
0x83: {  	[tilespmem:s13], [sflag:$0x2] =	stream.linear.gather [hbm4b:s6+s3], $0x80, $0x38;
	[tilespmem:$0x1B9F0] =	vst v63  }
0x84: {  	[tilespmem:$0x600] =	vst v1  }
0x85: {  	[tilespmem:$0x610] =	vst v1  }
0x86: {  	[tilespmem:$0x620] =	vst v1  }
0x87: {  	[tilespmem:$0x630] =	vst v1  }
0x88: {  	[tilespmem:$0x640] =	vst v1  }
0x89: {  	[tilespmem:$0x650] =	vst v1  }
0x8a: {  	[tilespmem:$0x660] =	vst v1  }
0x8b: {  	[tilespmem:$0x670] =	vst v1  }
0x8c: {  	[tilespmem:$0x1A100] =	vst v0  }
0x8d: {  	_ =	swait.ge [sflag:s15], $0x1870  }
0x8e: {  	[sflag:s15] =	ssyncset.done $0x0  }
0x8f: {  	[sflag:s15] =	ssyncadd.s32 $0xFFFFE790  }
0x90: {  	s7 =	simm.s32 $0x200;
	[bflag:$0x0] =	sbarrier.arrive $0xFFFF  }
0x91: {  	[spmem:s2] =	stream.indirect.scatter.add.f32 [tilespmem:s17], [sflag:$0x4], $0x1, s7, s16, $0xb8;
	[tilespmem:$0x1B9F0] =	vst v63  }
0x92: {  	_ =	swait.ge [sflag:s11], $0x80  }
0x93: {  	[sflag:s11] =	ssyncset.done $0x0  }
0x94: {  	s18 =	simm.s32 $0x280;
	[sflag:s11] =	ssyncadd.s32 $0xFFFFFF80  }
0x95: {  	[spmem:s2] =	stream.indirect.scatter.add.f32 [tilespmem:s17], [sflag:$0x4], $0x1, s18, s16, $0xb8;
	[tilespmem:$0x1B9F0] =	vst v63  }
0x96: {  	_ =	swait.ge [sflag:s11], $0x80  }
0x97: {  	[sflag:s11] =	ssyncset.done $0x0  }
0x98: {  	s19 =	simm.s32 $0x300;
	[sflag:s11] =	ssyncadd.s32 $0xFFFFFF80  }
0x99: {  	[spmem:s2] =	stream.indirect.scatter.add.f32 [tilespmem:s17], [sflag:$0x4], $0x1, s19, s16, $0xb8;
	[tilespmem:$0x1B9F0] =	vst v63  }
0x9a: {  	_ =	swait.ge [sflag:s11], $0x80  }
0x9b: {  	[sflag:s11] =	ssyncset.done $0x0  }
0x9c: {  	s20 =	simm.s32 $0x380;
	[sflag:s11] =	ssyncadd.s32 $0xFFFFFF80  }
0x9d: {  	[spmem:s2] =	stream.indirect.scatter.add.f32 [tilespmem:s17], [sflag:$0x4], $0x1, s20, s16, $0xb8;
	[tilespmem:$0x1B9F0] =	vst v63  }
0x9e: {  	_ =	swait.ge [sflag:s11], $0x80  }
0x9f: {  	[sflag:s11] =	ssyncset.done $0x0  }
0xa0: {  	s21 =	simm.s32 $0x400;
	[sflag:s11] =	ssyncadd.s32 $0xFFFFFF80  }
0xa1: {  	[spmem:s2] =	stream.indirect.scatter.add.f32 [tilespmem:s17], [sflag:$0x4], $0x1, s21, s16, $0xb8;
	[tilespmem:$0x1B9F0] =	vst v63  }
0xa2: {  	_ =	swait.ge [sflag:s11], $0x80  }
0xa3: {  	[sflag:s11] =	ssyncset.done $0x0  }
0xa4: {  	s22 =	simm.s32 $0x480;
	[sflag:s11] =	ssyncadd.s32 $0xFFFFFF80  }
0xa5: {  	[spmem:s2] =	stream.indirect.scatter.add.f32 [tilespmem:s17], [sflag:$0x4], $0x1, s22, s16, $0xb8;
	[tilespmem:$0x1B9F0] =	vst v63  }
0xa6: {  	_ =	swait.ge [sflag:s11], $0x80  }
0xa7: {  	[sflag:s11] =	ssyncset.done $0x0  }
0xa8: {  	s23 =	simm.s32 $0x500;
	[sflag:s11] =	ssyncadd.s32 $0xFFFFFF80  }
0xa9: {  	[spmem:s2] =	stream.indirect.scatter.add.f32 [tilespmem:s17], [sflag:$0x4], $0x1, s23, s16, $0xb8;
	[tilespmem:$0x1B9F0] =	vst v63  }
0xaa: {  	_ =	swait.ge [sflag:s11], $0x80  }
0xab: {  	[sflag:s11] =	ssyncset.done $0x0  }
0xac: {  	s24 =	simm.s32 $0x580;
	[sflag:s11] =	ssyncadd.s32 $0xFFFFFF80  }
0xad: {  	[spmem:s2] =	stream.indirect.scatter.add.f32 [tilespmem:s17], [sflag:$0x4], $0x1, s24, s16, $0xb8;
	[tilespmem:$0x1B9F0] =	vst v63  }
0xae: {  	_ =	swait.ge [sflag:s11], $0x80  }
0xaf: {  	[sflag:s11] =	ssyncset.done $0x0  }
0xb0: {  	[sflag:s11] =	ssyncadd.s32 $0xFFFFFF80  }
0xb1: {  	s25 =	simm.s32 $0x1F00;
	s18 =	simm.s32 $0x0;
	[bflag:$0x0] =	sbarrier.arrive $0xFFFF  }
0xb2: {  	[tilespmem:s25], [sflag:$0x4] =	stream.indirect.gather [spmem:s2], $0x1, s18, s16, $0xb8;
	[tilespmem:$0x1B9F0] =	vst v63  }
0xb3: {  	_ =	swait.ge [sflag:s11], $0x80  }
0xb4: {  	[sflag:s11] =	ssyncset.done $0x0  }
0xb5: {  	s26 =	simm.s32 $0x1F80;
	[sflag:s11] =	ssyncadd.s32 $0xFFFFFF80  }
0xb6: {  	[tilespmem:s26], [sflag:$0x4] =	stream.indirect.gather [spmem:s2], $0x1, s16, s16, $0xb8;
	[tilespmem:$0x1B9F0] =	vst v63  }
0xb7: {  	_ =	swait.ge [sflag:s11], $0x80  }
0xb8: {  	[sflag:s11] =	ssyncset.done $0x0  }
0xb9: {  	s29 =	simm.s32 $0x2000;
	s28 =	simm.s32 $0x100;
	[sflag:s11] =	ssyncadd.s32 $0xFFFFFF80  }
0xba: {  	[tilespmem:s29], [sflag:$0x4] =	stream.indirect.gather [spmem:s2], $0x1, s28, s16, $0xb8;
	[tilespmem:$0x1B9F0] =	vst v63  }
0xbb: {  	_ =	swait.ge [sflag:s11], $0x80  }
0xbc: {  	[sflag:s11] =	ssyncset.done $0x0  }
0xbd: {  	s31 =	simm.s32 $0x2080;
	s30 =	simm.s32 $0x180;
	[sflag:s11] =	ssyncadd.s32 $0xFFFFFF80  }
0xbe: {  	[tilespmem:s31], [sflag:$0x4] =	stream.indirect.gather [spmem:s2], $0x1, s30, s16, $0xb8;
	[tilespmem:$0x1B9F0] =	vst v63  }
0xbf: {  	_ =	swait.ge [sflag:s11], $0x80  }
0xc0: {  	[sflag:s11] =	ssyncset.done $0x0  }
0xc1: {  	[sflag:s11] =	ssyncadd.s32 $0xFFFFFF80  }
0xc2: {  	_ =	swait.ge [sflag:s0], $0x10000  }
0xc3: {  	[sflag:s0] =	ssyncset.done $0x0  }
0xc4: {  	[sflag:s0] =	ssyncadd.s32 $0xFFFF0000  }
0xc5: {  	_ =	swait.ge [sflag:s1], $0x8000  }
0xc6: {  	[sflag:s1] =	ssyncset.done $0x0  }
0xc7: {  	[sflag:s1] =	ssyncadd.s32 $0xFFFF8000  }
0xc8: {  	s19 =	simm.s32 $0x3C0;
	s20 =	simm.s32 $0xA500;
	s21 =	simm.s32 $0x22E0;
	v3 =	vld [tilespmem:$0x1A100]  }
.LBB2_6:
0xc9: {  	v2 =	vld [tilespmem:s21+$0xFFFFFE20]  }
0xca: {  	v4 =	vld [tilespmem:s21+$0xFFFFFE30]  }
0xcb: {  	v5 =	vld [tilespmem:s21+$0xFFFFFE40]  }
0xcc: {  	v12 =	vld [tilespmem:s21+$0xFFFFFE50];
	_ =	sdelay $0x1  }
0xcd: {  	v13 =	vld [tilespmem:s21+$0xFFFFFE60]  }
0xce: {  	v14 =	vld [tilespmem:s21+$0xFFFFFE70]  }
0xcf: {  	v17 =	vld [tilespmem:s21+$0xFFFFFE80];
	v6 =	vmul.f32 v2, v2;
	v7 =	vmul.f32 v4, v4  }
0xd0: {  	v20 =	vld [tilespmem:s21+$0xFFFFFE90];
	v8 =	vmul.f32 v5, v5;
	v9 =	vmul.f32 v12, v12;
	_ =	sdelay $0x1  }
0xd1: {  	v6 =	vadd.f32 v7, v6;
	v49 =	vadd.f32 v9, v8;
	_ =	sdelay $0x1  }
0xd2: {  	v50 =	vmul.f32 v13, v13;
	v51 =	vmul.f32 v14, v14;
	v6 =	vadd.f32 v49, v6  }
0xd3: {  	v52 =	vmul.f32 v17, v17;
	v53 =	vmul.f32 v20, v20  }
0xd4: {  	(xrf2) =	vadd.scan.msk.f32 $0xffff, v6  }
0xd5: {  	v54 =	vadd.f32 v53, v52;
	v6 =	vadd.f32 v51, v50;
	_ =	sdelay $0x1  }
0xd6: {  	v6 =	vadd.f32 v54, v6;
	_ =	sdelay $0x1  }
0xd7: {  	(xrf2) =	vadd.scan.msk.f32 $0xffff, v6;
	_ =	sdelay $0x3  }
0xd8: {  	v11 =	vld [tilespmem:s21+$0xFFFFFEA0]  }
0xd9: {  	v15 =	vld [tilespmem:s21+$0xFFFFFEC0];
	v10, _, _ =	vpop (xrf2)  }
0xda: {  	v19 =	vld [tilespmem:s21+$0xFFFFFED0];
	v21 =	vbroadcast v10, $0xF  }
0xdb: {  	v10 =	vld [tilespmem:s21+$0xFFFFFEB0]  }
0xdc: {  	v55 =	vshra.s32 v21, $0x1;
	v56 =	vmul.f32 $5.000000000e-01, v21  }
0xdd: {  	s5 =	sand.u32 $0x1F0, s18;
	v59 =	vmul.f32 v11, v11;
	v57 =	vsub.s32 $0x5F3759DF, v55  }
0xde: {  	v16 =	vld [tilespmem:s5+$0x1F00];
	v22 =	vmul.f32 v15, v15;
	v62, _, _ =	vpop (xrf2);
	v8 =	vmul.f32 v57, v56  }
0xdf: {  	v23 =	vmul.f32 v19, v19;
	v63 =	vbroadcast v62, $0xF  }
0xe0: {  	v18 =	vmul.f32 v10, v10;
	v58 =	vmul.f32 v57, v8  }
0xe1: {  	v22 =	vadd.f32 v23, v22;
	v33 =	vmul.f32 $5.000000000e-01, v63  }
0xe2: {  	v24 =	vshra.s32 v63, $0x1;
	v18 =	vadd.f32 v18, v59;
	v6 =	vsub.f32 $1.500000000e+00, v58  }
0xe3: {  	v60 =	vadd.f32 $1.000000000e+00, v16;
	v16 =	vld [tilespmem:s21+$0xFFFFFEF0];
	v24 =	vsub.s32 $0x5F3759DF, v24  }
0xe4: {  	v9 =	vld [tilespmem:s21+$0xFFFFFF00];
	v29 =	vmul.f32 v24, v33;
	v18 =	vadd.f32 v22, v18;
	v6 =	vmul.f32 v57, v6  }
0xe5: {  	(erf) = vrcp.f32 v60;
	v8 =	vld [tilespmem:s21+$0xFFFFFEE0]  }
0xe6: {  	v36 =	vmul.f32 v24, v29;
	(xrf2) =	vadd.scan.msk.f32 $0xffff, v18;
	v18 =	vld [tilespmem:s21+$0xFFFFFF10];
	v61 =	vmul.f32 v6, v56;
	_ =	sdelay $0x1  }
0xe7: {  	vm0 =	vlt.f32 v21, $1.000000020e-24;
	v21 =	vsub.f32 $1.500000000e+00, v36;
	v22 =	vmul.f32 v61, v6  }
0xe8: {  	v7 =	vld [tilespmem:s21+$0xFFFFFF30];
	v26 =	vmul.f32 v16, v16  }
0xe9: {  	v27 =	vmul.f32 v9, v9;
	v21 =	vmul.f32 v24, v21;
	v32 =	vsub.f32 $1.500000000e+00, v22  }
0xea: {  	v34 =	vld [tilespmem:s20+$0xFFFFFC00];
	v25 =	vmul.f32 v8, v8;
	v28 =	vmul.f32 v18, v18  }
0xeb: {  	v39 =	vld [tilespmem:s20+$0xFFFFFC10];
	v22 =	vmul.f32 v21, v33;
	v6 =	vmul.f32 v32, v6  }
0xec: {  	v42 =	vld [tilespmem:s20+$0xFFFFFC20];
	v25 =	vadd.f32 v26, v25;
	v35 =	vadd.f32 v28, v27  }
0xed: {  	v43 =	vld [tilespmem:s20+$0xFFFFFC30];
	v37 =	vpop (erf);
	v22 =	vmul.f32 v22, v21;
	v32 =	vmul.f32 v7, v7;
	v38 =	vsel vm0, $0x5368D4A5, v6  }
0xee: {  	v40 =	vadd.f32 v35, v25;
	v41 =	vmul.f32 v38, v2;
	v2 =	vmul.f32 $5.000000000e-01, v37  }
0xef: {  	v22 =	vsub.f32 $1.500000000e+00, v22;
	v30, _, _ =	vpop (xrf2);
	v31 =	vmul.f32 v38, v4;
	v5 =	vmul.f32 v38, v5  }
0xf0: {  	vm13 =	vlt.f32 v63, $1.000000020e-24;
	v12 =	vmul.f32 v38, v12;
	v30 =	vbroadcast v30, $0xF  }
0xf1: {  	v6 =	vld [tilespmem:s21+$0xFFFFFF20];
	(xrf2) =	vadd.scan.msk.f32 $0xffff, v40;
	v21 =	vmul.f32 v22, v21;
	v25 =	vsub.f32 v41, v34;
	v29 =	vsub.f32 v31, v39  }
0xf2: {  	v53 =	vld [tilespmem:s20+$0xFFFFFC80];
	v26 =	vsub.f32 v5, v42;
	v12 =	vsub.f32 v12, v43;
	v59 =	vbroadcast v2, $0x0  }
0xf3: {  	v56 =	vld [tilespmem:s20+$0xFFFFFCA0];
	v4 =	vshra.s32 v30, $0x1;
	v44 =	vmul.f32 $5.000000000e-01, v30;
	v25 =	vmul.f32 v25, v25  }
0xf4: {  	v5 =	vld [tilespmem:s21+$0xFFFFFF50];
	v45 =	vsub.s32 $0x5F3759DF, v4;
	v47 =	vmul.f32 v29, v29;
	v26 =	vmul.f32 v26, v26  }
0xf5: {  	v21 =	vsel vm13, $0x5368D4A5, v21;
	v4 =	vld [tilespmem:s21+$0xFFFFFF40];
	v12 =	vmul.f32 v12, v12;
	v46 =	vmul.f32 v45, v44  }
0xf6: {  	v34 =	vld [tilespmem:s20+$0xFFFFFCB0];
	v49 =	vmul.f32 v6, v6;
	v13 =	vmul.f32 v21, v13  }
0xf7: {  	v63 =	vmul.f32 v21, v14;
	v48 =	vmul.f32 v45, v46  }
0xf8: {  	v35 =	vmul.f32 v21, v17;
	v25 =	vadd.f32 v47, v25;
	v54 =	vadd.f32 v32, v49  }
0xf9: {  	v37 =	vmul.f32 v21, v20;
	v12 =	vadd.f32 v12, v26;
	v29 =	vsub.f32 $1.500000000e+00, v48  }
0xfa: {  	v17 =	vld [tilespmem:s21+$0xFFFFFF80];
	v14 =	vsub.f32 v35, v56;
	v33 =	vmul.f32 v5, v5;
	v50 =	vmul.f32 v4, v4  }
0xfb: {  	v20 =	vld [tilespmem:s21+$0xFFFFFF90];
	v62 =	vsub.f32 v13, v53;
	v41 =	vsub.f32 v37, v34;
	v51 =	vmul.f32 v45, v29;
	v52, _, _ =	vpop (xrf2)  }
0xfc: {  	v13 =	vld [tilespmem:s21+$0xFFFFFF70];
	v14 =	vmul.f32 v14, v14;
	v27 =	vadd.f32 v33, v50;
	v23 =	vbroadcast v52, $0xF  }
0xfd: {  	v55 =	vld [tilespmem:s20+$0xFFFFFC90];
	v25 =	vadd.f32 v12, v25;
	v26 =	vmul.f32 v41, v41;
	v24 =	vmul.f32 v51, v44  }
0xfe: {  	v12 =	vld [tilespmem:s21+$0xFFFFFF60];
	v27 =	vadd.f32 v27, v54;
	v57 =	vshra.s32 v23, $0x1;
	v58 =	vmul.f32 $5.000000000e-01, v23  }
0xff: {  	v49 =	vmul.f32 v17, v17;
	v32 =	vsub.s32 $0x5F3759DF, v57;
	v60 =	vmul.f32 v24, v51  }
0x100: {  	v35 =	vmul.f32 v20, v20;
	v26 =	vadd.f32 v26, v14;
	v14 =	vld [tilespmem:s21+$0xFFFFFFC0];
	(xrf2) =	vadd.scan.msk.f32 $0xffff, v27;
	v61 =	vmul.f32 v32, v58  }
0x101: {  	vm14 =	vlt.f32 v30, $1.000000020e-24;
	v47 =	vmul.f32 v13, v13;
	v38 =	vsub.f32 $1.500000000e+00, v60  }
0x102: {  	v52 =	vadd.f32 v35, v49;
	v35 =	vbroadcast v2, $0x4;
	v39 =	vmul.f32 v32, v61  }
0x103: {  	v36 =	vld [tilespmem:s20+$0xFFFFFD00];
	v40 =	vsub.f32 v63, v55;
	v46 =	vmul.f32 v12, v12;
	v22 =	vmul.f32 v38, v51  }
0x104: {  	v24 =	vmul.f32 v25, v59;
	v27 =	vmul.f32 v62, v62;
	v21 =	vsub.f32 $1.500000000e+00, v39  }
0x105: {  	v42 =	vld [tilespmem:s20+$0xFFFFFD10];
	v25 =	vmul.f32 v40, v40;
	v37 =	vmul.f32 v14, v14;
	v22 =	vsel vm14, $0x5368D4A5, v22  }
0x106: {  	v56 =	vld [tilespmem:s20+$0xFFFFFD30];
	vm15 =	vlt.f32 v23, $1.000000020e-24;
	v21 =	vmul.f32 v32, v21;
	v11 =	vmul.f32 v22, v11  }
0x107: {  	v25 =	vadd.f32 v25, v27;
	v3 =	vadd.f32 v24, v3;
	v43 =	vmul.f32 v22, v10;
	v10 =	vld [tilespmem:s21+$0xFFFFFFA0]  }
0x108: {  	v39 =	vbroadcast v2, $0x1;
	v45 =	vmul.f32 v21, v58;
	v28 =	vsub.f32 v11, v36;
	v11 =	vld [tilespmem:s21+$0xFFFFFFB0]  }
0x109: {  	v32 =	vadd.f32 v47, v46;
	v19 =	vmul.f32 v22, v19;
	v36 =	vmul.f32 v22, v15;
	v15 =	vld [tilespmem:s21+$0xFFFFFFD0]  }
0x10a: {  	v44 =	vld [tilespmem:s20+$0xFFFFFD20];
	v47 =	vbroadcast v2, $0x3;
	v27 =	vsub.f32 v43, v42;
	v48, _, _ =	vpop (xrf2);
	v50 =	vmul.f32 v45, v21  }
0x10b: {  	v32 =	vadd.f32 v52, v32;
	v51 =	vbroadcast v48, $0xF;
	v28 =	vmul.f32 v28, v28  }
0x10c: {  	v19 =	vsub.f32 v19, v56;
	v27 =	vmul.f32 v27, v27;
	v59 =	vmul.f32 v10, v10  }
0x10d: {  	v63 =	vld [tilespmem:s20+$0xFFFFFDB0];
	(xrf2) =	vadd.scan.msk.f32 $0xffff, v32;
	v29 =	vsub.f32 $1.500000000e+00, v50;
	v53 =	vshra.s32 v51, $0x1;
	v54 =	vmul.f32 $5.000000000e-01, v51  }
0x10e: {  	v61 =	vld [tilespmem:s20+$0xFFFFFD90];
	v55 =	vsub.s32 $0x5F3759DF, v53;
	v60 =	vmul.f32 v11, v11;
	v38 =	vmul.f32 v15, v15  }
0x10f: {  	v58 =	vld [tilespmem:s20+$0xFFFFFD80];
	v30 =	vsub.f32 v36, v44;
	v21 =	vmul.f32 v29, v21;
	v57 =	vmul.f32 v55, v54  }
0x110: {  	v62 =	vld [tilespmem:s20+$0xFFFFFDA0];
	v19 =	vmul.f32 v19, v19;
	v32 =	vadd.f32 v60, v59;
	v37 =	vadd.f32 v38, v37  }
0x111: {  	v41 =	vadd.f32 v27, v28;
	v21 =	vsel vm15, $0x5368D4A5, v21;
	v29 =	vmul.f32 v55, v57  }
0x112: {  	v8 =	vmul.f32 v21, v8;
	v16 =	vmul.f32 v21, v16;
	v32 =	vadd.f32 v37, v32  }
0x113: {  	v9 =	vmul.f32 v21, v9;
	v18 =	vmul.f32 v21, v18;
	v29 =	vsub.f32 $1.500000000e+00, v29  }
0x114: {  	v30 =	vmul.f32 v30, v30;
	v8 =	vsub.f32 v8, v58;
	v16 =	vsub.f32 v16, v61  }
0x115: {  	(xrf2) =	vadd.scan.msk.f32 $0xffff, v32;
	v9 =	vsub.f32 v9, v62;
	v18 =	vsub.f32 v18, v63;
	v37 =	vmul.f32 v55, v29  }
0x116: {  	v43 =	vadd.f32 v19, v30;
	v8 =	vmul.f32 v8, v8;
	v16 =	vmul.f32 v16, v16  }
0x117: {  	v40 =	vadd.f32 v26, v25;
	v42, _, _ =	vpop (xrf2);
	v9 =	vmul.f32 v9, v9;
	v18 =	vmul.f32 v18, v18  }
0x118: {  	v19 =	vld [tilespmem:s21+$0xFFFFFFE0];
	v25 =	vadd.f32 v43, v41;
	v26 =	vbroadcast v42, $0xF;
	v22 =	vmul.f32 v37, v54  }
0x119: {  	v44 =	vbroadcast v2, $0x2;
	v8 =	vadd.f32 v16, v8;
	v9 =	vadd.f32 v18, v9;
	v16 =	vld [tilespmem:s21+$0xFFFFFFF0]  }
0x11a: {  	v45 =	vshra.s32 v26, $0x1;
	v46 =	vmul.f32 $5.000000000e-01, v26;
	v18 =	vld [tilespmem:s21+$0x0];
	v22 =	vmul.f32 v22, v37  }
0x11b: {  	v23 =	vmul.f32 v40, v39;
	v48 =	vsub.s32 $0x5F3759DF, v45;
	v8 =	vadd.f32 v9, v8  }
0x11c: {  	v28 =	vmul.f32 v25, v44;
	v50 =	vmul.f32 v48, v46;
	v9 =	vld [tilespmem:s21+$0x30];
	v22 =	vsub.f32 $1.500000000e+00, v22  }
0x11d: {  	v58 =	vmul.f32 v19, v19;
	v25 =	vmul.f32 v8, v47  }
0x11e: {  	v40 =	vld [tilespmem:s20+$0xFFFFFE20];
	v23 =	vadd.f32 v23, v3;
	v53 =	vmul.f32 v48, v50;
	v49 =	vmul.f32 v22, v37  }
0x11f: {  	vm4 =	vlt.f32 v51, $1.000000020e-24;
	v22 =	vld [tilespmem:s21+$0x10];
	v59 =	vmul.f32 v16, v16;
	v3 =	vmul.f32 v18, v18;
	v54, _, _ =	vpop (xrf2)  }
0x120: {  	v52 =	vld [tilespmem:s20+$0xFFFFFE00];
	v57 =	vsub.f32 $1.500000000e+00, v53;
	v51 =	vsel vm4, $0x5368D4A5, v49;
	v32 =	vbroadcast v54, $0xF  }
0x121: {  	v56 =	vld [tilespmem:s20+$0xFFFFFE10];
	v28 =	vadd.f32 v28, v23;
	v42 =	vmul.f32 v9, v9;
	v55 =	vmul.f32 v51, v6  }
0x122: {  	v45 =	vld [tilespmem:s20+$0xFFFFFE30];
	v33 =	vadd.f32 v59, v58;
	v30 =	vmul.f32 v48, v57;
	v7 =	vmul.f32 v51, v7  }
0x123: {  	v8 =	vld [tilespmem:s21+$0x20];
	v4 =	vmul.f32 v51, v4;
	v61 =	vshra.s32 v32, $0x1;
	v62 =	vmul.f32 $5.000000000e-01, v32  }
0x124: {  	v60 =	vmul.f32 v22, v22;
	v36 =	vsub.s32 $0x5F3759DF, v61;
	v38 =	vmul.f32 v30, v46  }
0x125: {  	v5 =	vmul.f32 v51, v5;
	v21 =	vsub.f32 v55, v52;
	v39 =	vmul.f32 v36, v62  }
0x126: {  	v6 =	vld [tilespmem:s21+$0x40];
	v7 =	vsub.f32 v7, v56;
	v63 =	vadd.f32 v60, v3;
	v23 =	vmul.f32 v38, v30  }
0x127: {  	v4 =	vsub.f32 v4, v40;
	v5 =	vsub.f32 v5, v45;
	v3 =	vld [tilespmem:s21+$0x50];
	v29 =	vmul.f32 v36, v39  }
0x128: {  	v41 =	vmul.f32 v8, v8;
	v33 =	vadd.f32 v63, v33;
	v23 =	vsub.f32 $1.500000000e+00, v23  }
0x129: {  	v21 =	vmul.f32 v21, v21;
	v7 =	vmul.f32 v7, v7;
	v29 =	vsub.f32 $1.500000000e+00, v29  }
0x12a: {  	v48 =	vld [tilespmem:s20+$0xFFFFFE90];
	v4 =	vmul.f32 v4, v4;
	(xrf2) =	vadd.scan.msk.f32 $0xffff, v33;
	v23 =	vmul.f32 v23, v30  }
0x12b: {  	vm5 =	vlt.f32 v26, $1.000000020e-24;
	v46 =	vld [tilespmem:s20+$0xFFFFFE80];
	v5 =	vmul.f32 v5, v5;
	v29 =	vmul.f32 v36, v29  }
0x12c: {  	v49 =	vld [tilespmem:s20+$0xFFFFFEA0];
	v43 =	vmul.f32 v6, v6;
	v44 =	vmul.f32 v3, v3;
	v23 =	vsel vm5, $0x5368D4A5, v23  }
0x12d: {  	v51 =	vld [tilespmem:s20+$0xFFFFFEB0];
	v24 =	vadd.f32 v42, v41;
	v50 =	vmul.f32 v29, v62;
	v53 =	vmul.f32 v23, v13  }
0x12e: {  	v21 =	vadd.f32 v7, v21;
	v47 =	vadd.f32 v44, v43;
	v12 =	vmul.f32 v23, v12  }
0x12f: {  	s12 =	sadd.s32 $0xFFFFFE80, s19;
	v54 =	vmul.f32 v23, v17;
	v52 =	vmul.f32 v50, v29;
	v7 =	vsub.f32 v53, v48  }
0x130: {  	s6 =	sor.u32 $0x50, s12;
	v55 =	vmul.f32 v23, v20;
	v17 =	vld [tilespmem:s21+$0x60];
	v24 =	vadd.f32 v47, v24;
	v12 =	vsub.f32 v12, v46  }
0x131: {  	s13 =	sor.u32 $0x60, s12;
	v13 =	vsub.f32 v54, v49;
	v56 =	vsub.f32 $1.500000000e+00, v52;
	v63 =	vmul.f32 v7, v7;
	v7 =	vld [tilespmem:s6+$0x2100]  }
0x132: {  	s5 =	sor.u32 $0x70, s12;
	v4 =	vadd.f32 v5, v4;
	v60 =	vsub.f32 v55, v51;
	v62 =	vmul.f32 v12, v12;
	v12 =	vld [tilespmem:s13+$0x2100]  }
0x133: {  	(xrf2) =	vadd.scan.msk.f32 $0xffff, v24;
	v38 =	vmul.f32 v13, v13;
	v13 =	vld [tilespmem:s5+$0x2100];
	v20 =	vmul.f32 v56, v29  }
0x134: {  	vm6 =	vlt.f32 v32, $1.000000020e-24;
	v4 =	vadd.f32 v4, v21;
	v27 =	vmul.f32 v60, v60;
	v59, _, _ =	vpop (xrf2)  }
0x135: {  	v43 =	vmul.f32 v17, v17;
	v26 =	vbroadcast v59, $0xF;
	v20 =	vsel vm6, $0x5368D4A5, v20  }
0x136: {  	v30 =	vadd.f32 v63, v62;
	v5 =	vmul.f32 v20, v10;
	v11 =	vmul.f32 v20, v11  }
0x137: {  	v58 =	vld [tilespmem:s20+$0xFFFFFF10];
	v27 =	vadd.f32 v27, v38;
	v44 =	vmul.f32 v7, v7;
	v45 =	vmul.f32 v12, v12  }
0x138: {  	v57 =	vld [tilespmem:s20+$0xFFFFFF00];
	v46 =	vmul.f32 v13, v13;
	v36 =	vshra.s32 v26, $0x1;
	v37 =	vmul.f32 $5.000000000e-01, v26  }
0x139: {  	v61 =	vld [tilespmem:s20+$0xFFFFFF20];
	v14 =	vmul.f32 v20, v14;
	v15 =	vmul.f32 v20, v15;
	v39 =	vsub.s32 $0x5F3759DF, v36  }
0x13a: {  	v41 =	vld [tilespmem:s20+$0xFFFFFF30];
	v20 =	vadd.f32 v44, v43;
	v49 =	vadd.f32 v46, v45;
	v40 =	vmul.f32 v39, v37  }
0x13b: {  	v53 =	vbroadcast v2, $0x5;
	v27 =	vadd.f32 v27, v30  }
0x13c: {  	v4 =	vmul.f32 v4, v35;
	v23 =	vadd.f32 v49, v20;
	v10 =	vmul.f32 v39, v40  }
0x13d: {  	v27 =	vmul.f32 v27, v53;
	v5 =	vsub.f32 v5, v57;
	v11 =	vsub.f32 v11, v58;
	v42, _, _ =	vpop (xrf2)  }
0x13e: {  	v14 =	vsub.f32 v14, v61;
	v33 =	vbroadcast v42, $0xF;
	(xrf2) =	vadd.scan.msk.f32 $0xffff, v23;
	v10 =	vsub.f32 $1.500000000e+00, v10  }
0x13f: {  	v21 =	vld [tilespmem:s21+$0xB0];
	v15 =	vsub.f32 v15, v41;
	v5 =	vmul.f32 v5, v5;
	v11 =	vmul.f32 v11, v11  }
0x140: {  	v24 =	vld [tilespmem:s21+$0xD0];
	v47 =	vshra.s32 v33, $0x1;
	v48 =	vmul.f32 $5.000000000e-01, v33;
	v10 =	vmul.f32 v39, v10  }
0x141: {  	v20 =	vld [tilespmem:s21+$0xA0];
	v14 =	vmul.f32 v14, v14;
	v15 =	vmul.f32 v15, v15;
	v50 =	vsub.s32 $0x5F3759DF, v47  }
0x142: {  	s22 =	sadd.s32 $0xFFFFFF00, s19;
	v23 =	vld [tilespmem:s21+$0xC0];
	v31 =	vmul.f32 v50, v48;
	v51 =	vmul.f32 v10, v37  }
0x143: {  	s23 =	sor.u32 $0x50, s22;
	v57 =	vbroadcast v2, $0x6;
	v5 =	vadd.f32 v11, v5;
	v54 =	vadd.f32 v15, v14  }
0x144: {  	v25 =	vadd.f32 v25, v28;
	v14 =	vld [tilespmem:s23+$0x2100];
	v31 =	vmul.f32 v50, v31;
	v52 =	vmul.f32 v51, v10  }
0x145: {  	v61 =	vmul.f32 v21, v21;
	v36 =	vmul.f32 v24, v24;
	v5 =	vadd.f32 v54, v5  }
0x146: {  	v60 =	vmul.f32 v20, v20;
	v56 =	vsub.f32 $1.500000000e+00, v31;
	v55 =	vsub.f32 $1.500000000e+00, v52  }
0x147: {  	vm7 =	vlt.f32 v26, $1.000000020e-24;
	v28 =	vmul.f32 v5, v57;
	v63 =	vmul.f32 v23, v23  }
0x148: {  	v62 =	vld [tilespmem:s20+$0xFFFFFFA0];
	v5 =	vadd.f32 v61, v60;
	v15 =	vmul.f32 v50, v56;
	v42, _, _ =	vpop (xrf2);
	v10 =	vmul.f32 v55, v10  }
0x149: {  	v58 =	vld [tilespmem:s20+$0xFFFFFF80];
	v38 =	vadd.f32 v36, v63;
	v51 =	vmul.f32 v14, v14;
	v29 =	vbroadcast v42, $0xF  }
0x14a: {  	v59 =	vld [tilespmem:s20+$0xFFFFFF90];
	v55 =	vbroadcast v2, $0x7;
	v34 =	vmul.f32 v15, v48;
	v10 =	vsel vm7, $0x5368D4A5, v10  }
0x14b: {  	v4 =	vadd.f32 v4, v25;
	v37 =	vld [tilespmem:s20+$0xFFFFFFB0];
	v45 =	vmul.f32 $5.000000000e-01, v29;
	v19 =	vmul.f32 v10, v19  }
0x14c: {  	v5 =	vadd.f32 v38, v5;
	v39 =	vmul.f32 v10, v16;
	v40 =	vmul.f32 v34, v15  }
0x14d: {  	v44 =	vshra.s32 v29, $0x1;
	v18 =	vmul.f32 v10, v18;
	v10 =	vmul.f32 v10, v22  }
0x14e: {  	(xrf2) =	vadd.scan.msk.f32 $0xffff, v5;
	v46 =	vsub.s32 $0x5F3759DF, v44;
	v34 =	vbroadcast v2, $0x8;
	v19 =	vsub.f32 v19, v58  }
0x14f: {  	s5 =	sor.u32 $0x70, s22;
	v11 =	vld [tilespmem:s21+$0xE0];
	v48 =	vmul.f32 v46, v45;
	v43 =	vsub.f32 v39, v59;
	v16 =	vsub.f32 $1.500000000e+00, v40  }
0x150: {  	v18 =	vsub.f32 v18, v62;
	v25 =	vsub.f32 v10, v37;
	v10 =	vld [tilespmem:s5+$0x2100];
	v19 =	vmul.f32 v19, v19  }
0x151: {  	v41 =	vld [tilespmem:s20+$0x0];
	v27 =	vadd.f32 v27, v4;
	v5 =	vmul.f32 v16, v15;
	v26 =	vmul.f32 v43, v43  }
0x152: {  	s24 =	sor.u32 $0x60, s22;
	vm8 =	vlt.f32 v33, $1.000000020e-24;
	v47 =	vld [tilespmem:s20+$0x10];
	v18 =	vmul.f32 v18, v18;
	v4 =	vmul.f32 v25, v25  }
0x153: {  	v50 =	vmul.f32 v46, v48;
	v15 =	vld [tilespmem:s24+$0x2100];
	v5 =	vsel vm8, $0x5368D4A5, v5;
	v19 =	vadd.f32 v26, v19  }
0x154: {  	v49 =	vld [tilespmem:s20+$0x20];
	v18 =	vadd.f32 v4, v18;
	v4 =	vmul.f32 v11, v11;
	v8 =	vmul.f32 v5, v8  }
0x155: {  	v52 =	vld [tilespmem:s20+$0x30];
	v26 =	vsub.f32 $1.500000000e+00, v50;
	v9 =	vmul.f32 v5, v9;
	v54 =	vmul.f32 v10, v10  }
0x156: {  	v33 =	vadd.f32 v28, v27;
	v6 =	vmul.f32 v5, v6;
	v3 =	vmul.f32 v5, v3  }
0x157: {  	v4 =	vadd.f32 v51, v4;
	v26 =	vmul.f32 v46, v26;
	v18 =	vadd.f32 v18, v19  }
0x158: {  	v8 =	vsub.f32 v8, v41;
	v53 =	vmul.f32 v15, v15;
	v9 =	vsub.f32 v9, v47;
	v5, _, _ =	vpop (xrf2)  }
0x159: {  	v25 =	vsub.f32 v6, v49;
	v57 =	vbroadcast v5, $0xF;
	v16 =	vmul.f32 v26, v45  }
0x15a: {  	v6 =	vld [tilespmem:s21+$0x120];
	v5 =	vsub.f32 v3, v52;
	v8 =	vmul.f32 v8, v8;
	v9 =	vmul.f32 v9, v9  }
0x15b: {  	v3 =	vld [tilespmem:s21+$0x130];
	v56 =	vadd.f32 v54, v53;
	v58 =	vmul.f32 v25, v25;
	v16 =	vmul.f32 v16, v26  }
0x15c: {  	v59 =	vshra.s32 v57, $0x1;
	v60 =	vmul.f32 $5.000000000e-01, v57;
	v61 =	vmul.f32 v5, v5;
	v5 =	vld [tilespmem:s21+$0x150]  }
0x15d: {  	v4 =	vadd.f32 v56, v4;
	v25 =	vsub.s32 $0x5F3759DF, v59;
	v16 =	vsub.f32 $1.500000000e+00, v16  }
0x15e: {  	v42 =	vld [tilespmem:s20+$0xA0];
	v8 =	vadd.f32 v9, v8;
	v62 =	vmul.f32 v25, v60;
	v63 =	vadd.f32 v61, v58  }
0x15f: {  	vm9 =	vlt.f32 v29, $1.000000020e-24;
	v37 =	vld [tilespmem:s20+$0x80];
	v18 =	vmul.f32 v18, v55;
	(xrf2) =	vadd.scan.msk.f32 $0xffff, v4;
	v16 =	vmul.f32 v16, v26  }
0x160: {  	v35 =	vmul.f32 v6, v6;
	v4 =	vld [tilespmem:s21+$0x140];
	v9 =	vmul.f32 v25, v62;
	v8 =	vadd.f32 v63, v8  }
0x161: {  	v40 =	vld [tilespmem:s20+$0x90];
	v36 =	vmul.f32 v3, v3;
	v39 =	vmul.f32 v5, v5;
	v16 =	vsel vm9, $0x5368D4A5, v16  }
0x162: {  	v45 =	vld [tilespmem:s20+$0xB0];
	v9 =	vsub.f32 $1.500000000e+00, v9;
	v8 =	vmul.f32 v8, v34;
	v17 =	vmul.f32 v16, v17  }
0x163: {  	v18 =	vadd.f32 v18, v33;
	v7 =	vmul.f32 v16, v7;
	v12 =	vmul.f32 v16, v12  }
0x164: {  	v19 =	vadd.f32 v36, v35;
	v13 =	vmul.f32 v16, v13;
	v9 =	vmul.f32 v25, v9  }
0x165: {  	s25 =	sadd.s32 $0xFFFFFF80, s19;
	v38 =	vmul.f32 v4, v4;
	v25 =	vadd.f32 v8, v18;
	v17 =	vsub.f32 v17, v37  }
0x166: {  	s26 =	sor.u32 $0x50, s25;
	v48 =	vld [tilespmem:s20+$0x100];
	v27 =	vsub.f32 v7, v40;
	v12 =	vsub.f32 v12, v42;
	v43 =	vmul.f32 v9, v60  }
0x167: {  	v8 =	vld [tilespmem:s26+$0x2100];
	v13 =	vsub.f32 v13, v45;
	v41 =	vadd.f32 v39, v38;
	v17 =	vmul.f32 v17, v17  }
0x168: {  	s5 =	sor.u32 $0x70, s25;
	v7 =	vld [tilespmem:s21+$0x160];
	v27 =	vmul.f32 v27, v27;
	v47 =	vmul.f32 v43, v9  }
0x169: {  	v56 =	vmul.f32 v12, v12;
	v13 =	vmul.f32 v13, v13;
	v12 =	vld [tilespmem:s5+$0x2100];
	v46 =	vadd.f32 v41, v19;
	v44, _, _ =	vpop (xrf2)  }
0x16a: {  	v18 =	vld [tilespmem:s21+$0x1A0];
	v31 =	vbroadcast v44, $0xF;
	v52 =	vsub.f32 $1.500000000e+00, v47  }
0x16b: {  	v49 =	vld [tilespmem:s20+$0x110];
	vm10 =	vlt.f32 v57, $1.000000020e-24;
	v17 =	vadd.f32 v27, v17;
	v29 =	vadd.f32 v13, v56;
	(xrf2) =	vadd.scan.msk.f32 $0xffff, v46  }
0x16c: {  	s28 =	sor.u32 $0x60, s25;
	v53 =	vld [tilespmem:s20+$0x120];
	v50 =	vshra.s32 v31, $0x1;
	v51 =	vmul.f32 $5.000000000e-01, v31;
	v16 =	vmul.f32 v52, v9  }
0x16d: {  	v62 =	vmul.f32 v8, v8;
	v61 =	vmul.f32 v7, v7;
	v9 =	vld [tilespmem:s28+$0x2100];
	v54 =	vsub.s32 $0x5F3759DF, v50  }
0x16e: {  	v13 =	vld [tilespmem:s21+$0x1C0];
	v40 =	vmul.f32 v12, v12;
	v55 =	vmul.f32 v54, v51;
	v16 =	vsel vm10, $0x5368D4A5, v16  }
0x16f: {  	v29 =	vadd.f32 v29, v17;
	v52 =	vmul.f32 v18, v18;
	v20 =	vmul.f32 v16, v20  }
0x170: {  	v57 =	vld [tilespmem:s20+$0x130];
	v42 =	vadd.f32 v62, v61;
	v58 =	vmul.f32 v16, v21;
	v28 =	vmul.f32 v54, v55  }
0x171: {  	vm11 =	vlt.f32 v31, $1.000000020e-24;
	v59 =	vmul.f32 v16, v23;
	v16 =	vmul.f32 v16, v24  }
0x172: {  	v17 =	vld [tilespmem:s21+$0x1E0];
	v22 =	vsub.f32 v20, v48;
	v39 =	vmul.f32 v9, v9;
	v28 =	vsub.f32 $1.500000000e+00, v28  }
0x173: {  	v55 =	vmul.f32 v13, v13;
	v60 =	vsub.f32 v58, v49;
	v21 =	vsub.f32 v59, v53  }
0x174: {  	v26 =	vadd.f32 v40, v39;
	v22 =	vmul.f32 v22, v22;
	v19 =	vmul.f32 v54, v28  }
0x175: {  	v27 =	vsub.f32 v16, v57;
	v16 =	vld [tilespmem:s21+$0x1D0];
	v23 =	vmul.f32 v60, v60;
	v49 =	vmul.f32 v21, v21;
	v38, _, _ =	vpop (xrf2)  }
0x176: {  	v20 =	vld [tilespmem:s21+$0x1B0];
	v30 =	vbroadcast v38, $0xF;
	v26 =	vadd.f32 v26, v42;
	v41 =	vmul.f32 v19, v51  }
0x177: {  	s30 =	sor.u32 $0x60, s19;
	v27 =	vmul.f32 v27, v27;
	v60 =	vmul.f32 v17, v17;
	v23 =	vadd.f32 v23, v22  }
0x178: {  	v21 =	vld [tilespmem:s30+$0x2100];
	v44 =	vshra.s32 v30, $0x1;
	v45 =	vmul.f32 $5.000000000e-01, v30;
	(xrf2) =	vadd.scan.msk.f32 $0xffff, v26;
	v43 =	vmul.f32 v41, v19  }
0x179: {  	v27 =	vadd.f32 v27, v49;
	v49 =	vbroadcast v2, $0xA;
	v46 =	vsub.s32 $0x5F3759DF, v44  }
0x17a: {  	s31 =	sor.u32 $0x70, s19;
	v63 =	vld [tilespmem:s20+$0x180];
	v56 =	vmul.f32 v16, v16;
	v48 =	vmul.f32 v46, v45;
	v28 =	vsub.f32 $1.500000000e+00, v43  }
0x17b: {  	s29 =	sor.u32 $0x50, s19;
	v22 =	vld [tilespmem:s31+$0x2100];
	v53 =	vmul.f32 v20, v20;
	v23 =	vadd.f32 v27, v23;
	v41 =	vbroadcast v2, $0x9  }
0x17c: {  	v58 =	vadd.f32 v56, v55;
	v51 =	vmul.f32 v46, v48;
	v50 =	vmul.f32 v28, v19;
	v19 =	vld [tilespmem:s29+$0x2100]  }
0x17d: {  	v62 =	vmul.f32 v21, v21;
	v23 =	vmul.f32 v23, v49;
	v28 =	vadd.f32 v53, v52  }
0x17e: {  	v47 =	vld [tilespmem:s20+$0x190];
	v29 =	vmul.f32 v29, v41;
	v26 =	vsub.f32 $1.500000000e+00, v51;
	v54 =	vsel vm11, $0x5368D4A5, v50  }
0x17f: {  	v57 =	vld [tilespmem:s20+$0x1A0];
	v28 =	vadd.f32 v58, v28;
	v11 =	vmul.f32 v54, v11;
	v14 =	vmul.f32 v54, v14  }
0x180: {  	v15 =	vmul.f32 v54, v15;
	v26 =	vmul.f32 v46, v26  }
0x181: {  	v59 =	vld [tilespmem:s20+$0x1B0];
	(xrf2) =	vadd.scan.msk.f32 $0xffff, v28;
	v11 =	vsub.f32 v11, v63;
	v61 =	vmul.f32 v19, v19;
	v63 =	vmul.f32 v22, v22  }
0x182: {  	v10 =	vmul.f32 v54, v10;
	v33 =	vmul.f32 v26, v45;
	v42, _, _ =	vpop (xrf2)  }
0x183: {  	v43 =	vbroadcast v42, $0xF;
	v40 =	vadd.f32 v61, v60;
	v32 =	vadd.f32 v63, v62  }
0x184: {  	v14 =	vsub.f32 v14, v47;
	v15 =	vsub.f32 v15, v57;
	v33 =	vmul.f32 v33, v26  }
0x185: {  	v44 =	vshra.s32 v43, $0x1;
	v34 =	vmul.f32 $5.000000000e-01, v43;
	v28 =	vadd.f32 v32, v40  }
0x186: {  	v10 =	vsub.f32 v10, v59;
	v11 =	vmul.f32 v11, v11;
	v32 =	vsub.s32 $0x5F3759DF, v44  }
0x187: {  	v14 =	vmul.f32 v14, v14;
	v45 =	vsub.f32 $1.500000000e+00, v33;
	v46 =	vmul.f32 v32, v34;
	(xrf2) =	vadd.scan.msk.f32 $0xffff, v28  }
0x188: {  	v15 =	vmul.f32 v15, v15;
	v10 =	vmul.f32 v10, v10  }
0x189: {  	vm12 =	vlt.f32 v30, $1.000000020e-24;
	v47 =	vmul.f32 v45, v26;
	v27 =	vmul.f32 v32, v46  }
0x18a: {  	v41 =	vbroadcast v2, $0xC;
	v48 =	vld [tilespmem:s20+$0x200];
	v50 =	vbroadcast v2, $0xB;
	v11 =	vadd.f32 v14, v11  }
0x18b: {  	v52 =	vld [tilespmem:s20+$0x210];
	v10 =	vadd.f32 v10, v15;
	v14 =	vsel vm12, $0x5368D4A5, v47;
	v51, _, _ =	vpop (xrf2);
	v27 =	vsub.f32 $1.500000000e+00, v27  }
0x18c: {  	v25 =	vadd.f32 v29, v25;
	v53 =	vld [tilespmem:s20+$0x220];
	v6 =	vmul.f32 v14, v6;
	v28 =	vbroadcast v51, $0xF  }
0x18d: {  	v54 =	vld [tilespmem:s20+$0x230];
	v10 =	vadd.f32 v10, v11;
	v3 =	vmul.f32 v14, v3;
	v27 =	vmul.f32 v32, v27  }
0x18e: {  	v4 =	vmul.f32 v14, v4;
	v55 =	vshra.s32 v28, $0x1;
	v56 =	vmul.f32 $5.000000000e-01, v28  }
0x18f: {  	v6 =	vsub.f32 v6, v48;
	v57 =	vmul.f32 v27, v34;
	v29 =	vsub.s32 $0x5F3759DF, v55  }
0x190: {  	v5 =	vmul.f32 v14, v5;
	v3 =	vsub.f32 v3, v52;
	v58 =	vmul.f32 v29, v56  }
0x191: {  	v4 =	vsub.f32 v4, v53;
	v6 =	vmul.f32 v6, v6;
	v60 =	vmul.f32 v57, v27;
	v59, _, _ =	vpop (xrf2)  }
0x192: {  	v5 =	vsub.f32 v5, v54;
	v62 =	vmul.f32 v29, v58;
	v61 =	vbroadcast v59, $0xF  }
0x193: {  	v3 =	vmul.f32 v3, v3;
	v4 =	vmul.f32 v4, v4;
	v11 =	vsub.f32 $1.500000000e+00, v60  }
0x194: {  	v15 =	vsub.f32 $1.500000000e+00, v62;
	v63 =	vshra.s32 v61, $0x1;
	v31 =	vmul.f32 $5.000000000e-01, v61  }
0x195: {  	v33 =	vld [tilespmem:s20+$0x280];
	v5 =	vmul.f32 v5, v5;
	v11 =	vmul.f32 v11, v27;
	v26 =	vsub.s32 $0x5F3759DF, v63  }
0x196: {  	vm13 =	vlt.f32 v43, $1.000000020e-24;
	v34 =	vld [tilespmem:s20+$0x290];
	v15 =	vmul.f32 v29, v15;
	v32 =	vmul.f32 v26, v31  }
0x197: {  	v36 =	vld [tilespmem:s20+$0x2A0];
	v10 =	vmul.f32 v10, v50;
	v3 =	vadd.f32 v3, v6;
	v4 =	vadd.f32 v5, v4  }
0x198: {  	v38 =	vld [tilespmem:s20+$0x2B0];
	v5 =	vsel vm13, $0x5368D4A5, v11;
	v37 =	vmul.f32 v15, v56;
	v35 =	vmul.f32 v26, v32  }
0x199: {  	v3 =	vadd.f32 v4, v3;
	v7 =	vmul.f32 v5, v7;
	v4 =	vmul.f32 v5, v8  }
0x19a: {  	v9 =	vmul.f32 v5, v9;
	v39 =	vmul.f32 v37, v15;
	v24 =	vsub.f32 $1.500000000e+00, v35  }
0x19b: {  	v5 =	vmul.f32 v5, v12;
	v7 =	vsub.f32 v7, v33;
	v4 =	vsub.f32 v4, v34  }
0x19c: {  	v9 =	vsub.f32 v9, v36;
	v40 =	vsub.f32 $1.500000000e+00, v39;
	v24 =	vmul.f32 v26, v24  }
0x19d: {  	v42 =	vld [tilespmem:s20+$0x300];
	v5 =	vsub.f32 v5, v38;
	v7 =	vmul.f32 v7, v7;
	v4 =	vmul.f32 v4, v4  }
0x19e: {  	v23 =	vadd.f32 v23, v25;
	v44 =	vld [tilespmem:s20+$0x310];
	v6 =	vmul.f32 v40, v15;
	v43 =	vmul.f32 v24, v31  }
0x19f: {  	v45 =	vld [tilespmem:s20+$0x320];
	vm14 =	vlt.f32 v28, $1.000000020e-24;
	v9 =	vmul.f32 v9, v9;
	v5 =	vmul.f32 v5, v5  }
0x1a0: {  	v10 =	vadd.f32 v10, v23;
	v6 =	vsel vm14, $0x5368D4A5, v6;
	v12 =	vmul.f32 v43, v24  }
0x1a1: {  	v46 =	vld [tilespmem:s20+$0x330];
	v4 =	vadd.f32 v4, v7;
	v5 =	vadd.f32 v5, v9;
	v18 =	vmul.f32 v6, v18  }
0x1a2: {  	v47 =	vld [tilespmem:s20+$0x380];
	v20 =	vmul.f32 v6, v20;
	v13 =	vmul.f32 v6, v13;
	v12 =	vsub.f32 $1.500000000e+00, v12  }
0x1a3: {  	v51 =	vld [tilespmem:s20+$0x390];
	v58 =	vbroadcast v2, $0xD;
	v4 =	vadd.f32 v5, v4;
	v48 =	vsub.f32 v18, v42  }
0x1a4: {  	v52 =	vld [tilespmem:s20+$0x3A0];
	v49 =	vsub.f32 v20, v44;
	v5 =	vsub.f32 v13, v45;
	v50 =	vmul.f32 v12, v24  }
0x1a5: {  	v53 =	vld [tilespmem:s20+$0x3B0];
	vm15 =	vlt.f32 v61, $1.000000020e-24;
	v6 =	vmul.f32 v6, v16;
	v8 =	vmul.f32 v48, v48  }
0x1a6: {  	v9 =	vmul.f32 v49, v49;
	v5 =	vmul.f32 v5, v5;
	v11 =	vsel vm15, $0x5368D4A5, v50  }
0x1a7: {  	v6 =	vsub.f32 v6, v46;
	v54 =	vmul.f32 v11, v17;
	v55 =	vmul.f32 v11, v19  }
0x1a8: {  	v8 =	vadd.f32 v9, v8;
	v56 =	vmul.f32 v11, v21;
	v11 =	vmul.f32 v11, v22  }
0x1a9: {  	v6 =	vmul.f32 v6, v6;
	v7 =	vsub.f32 v54, v47;
	v9 =	vsub.f32 v55, v51  }
0x1aa: {  	v3 =	vmul.f32 v3, v41;
	v57 =	vsub.f32 v56, v52;
	v11 =	vsub.f32 v11, v53  }
0x1ab: {  	v5 =	vadd.f32 v6, v5;
	v59 =	vmul.f32 v7, v7;
	v60 =	vmul.f32 v9, v9  }
0x1ac: {  	v61 =	vmul.f32 v57, v57;
	v11 =	vmul.f32 v11, v11  }
0x1ad: {  	v62 =	vbroadcast v2, $0xE;
	v3 =	vadd.f32 v3, v10;
	v5 =	vadd.f32 v5, v8  }
0x1ae: {  	v4 =	vmul.f32 v4, v58;
	v6 =	vadd.f32 v60, v59;
	v63 =	vadd.f32 v11, v61  }
0x1af: {  	v2 =	vbroadcast v2, $0xF  }
0x1b0: {  	v3 =	vadd.f32 v4, v3;
	v4 =	vmul.f32 v5, v62;
	v5 =	vadd.f32 v63, v6  }
0x1b1: {  	p0 =	sne.s32 s18, $0x1F0  }
.Ltmp2:
0x1b2: {  	v3 =	vadd.f32 v4, v3;
	v2 =	vmul.f32 v5, v2;
	(pc) =	sbr.rel @p0 .LBB2_6-.Ltmp2, $4  }
0x1b3: {  	_ = 	snop  }
0x1b4: {  	v3 =	vadd.f32 v2, v3  }
0x1b5: {  	s19 =	sadd.s32 $0x400, s19  }
0x1b6: {  	s18 =	sadd.s32 $0x10, s18;
	s21 =	sadd.s32 $0x400, s21;
	s20 =	sadd.s32 $0x800, s20;
	[tilespmem:$0x1A100] =	vst v3  }
0x1b7: {  	s14 =	sadd.s32 $0x1, s14  }
0x1b8: {  	p0 =	sne.s32 s14, s10  }
.Ltmp3:
0x1b9: {  	s5 =	rddreg [dreg:$0x8];
	s6 =	simm.s32 $0x1A100;
	(pc) =	sbr.rel @p0 .LBB2_1-.Ltmp3, $4  }
0x1ba: {  	[hbm4b:s5+s3] =	stream.linear.scatter [tilespmem:s6], [sflag:$0x4], $0x80, $0x38;
	[tilespmem:$0x1B9F0] =	vst v63  }
0x1bb: {  	_ =	swait.ge [sflag:s11], $0x80  }
0x1bc: {  	[sflag:s11] =	ssyncset.done $0x0  }
0x1bd: {  	[sflag:s11] =	ssyncadd.s32 $0xFFFFFF80  }
0x1be: {  	_ =	sfence.sel $0x180000  }
0x1bf: {  	[bflag:$0x0] =	sbarrier.arrive $0xFFFF  }
0x1c0: {  	_ =	strace $0x90000047  }
0x1c1: {  	s0 =	stileid.u32;
	[bflag:$0x2] =	sbarrier.arrive $0xFFFF  }
0x1c2: {  	p0 =	sne.s32 s0, $0x0;
	s0 =	rddreg [dreg:$0x3]  }
0x1c3: {  	s0 =	sadd.s32 @!p0 $0x100000, s0  }
0x1c4: {  	[sflag:s0] =	ssyncadd.tile.s32 @!p0 $0x1;
	_ =	shalt  }
.Lfunc_end2:
_tile_overlayer_lowered:
.L_overlay_start_2:
0x1c5: {  	(tag) =	ssettag $0x2  }
0x1c6: {  	s0 =	rddreg [dreg:$0x0];
	s2 =	stileid.u32  }
0x1c7: {  	s1 =	rddreg [dreg:$0x1];
	p0 =	sne.s32 s2, $0x0  }
0x1c8: {  	s3 =	rddreg [dreg:$0x2];
	[bflag:$0x3] =	sbarrier.arrive $0xFFFF;
	s2 =	simm.s32 @!p0 $0x1C04  }
0x1c9: {  	[timem:s3], [sflag:s2] =	dma.local @!p0 [hbm:s0], s1  }
0x1ca: {  	s0 =	simm.s32 @!p0 $0x4  }
0x1cb: {  	_ =	swait.ge @!p0 [sflag:s0], s1  }
0x1cc: {  	s1 =	ssub.s32 @!p0 $0x0, s1;
	[sflag:s0] =	ssyncset.done @!p0 $0x0  }
0x1cd: {  	[sflag:s0] =	ssyncadd.s32 @!p0 s1  }
0x1ce: {  	[bflag:$0x3] =	sbarrier.arrive $0xFFFF  }
0x1cf: {  	_ =	shalt  }

</sc_bundles>
